<compile_context>
chip_gen: v7x
topology: tpu7x:2x2x1
jax: 0.10.2.dev20260603
libtpu: 0.0.44.dev20260713+nightly
codegen_flags: <defaults>
</compile_context>

<pallas_src>
import functools

import jax
import jax.numpy as jnp
from jax import lax
from jax.experimental import pallas as pl
from jax.experimental.pallas import tpu as pltpu
from jax.experimental.pallas import tpu_sc as plsc

N = 10000
E = 320000
D_IN = 128
D_OUT = 2 * D_IN

NC = 2
NS = 16
EPT = E // NS
CH = 80
NITER = EPT // CH
CW = 16
L = 16

N_PAD = 10240
HALF = N_PAD // NC
ACC_ROWS = HALF + 8
ROWS_PT = HALF // NS
DR = 80
NDR = ROWS_PT // DR

_mesh = plsc.VectorSubcoreMesh(core_axis_name="c", subcore_axis_name="s")


@functools.partial(
    pl.kernel,
    mesh=_mesh,
    out_type=jax.ShapeDtypeStruct((N_PAD, D_IN), jnp.float32),
    scratch_types=[
        pltpu.VMEM((CH,), jnp.int32),
        pltpu.VMEM((CH,), jnp.int32),
        pltpu.VMEM((CH, D_IN), jnp.float32),
        pltpu.VMEM((CH, CW), jnp.float32),
        pltpu.VMEM((DR, D_IN), jnp.float32),
        pltpu.VMEM((DR, CW), jnp.float32),
        pltpu.VMEM_SHARED((ACC_ROWS, D_IN), jnp.float32),
        pltpu.VMEM_SHARED((ACC_ROWS, CW), jnp.float32),
        pltpu.SemaphoreType.DMA,
    ],
)
def _sc_aggregate(src_hbm, dst_hbm, x_hbm, zrows_hbm,
                  out_hbm,
                  src_v, dst_v, rows_v, ones_v, drain_v, cdrain_v,
                  acc_sh, cnt_sh, sem):
    c = lax.axis_index("c")
    s = lax.axis_index("s")
    row0 = s * ROWS_PT
    lo = c * HALF

    one16 = jnp.ones((L,), jnp.float32)
    zero16 = jnp.zeros((L,), jnp.float32)

    for r in range(CH):
        ones_v[r, :] = one16
    for r in range(DR):
        cdrain_v[r, :] = zero16

    pltpu.sync_copy(zrows_hbm, drain_v)
    for k in range(NDR):
        pltpu.sync_copy(drain_v, acc_sh.at[pl.ds(row0 + k * DR, DR)])
        pltpu.sync_copy(cdrain_v, cnt_sh.at[pl.ds(row0 + k * DR, DR)])
    plsc.subcore_barrier()

    def body(i, carry):
        base = s * EPT + i * CH
        pltpu.sync_copy(src_hbm.at[pl.ds(base, CH)], src_v)
        pltpu.sync_copy(dst_hbm.at[pl.ds(base, CH)], dst_v)
        pltpu.async_copy(x_hbm.at[src_v], rows_v, sem).wait()
        for j in range(CH // L):
            d = dst_v[pl.ds(j * L, L)]
            t = d - lo
            ok = (t >= 0) & (t < HALF)
            dst_v[pl.ds(j * L, L)] = jnp.where(ok, t, HALF)
        pltpu.sync_copy(rows_v, acc_sh.at[dst_v], add=True)
        pltpu.sync_copy(ones_v, cnt_sh.at[dst_v], add=True)
        return carry

    lax.fori_loop(0, NITER, body, 0)
    plsc.subcore_barrier()

    out_base = c * HALF + row0
    for k in range(NDR):
        pltpu.sync_copy(acc_sh.at[pl.ds(row0 + k * DR, DR)], drain_v)
        pltpu.sync_copy(cnt_sh.at[pl.ds(row0 + k * DR, DR)], cdrain_v)

        def div_row(r, carry):
            inv = 1.0 / jnp.maximum(cdrain_v[r, :], 1.0)
            for j in range(D_IN // L):
                drain_v[r, pl.ds(j * L, L)] = drain_v[r, pl.ds(j * L, L)] * inv
            return carry

        lax.fori_loop(0, DR, div_row, 0)
        pltpu.sync_copy(drain_v, out_hbm.at[pl.ds(out_base + k * DR, DR)])


_TB = 640
_NB = N_PAD // _TB


def _tc_update(agg_ref, x_ref, wl_ref, bl_ref, wr_ref, out_ref):
    h = (jnp.dot(agg_ref[...], wl_ref[...], preferred_element_type=jnp.float32)
         + bl_ref[...]
         + jnp.dot(x_ref[...], wr_ref[...], preferred_element_type=jnp.float32))
    out_ref[...] = 0.5 * h * (1.0 + lax.erf(h * 0.7071067811865476))


def kernel(x, edge_index, W_l, b_l, W_r):
    src = edge_index[0]
    dst = edge_index[1]
    zrows = jnp.zeros((DR, D_IN), dtype=jnp.float32)

    agg = _sc_aggregate(src, dst, x, zrows)

    x_pad = jnp.pad(x, ((0, N_PAD - N), (0, 0)))
    h = pl.pallas_call(
        _tc_update,
        grid=(_NB,),
        in_specs=[
            pl.BlockSpec((_TB, D_IN), lambda i: (i, 0)),
            pl.BlockSpec((_TB, D_IN), lambda i: (i, 0)),
            pl.BlockSpec((D_IN, D_OUT), lambda i: (0, 0)),
            pl.BlockSpec((1, D_OUT), lambda i: (0, 0)),
            pl.BlockSpec((D_IN, D_OUT), lambda i: (0, 0)),
        ],
        out_specs=pl.BlockSpec((_TB, D_OUT), lambda i: (i, 0)),
        out_shape=jax.ShapeDtypeStruct((N_PAD, D_OUT), jnp.float32),
    )(agg, x_pad, W_l, b_l.reshape(1, D_OUT), W_r)
    return h[:N].reshape(-1)

# --- scband reference (transcript-rebuilt; emitter-appended) ---
"""Pipeline reference for scband-graph-module-75007308857530 (READ-ONLY COPY).

The authoritative reference and input builder live on the scoring server;
editing this copy changes nothing except your own understanding.
"""

import jax, jax.numpy as jnp
import numpy as np

N = 10000
E = 320000
D_IN = 128
D_OUT = 2 * D_IN  # SAGEConv(in_channels, in_channels * 2)


def setup_inputs(seed: int = 0) -> dict:
    key = jax.random.key(seed)
    k1, k2, k3, k4, k5 = jax.random.split(key, 5)
    x = jax.random.normal(k1, (N, D_IN), dtype=jnp.float32)
    edge_index = jax.random.randint(k2, (2, E), 0, N, dtype=jnp.int32)
    # SAGEConv parameters: lin_l applied to mean-aggregated neighbors (has bias),
    # lin_r applied to root/self features (no bias), PyG defaults.
    scale = 1.0 / np.sqrt(D_IN)
    W_l = jax.random.uniform(k3, (D_IN, D_OUT), dtype=jnp.float32, minval=-scale, maxval=scale)
    b_l = jax.random.uniform(k4, (D_OUT,), dtype=jnp.float32, minval=-scale, maxval=scale)
    W_r = jax.random.uniform(k5, (D_IN, D_OUT), dtype=jnp.float32, minval=-scale, maxval=scale)
    return {"x": x, "edge_index": edge_index, "W_l": W_l, "b_l": b_l, "W_r": W_r}


def reference(x, edge_index, W_l, b_l, W_r):
    src = edge_index[0]
    dst = edge_index[1]
    # message: gather source-node features along each edge
    msgs = jnp.take(x, src, axis=0)
    # aggregate: mean over incoming edges per destination node (scatter-add + count)
    agg_sum = jax.ops.segment_sum(msgs, dst, num_segments=N)
    counts = jax.ops.segment_sum(jnp.ones((E,), dtype=x.dtype), dst, num_segments=N)
    agg = agg_sum / jnp.clip(counts, 1.0, None)[:, None]
    # SAGEConv update: lin_l(agg) + lin_r(x)
    h = agg @ W_l + b_l + x @ W_r
    h = jax.nn.gelu(h, approximate=False)  # torch F.gelu default = exact erf
    # the per-row torch.cat loop concatenates all rows into a single flat vector
    out = h.reshape(-1)
    return out

if __name__ == "__main__":
    import jax
    _d = setup_inputs()
    print(jax.jit(kernel)(*tuple(_d.values())))

</pallas_src>

<mosaic_0001>
#map = affine_map<(d0, d1) -> (0)>
#map1 = affine_map<(d0, d1) -> (0, 0)>
module attributes {stable_mosaic.version = 14 : i64} {
  func.func @_sc_aggregate(%arg0: i32, %arg1: i32, %arg2: memref<320000xi32, #tpu.memory_space<hbm>>, %arg3: memref<320000xi32, #tpu.memory_space<hbm>>, %arg4: memref<10000x128xf32, #tpu.memory_space<hbm>>, %arg5: memref<80x128xf32, #tpu.memory_space<hbm>>, %arg6: memref<10240x128xf32, #tpu.memory_space<hbm>>, %arg7: memref<80xi32, #tpu.memory_space<vmem>>, %arg8: memref<80xi32, #tpu.memory_space<vmem>>, %arg9: memref<80x128xf32, #tpu.memory_space<vmem>>, %arg10: memref<80x16xf32, #tpu.memory_space<vmem>>, %arg11: memref<80x128xf32, #tpu.memory_space<vmem>>, %arg12: memref<80x16xf32, #tpu.memory_space<vmem>>, %arg13: memref<5128x128xf32, #tpu.memory_space<vmem_shared>>, %arg14: memref<5128x16xf32, #tpu.memory_space<vmem_shared>>, %arg15: memref<!tpu.dma_semaphore, #tpu.memory_space<semaphore_mem>>) attributes {dimension_semantics = [#tpu.dimension_semantics<core_parallel>, #tpu.dimension_semantics<subcore_parallel>], iteration_bounds = array<i64: 2, 16>, scalar_prefetch = 0 : i64, scratch_operands = 9 : i64, tpu.core_type = #tpu.core_type<sc_vector_subcore>, window_params = [{transform_indices = #map}, {transform_indices = #map}, {transform_indices = #map1}, {transform_indices = #map1}, {transform_indices = #map1}]} {
    %mul3A = arith.constant 320 : i32
    %mul3A_0 = arith.muli %arg1, %mul3A : i32
    %mul3A_1 = arith.constant 5120 : i32
    %mul3A_2 = arith.muli %arg0, %mul3A_1 : i32
    %broadcast_in_dim3A = arith.constant 1.000000e+00 : f32
    %broadcast_in_dim3A_3 = vector.broadcast %broadcast_in_dim3A : f32 to vector<16xf32>
    %broadcast_in_dim3A_4 = arith.constant 0.000000e+00 : f32
    %broadcast_in_dim3A_5 = vector.broadcast %broadcast_in_dim3A_4 : f32 to vector<16xf32>
    %swap3A = arith.constant 0 : i32
    %swap3A_6 = arith.index_cast %swap3A : i32 to index
    %swap3A_7 = arith.constant 0 : index
    %swap3A_8 = tpu.vector_load %arg10[%swap3A_6, %swap3A_7] {strides = array<i32>} : memref<80x16xf32, #tpu.memory_space<vmem>>, vector<1x16xf32>,
    %swap3A_9 = vector.shape_cast %swap3A_8 : vector<1x16xf32> to vector<16xf32>
    %swap3A_10 = vector.shape_cast %broadcast_in_dim3A_3 : vector<16xf32> to vector<1x16xf32>
    tpu.vector_store %arg10[%swap3A_6, %swap3A_7], %swap3A_10 {strides = array<i32>} : memref<80x16xf32, #tpu.memory_space<vmem>>, vector<1x16xf32>,
    %swap3A_11 = arith.constant 1 : i32
    %swap3A_12 = arith.index_cast %swap3A_11 : i32 to index
    %swap3A_13 = arith.constant 0 : index
    %swap3A_14 = tpu.vector_load %arg10[%swap3A_12, %swap3A_13] {strides = array<i32>} : memref<80x16xf32, #tpu.memory_space<vmem>>, vector<1x16xf32>,
    %swap3A_15 = vector.shape_cast %swap3A_14 : vector<1x16xf32> to vector<16xf32>
    %swap3A_16 = vector.shape_cast %broadcast_in_dim3A_3 : vector<16xf32> to vector<1x16xf32>
    tpu.vector_store %arg10[%swap3A_12, %swap3A_13], %swap3A_16 {strides = array<i32>} : memref<80x16xf32, #tpu.memory_space<vmem>>, vector<1x16xf32>,
    %swap3A_17 = arith.constant 2 : i32
    %swap3A_18 = arith.index_cast %swap3A_17 : i32 to index
    %swap3A_19 = arith.constant 0 : index
    %swap3A_20 = tpu.vector_load %arg10[%swap3A_18, %swap3A_19] {strides = array<i32>} : memref<80x16xf32, #tpu.memory_space<vmem>>, vector<1x16xf32>,
    %swap3A_21 = vector.shape_cast %swap3A_20 : vector<1x16xf32> to vector<16xf32>
    %swap3A_22 = vector.shape_cast %broadcast_in_dim3A_3 : vector<16xf32> to vector<1x16xf32>
    tpu.vector_store %arg10[%swap3A_18, %swap3A_19], %swap3A_22 {strides = array<i32>} : memref<80x16xf32, #tpu.memory_space<vmem>>, vector<1x16xf32>,
    %swap3A_23 = arith.constant 3 : i32
    %swap3A_24 = arith.index_cast %swap3A_23 : i32 to index
    %swap3A_25 = arith.constant 0 : index
    %swap3A_26 = tpu.vector_load %arg10[%swap3A_24, %swap3A_25] {strides = array<i32>} : memref<80x16xf32, #tpu.memory_space<vmem>>, vector<1x16xf32>,
    %swap3A_27 = vector.shape_cast %swap3A_26 : vector<1x16xf32> to vector<16xf32>
    %swap3A_28 = vector.shape_cast %broadcast_in_dim3A_3 : vector<16xf32> to vector<1x16xf32>
    tpu.vector_store %arg10[%swap3A_24, %swap3A_25], %swap3A_28 {strides = array<i32>} : memref<80x16xf32, #tpu.memory_space<vmem>>, vector<1x16xf32>,
    %swap3A_29 = arith.constant 4 : i32
    %swap3A_30 = arith.index_cast %swap3A_29 : i32 to index
    %swap3A_31 = arith.constant 0 : index
    %swap3A_32 = tpu.vector_load %arg10[%swap3A_30, %swap3A_31] {strides = array<i32>} : memref<80x16xf32, #tpu.memory_space<vmem>>, vector<1x16xf32>,
    %swap3A_33 = vector.shape_cast %swap3A_32 : vector<1x16xf32> to vector<16xf32>
    %swap3A_34 = vector.shape_cast %broadcast_in_dim3A_3 : vector<16xf32> to vector<1x16xf32>
    tpu.vector_store %arg10[%swap3A_30, %swap3A_31], %swap3A_34 {strides = array<i32>} : memref<80x16xf32, #tpu.memory_space<vmem>>, vector<1x16xf32>,
    %swap3A_35 = arith.constant 5 : i32
    %swap3A_36 = arith.index_cast %swap3A_35 : i32 to index
    %swap3A_37 = arith.constant 0 : index
    %swap3A_38 = tpu.vector_load %arg10[%swap3A_36, %swap3A_37] {strides = array<i32>} : memref<80x16xf32, #tpu.memory_space<vmem>>, vector<1x16xf32>,
    %swap3A_39 = vector.shape_cast %swap3A_38 : vector<1x16xf32> to vector<16xf32>
    %swap3A_40 = vector.shape_cast %broadcast_in_dim3A_3 : vector<16xf32> to vector<1x16xf32>
    tpu.vector_store %arg10[%swap3A_36, %swap3A_37], %swap3A_40 {strides = array<i32>} : memref<80x16xf32, #tpu.memory_space<vmem>>, vector<1x16xf32>,
    %swap3A_41 = arith.constant 6 : i32
    %swap3A_42 = arith.index_cast %swap3A_41 : i32 to index
    %swap3A_43 = arith.constant 0 : index
    %swap3A_44 = tpu.vector_load %arg10[%swap3A_42, %swap3A_43] {strides = array<i32>} : memref<80x16xf32, #tpu.memory_space<vmem>>, vector<1x16xf32>,
    %swap3A_45 = vector.shape_cast %swap3A_44 : vector<1x16xf32> to vector<16xf32>
    %swap3A_46 = vector.shape_cast %broadcast_in_dim3A_3 : vector<16xf32> to vector<1x16xf32>
    tpu.vector_store %arg10[%swap3A_42, %swap3A_43], %swap3A_46 {strides = array<i32>} : memref<80x16xf32, #tpu.memory_space<vmem>>, vector<1x16xf32>,
    %swap3A_47 = arith.constant 7 : i32
    %swap3A_48 = arith.index_cast %swap3A_47 : i32 to index
    %swap3A_49 = arith.constant 0 : index
    %swap3A_50 = tpu.vector_load %arg10[%swap3A_48, %swap3A_49] {strides = array<i32>} : memref<80x16xf32, #tpu.memory_space<vmem>>, vector<1x16xf32>,
    %swap3A_51 = vector.shape_cast %swap3A_50 : vector<1x16xf32> to vector<16xf32>
    %swap3A_52 = vector.shape_cast %broadcast_in_dim3A_3 : vector<16xf32> to vector<1x16xf32>
    tpu.vector_store %arg10[%swap3A_48, %swap3A_49], %swap3A_52 {strides = array<i32>} : memref<80x16xf32, #tpu.memory_space<vmem>>, vector<1x16xf32>,
    %swap3A_53 = arith.constant 8 : i32
    %swap3A_54 = arith.index_cast %swap3A_53 : i32 to index
    %swap3A_55 = arith.constant 0 : index
    %swap3A_56 = tpu.vector_load %arg10[%swap3A_54, %swap3A_55] {strides = array<i32>} : memref<80x16xf32, #tpu.memory_space<vmem>>, vector<1x16xf32>,
    %swap3A_57 = vector.shape_cast %swap3A_56 : vector<1x16xf32> to vector<16xf32>
    %swap3A_58 = vector.shape_cast %broadcast_in_dim3A_3 : vector<16xf32> to vector<1x16xf32>
    tpu.vector_store %arg10[%swap3A_54, %swap3A_55], %swap3A_58 {strides = array<i32>} : memref<80x16xf32, #tpu.memory_space<vmem>>, vector<1x16xf32>,
    %swap3A_59 = arith.constant 9 : i32
    %swap3A_60 = arith.index_cast %swap3A_59 : i32 to index
    %swap3A_61 = arith.constant 0 : index
    %swap3A_62 = tpu.vector_load %arg10[%swap3A_60, %swap3A_61] {strides = array<i32>} : memref<80x16xf32, #tpu.memory_space<vmem>>, vector<1x16xf32>,
    %swap3A_63 = vector.shape_cast %swap3A_62 : vector<1x16xf32> to vector<16xf32>
    %swap3A_64 = vector.shape_cast %broadcast_in_dim3A_3 : vector<16xf32> to vector<1x16xf32>
    tpu.vector_store %arg10[%swap3A_60, %swap3A_61], %swap3A_64 {strides = array<i32>} : memref<80x16xf32, #tpu.memory_space<vmem>>, vector<1x16xf32>,
    %swap3A_65 = arith.constant 10 : i32
    %swap3A_66 = arith.index_cast %swap3A_65 : i32 to index
    %swap3A_67 = arith.constant 0 : index
    %swap3A_68 = tpu.vector_load %arg10[%swap3A_66, %swap3A_67] {strides = array<i32>} : memref<80x16xf32, #tpu.memory_space<vmem>>, vector<1x16xf32>,
    %swap3A_69 = vector.shape_cast %swap3A_68 : vector<1x16xf32> to vector<16xf32>
    %swap3A_70 = vector.shape_cast %broadcast_in_dim3A_3 : vector<16xf32> to vector<1x16xf32>
    tpu.vector_store %arg10[%swap3A_66, %swap3A_67], %swap3A_70 {strides = array<i32>} : memref<80x16xf32, #tpu.memory_space<vmem>>, vector<1x16xf32>,
    %swap3A_71 = arith.constant 11 : i32
    %swap3A_72 = arith.index_cast %swap3A_71 : i32 to index
    %swap3A_73 = arith.constant 0 : index
    %swap3A_74 = tpu.vector_load %arg10[%swap3A_72, %swap3A_73] {strides = array<i32>} : memref<80x16xf32, #tpu.memory_space<vmem>>, vector<1x16xf32>,
    %swap3A_75 = vector.shape_cast %swap3A_74 : vector<1x16xf32> to vector<16xf32>
    %swap3A_76 = vector.shape_cast %broadcast_in_dim3A_3 : vector<16xf32> to vector<1x16xf32>
    tpu.vector_store %arg10[%swap3A_72, %swap3A_73], %swap3A_76 {strides = array<i32>} : memref<80x16xf32, #tpu.memory_space<vmem>>, vector<1x16xf32>,
    %swap3A_77 = arith.constant 12 : i32
    %swap3A_78 = arith.index_cast %swap3A_77 : i32 to index
    %swap3A_79 = arith.constant 0 : index
    %swap3A_80 = tpu.vector_load %arg10[%swap3A_78, %swap3A_79] {strides = array<i32>} : memref<80x16xf32, #tpu.memory_space<vmem>>, vector<1x16xf32>,
    %swap3A_81 = vector.shape_cast %swap3A_80 : vector<1x16xf32> to vector<16xf32>
    %swap3A_82 = vector.shape_cast %broadcast_in_dim3A_3 : vector<16xf32> to vector<1x16xf32>
    tpu.vector_store %arg10[%swap3A_78, %swap3A_79], %swap3A_82 {strides = array<i32>} : memref<80x16xf32, #tpu.memory_space<vmem>>, vector<1x16xf32>,
    %swap3A_83 = arith.constant 13 : i32
    %swap3A_84 = arith.index_cast %swap3A_83 : i32 to index
    %swap3A_85 = arith.constant 0 : index
    %swap3A_86 = tpu.vector_load %arg10[%swap3A_84, %swap3A_85] {strides = array<i32>} : memref<80x16xf32, #tpu.memory_space<vmem>>, vector<1x16xf32>,
    %swap3A_87 = vector.shape_cast %swap3A_86 : vector<1x16xf32> to vector<16xf32>
    %swap3A_88 = vector.shape_cast %broadcast_in_dim3A_3 : vector<16xf32> to vector<1x16xf32>
    tpu.vector_store %arg10[%swap3A_84, %swap3A_85], %swap3A_88 {strides = array<i32>} : memref<80x16xf32, #tpu.memory_space<vmem>>, vector<1x16xf32>,
    %swap3A_89 = arith.constant 14 : i32
    %swap3A_90 = arith.index_cast %swap3A_89 : i32 to index
    %swap3A_91 = arith.constant 0 : index
    %swap3A_92 = tpu.vector_load %arg10[%swap3A_90, %swap3A_91] {strides = array<i32>} : memref<80x16xf32, #tpu.memory_space<vmem>>, vector<1x16xf32>,
    %swap3A_93 = vector.shape_cast %swap3A_92 : vector<1x16xf32> to vector<16xf32>
    %swap3A_94 = vector.shape_cast %broadcast_in_dim3A_3 : vector<16xf32> to vector<1x16xf32>
    tpu.vector_store %arg10[%swap3A_90, %swap3A_91], %swap3A_94 {strides = array<i32>} : memref<80x16xf32, #tpu.memory_space<vmem>>, vector<1x16xf32>,
    %swap3A_95 = arith.constant 15 : i32
    %swap3A_96 = arith.index_cast %swap3A_95 : i32 to index
    %swap3A_97 = arith.constant 0 : index
    %swap3A_98 = tpu.vector_load %arg10[%swap3A_96, %swap3A_97] {strides = array<i32>} : memref<80x16xf32, #tpu.memory_space<vmem>>, vector<1x16xf32>,
    %swap3A_99 = vector.shape_cast %swap3A_98 : vector<1x16xf32> to vector<16xf32>
    %swap3A_100 = vector.shape_cast %broadcast_in_dim3A_3 : vector<16xf32> to vector<1x16xf32>
    tpu.vector_store %arg10[%swap3A_96, %swap3A_97], %swap3A_100 {strides = array<i32>} : memref<80x16xf32, #tpu.memory_space<vmem>>, vector<1x16xf32>,
    %swap3A_101 = arith.constant 16 : i32
    %swap3A_102 = arith.index_cast %swap3A_101 : i32 to index
    %swap3A_103 = arith.constant 0 : index
    %swap3A_104 = tpu.vector_load %arg10[%swap3A_102, %swap3A_103] {strides = array<i32>} : memref<80x16xf32, #tpu.memory_space<vmem>>, vector<1x16xf32>,
    %swap3A_105 = vector.shape_cast %swap3A_104 : vector<1x16xf32> to vector<16xf32>
    %swap3A_106 = vector.shape_cast %broadcast_in_dim3A_3 : vector<16xf32> to vector<1x16xf32>
    tpu.vector_store %arg10[%swap3A_102, %swap3A_103], %swap3A_106 {strides = array<i32>} : memref<80x16xf32, #tpu.memory_space<vmem>>, vector<1x16xf32>,
    %swap3A_107 = arith.constant 17 : i32
    %swap3A_108 = arith.index_cast %swap3A_107 : i32 to index
    %swap3A_109 = arith.constant 0 : index
    %swap3A_110 = tpu.vector_load %arg10[%swap3A_108, %swap3A_109] {strides = array<i32>} : memref<80x16xf32, #tpu.memory_space<vmem>>, vector<1x16xf32>,
    %swap3A_111 = vector.shape_cast %swap3A_110 : vector<1x16xf32> to vector<16xf32>
    %swap3A_112 = vector.shape_cast %broadcast_in_dim3A_3 : vector<16xf32> to vector<1x16xf32>
    tpu.vector_store %arg10[%swap3A_108, %swap3A_109], %swap3A_112 {strides = array<i32>} : memref<80x16xf32, #tpu.memory_space<vmem>>, vector<1x16xf32>,
    %swap3A_113 = arith.constant 18 : i32
    %swap3A_114 = arith.index_cast %swap3A_113 : i32 to index
    %swap3A_115 = arith.constant 0 : index
    %swap3A_116 = tpu.vector_load %arg10[%swap3A_114, %swap3A_115] {strides = array<i32>} : memref<80x16xf32, #tpu.memory_space<vmem>>, vector<1x16xf32>,
    %swap3A_117 = vector.shape_cast %swap3A_116 : vector<1x16xf32> to vector<16xf32>
    %swap3A_118 = vector.shape_cast %broadcast_in_dim3A_3 : vector<16xf32> to vector<1x16xf32>
    tpu.vector_store %arg10[%swap3A_114, %swap3A_115], %swap3A_118 {strides = array<i32>} : memref<80x16xf32, #tpu.memory_space<vmem>>, vector<1x16xf32>,
    %swap3A_119 = arith.constant 19 : i32
    %swap3A_120 = arith.index_cast %swap3A_119 : i32 to index
    %swap3A_121 = arith.constant 0 : index
    %swap3A_122 = tpu.vector_load %arg10[%swap3A_120, %swap3A_121] {strides = array<i32>} : memref<80x16xf32, #tpu.memory_space<vmem>>, vector<1x16xf32>,
    %swap3A_123 = vector.shape_cast %swap3A_122 : vector<1x16xf32> to vector<16xf32>
    %swap3A_124 = vector.shape_cast %broadcast_in_dim3A_3 : vector<16xf32> to vector<1x16xf32>
    tpu.vector_store %arg10[%swap3A_120, %swap3A_121], %swap3A_124 {strides = array<i32>} : memref<80x16xf32, #tpu.memory_space<vmem>>, vector<1x16xf32>,
    %swap3A_125 = arith.constant 20 : i32
    %swap3A_126 = arith.index_cast %swap3A_125 : i32 to index
    %swap3A_127 = arith.constant 0 : index
    %swap3A_128 = tpu.vector_load %arg10[%swap3A_126, %swap3A_127] {strides = array<i32>} : memref<80x16xf32, #tpu.memory_space<vmem>>, vector<1x16xf32>,
    %swap3A_129 = vector.shape_cast %swap3A_128 : vector<1x16xf32> to vector<16xf32>
    %swap3A_130 = vector.shape_cast %broadcast_in_dim3A_3 : vector<16xf32> to vector<1x16xf32>
    tpu.vector_store %arg10[%swap3A_126, %swap3A_127], %swap3A_130 {strides = array<i32>} : memref<80x16xf32, #tpu.memory_space<vmem>>, vector<1x16xf32>,
    %swap3A_131 = arith.constant 21 : i32
    %swap3A_132 = arith.index_cast %swap3A_131 : i32 to index
    %swap3A_133 = arith.constant 0 : index
    %swap3A_134 = tpu.vector_load %arg10[%swap3A_132, %swap3A_133] {strides = array<i32>} : memref<80x16xf32, #tpu.memory_space<vmem>>, vector<1x16xf32>,
    %swap3A_135 = vector.shape_cast %swap3A_134 : vector<1x16xf32> to vector<16xf32>
    %swap3A_136 = vector.shape_cast %broadcast_in_dim3A_3 : vector<16xf32> to vector<1x16xf32>
    tpu.vector_store %arg10[%swap3A_132, %swap3A_133], %swap3A_136 {strides = array<i32>} : memref<80x16xf32, #tpu.memory_space<vmem>>, vector<1x16xf32>,
    %swap3A_137 = arith.constant 22 : i32
    %swap3A_138 = arith.index_cast %swap3A_137 : i32 to index
    %swap3A_139 = arith.constant 0 : index
    %swap3A_140 = tpu.vector_load %arg10[%swap3A_138, %swap3A_139] {strides = array<i32>} : memref<80x16xf32, #tpu.memory_space<vmem>>, vector<1x16xf32>,
    %swap3A_141 = vector.shape_cast %swap3A_140 : vector<1x16xf32> to vector<16xf32>
    %swap3A_142 = vector.shape_cast %broadcast_in_dim3A_3 : vector<16xf32> to vector<1x16xf32>
    tpu.vector_store %arg10[%swap3A_138, %swap3A_139], %swap3A_142 {strides = array<i32>} : memref<80x16xf32, #tpu.memory_space<vmem>>, vector<1x16xf32>,
    %swap3A_143 = arith.constant 23 : i32
    %swap3A_144 = arith.index_cast %swap3A_143 : i32 to index
    %swap3A_145 = arith.constant 0 : index
    %swap3A_146 = tpu.vector_load %arg10[%swap3A_144, %swap3A_145] {strides = array<i32>} : memref<80x16xf32, #tpu.memory_space<vmem>>, vector<1x16xf32>,
    %swap3A_147 = vector.shape_cast %swap3A_146 : vector<1x16xf32> to vector<16xf32>
    %swap3A_148 = vector.shape_cast %broadcast_in_dim3A_3 : vector<16xf32> to vector<1x16xf32>
    tpu.vector_store %arg10[%swap3A_144, %swap3A_145], %swap3A_148 {strides = array<i32>} : memref<80x16xf32, #tpu.memory_space<vmem>>, vector<1x16xf32>,
    %swap3A_149 = arith.constant 24 : i32
    %swap3A_150 = arith.index_cast %swap3A_149 : i32 to index
    %swap3A_151 = arith.constant 0 : index
    %swap3A_152 = tpu.vector_load %arg10[%swap3A_150, %swap3A_151] {strides = array<i32>} : memref<80x16xf32, #tpu.memory_space<vmem>>, vector<1x16xf32>,
    %swap3A_153 = vector.shape_cast %swap3A_152 : vector<1x16xf32> to vector<16xf32>
    %swap3A_154 = vector.shape_cast %broadcast_in_dim3A_3 : vector<16xf32> to vector<1x16xf32>
    tpu.vector_store %arg10[%swap3A_150, %swap3A_151], %swap3A_154 {strides = array<i32>} : memref<80x16xf32, #tpu.memory_space<vmem>>, vector<1x16xf32>,
    %swap3A_155 = arith.constant 25 : i32
    %swap3A_156 = arith.index_cast %swap3A_155 : i32 to index
    %swap3A_157 = arith.constant 0 : index
    %swap3A_158 = tpu.vector_load %arg10[%swap3A_156, %swap3A_157] {strides = array<i32>} : memref<80x16xf32, #tpu.memory_space<vmem>>, vector<1x16xf32>,
    %swap3A_159 = vector.shape_cast %swap3A_158 : vector<1x16xf32> to vector<16xf32>
    %swap3A_160 = vector.shape_cast %broadcast_in_dim3A_3 : vector<16xf32> to vector<1x16xf32>
    tpu.vector_store %arg10[%swap3A_156, %swap3A_157], %swap3A_160 {strides = array<i32>} : memref<80x16xf32, #tpu.memory_space<vmem>>, vector<1x16xf32>,
    %swap3A_161 = arith.constant 26 : i32
    %swap3A_162 = arith.index_cast %swap3A_161 : i32 to index
    %swap3A_163 = arith.constant 0 : index
    %swap3A_164 = tpu.vector_load %arg10[%swap3A_162, %swap3A_163] {strides = array<i32>} : memref<80x16xf32, #tpu.memory_space<vmem>>, vector<1x16xf32>,
    %swap3A_165 = vector.shape_cast %swap3A_164 : vector<1x16xf32> to vector<16xf32>
    %swap3A_166 = vector.shape_cast %broadcast_in_dim3A_3 : vector<16xf32> to vector<1x16xf32>
    tpu.vector_store %arg10[%swap3A_162, %swap3A_163], %swap3A_166 {strides = array<i32>} : memref<80x16xf32, #tpu.memory_space<vmem>>, vector<1x16xf32>,
    %swap3A_167 = arith.constant 27 : i32
    %swap3A_168 = arith.index_cast %swap3A_167 : i32 to index
    %swap3A_169 = arith.constant 0 : index
    %swap3A_170 = tpu.vector_load %arg10[%swap3A_168, %swap3A_169] {strides = array<i32>} : memref<80x16xf32, #tpu.memory_space<vmem>>, vector<1x16xf32>,
    %swap3A_171 = vector.shape_cast %swap3A_170 : vector<1x16xf32> to vector<16xf32>
    %swap3A_172 = vector.shape_cast %broadcast_in_dim3A_3 : vector<16xf32> to vector<1x16xf32>
    tpu.vector_store %arg10[%swap3A_168, %swap3A_169], %swap3A_172 {strides = array<i32>} : memref<80x16xf32, #tpu.memory_space<vmem>>, vector<1x16xf32>,
    %swap3A_173 = arith.constant 28 : i32
    %swap3A_174 = arith.index_cast %swap3A_173 : i32 to index
    %swap3A_175 = arith.constant 0 : index
    %swap3A_176 = tpu.vector_load %arg10[%swap3A_174, %swap3A_175] {strides = array<i32>} : memref<80x16xf32, #tpu.memory_space<vmem>>, vector<1x16xf32>,
    %swap3A_177 = vector.shape_cast %swap3A_176 : vector<1x16xf32> to vector<16xf32>
    %swap3A_178 = vector.shape_cast %broadcast_in_dim3A_3 : vector<16xf32> to vector<1x16xf32>
    tpu.vector_store %arg10[%swap3A_174, %swap3A_175], %swap3A_178 {strides = array<i32>} : memref<80x16xf32, #tpu.memory_space<vmem>>, vector<1x16xf32>,
    %swap3A_179 = arith.constant 29 : i32
    %swap3A_180 = arith.index_cast %swap3A_179 : i32 to index
    %swap3A_181 = arith.constant 0 : index
    %swap3A_182 = tpu.vector_load %arg10[%swap3A_180, %swap3A_181] {strides = array<i32>} : memref<80x16xf32, #tpu.memory_space<vmem>>, vector<1x16xf32>,
    %swap3A_183 = vector.shape_cast %swap3A_182 : vector<1x16xf32> to vector<16xf32>
    %swap3A_184 = vector.shape_cast %broadcast_in_dim3A_3 : vector<16xf32> to vector<1x16xf32>
    tpu.vector_store %arg10[%swap3A_180, %swap3A_181], %swap3A_184 {strides = array<i32>} : memref<80x16xf32, #tpu.memory_space<vmem>>, vector<1x16xf32>,
    %swap3A_185 = arith.constant 30 : i32
    %swap3A_186 = arith.index_cast %swap3A_185 : i32 to index
    %swap3A_187 = arith.constant 0 : index
    %swap3A_188 = tpu.vector_load %arg10[%swap3A_186, %swap3A_187] {strides = array<i32>} : memref<80x16xf32, #tpu.memory_space<vmem>>, vector<1x16xf32>,
    %swap3A_189 = vector.shape_cast %swap3A_188 : vector<1x16xf32> to vector<16xf32>
    %swap3A_190 = vector.shape_cast %broadcast_in_dim3A_3 : vector<16xf32> to vector<1x16xf32>
    tpu.vector_store %arg10[%swap3A_186, %swap3A_187], %swap3A_190 {strides = array<i32>} : memref<80x16xf32, #tpu.memory_space<vmem>>, vector<1x16xf32>,
    %swap3A_191 = arith.constant 31 : i32
    %swap3A_192 = arith.index_cast %swap3A_191 : i32 to index
    %swap3A_193 = arith.constant 0 : index
    %swap3A_194 = tpu.vector_load %arg10[%swap3A_192, %swap3A_193] {strides = array<i32>} : memref<80x16xf32, #tpu.memory_space<vmem>>, vector<1x16xf32>,
    %swap3A_195 = vector.shape_cast %swap3A_194 : vector<1x16xf32> to vector<16xf32>
    %swap3A_196 = vector.shape_cast %broadcast_in_dim3A_3 : vector<16xf32> to vector<1x16xf32>
    tpu.vector_store %arg10[%swap3A_192, %swap3A_193], %swap3A_196 {strides = array<i32>} : memref<80x16xf32, #tpu.memory_space<vmem>>, vector<1x16xf32>,
    %swap3A_197 = arith.constant 32 : i32
    %swap3A_198 = arith.index_cast %swap3A_197 : i32 to index
    %swap3A_199 = arith.constant 0 : index
    %swap3A_200 = tpu.vector_load %arg10[%swap3A_198, %swap3A_199] {strides = array<i32>} : memref<80x16xf32, #tpu.memory_space<vmem>>, vector<1x16xf32>,
    %swap3A_201 = vector.shape_cast %swap3A_200 : vector<1x16xf32> to vector<16xf32>
    %swap3A_202 = vector.shape_cast %broadcast_in_dim3A_3 : vector<16xf32> to vector<1x16xf32>
    tpu.vector_store %arg10[%swap3A_198, %swap3A_199], %swap3A_202 {strides = array<i32>} : memref<80x16xf32, #tpu.memory_space<vmem>>, vector<1x16xf32>,
    %swap3A_203 = arith.constant 33 : i32
    %swap3A_204 = arith.index_cast %swap3A_203 : i32 to index
    %swap3A_205 = arith.constant 0 : index
    %swap3A_206 = tpu.vector_load %arg10[%swap3A_204, %swap3A_205] {strides = array<i32>} : memref<80x16xf32, #tpu.memory_space<vmem>>, vector<1x16xf32>,
    %swap3A_207 = vector.shape_cast %swap3A_206 : vector<1x16xf32> to vector<16xf32>
    %swap3A_208 = vector.shape_cast %broadcast_in_dim3A_3 : vector<16xf32> to vector<1x16xf32>
    tpu.vector_store %arg10[%swap3A_204, %swap3A_205], %swap3A_208 {strides = array<i32>} : memref<80x16xf32, #tpu.memory_space<vmem>>, vector<1x16xf32>,
    %swap3A_209 = arith.constant 34 : i32
    %swap3A_210 = arith.index_cast %swap3A_209 : i32 to index
    %swap3A_211 = arith.constant 0 : index
    %swap3A_212 = tpu.vector_load %arg10[%swap3A_210, %swap3A_211] {strides = array<i32>} : memref<80x16xf32, #tpu.memory_space<vmem>>, vector<1x16xf32>,
    %swap3A_213 = vector.shape_cast %swap3A_212 : vector<1x16xf32> to vector<16xf32>
    %swap3A_214 = vector.shape_cast %broadcast_in_dim3A_3 : vector<16xf32> to vector<1x16xf32>
    tpu.vector_store %arg10[%swap3A_210, %swap3A_211], %swap3A_214 {strides = array<i32>} : memref<80x16xf32, #tpu.memory_space<vmem>>, vector<1x16xf32>,
    %swap3A_215 = arith.constant 35 : i32
    %swap3A_216 = arith.index_cast %swap3A_215 : i32 to index
    %swap3A_217 = arith.constant 0 : index
    %swap3A_218 = tpu.vector_load %arg10[%swap3A_216, %swap3A_217] {strides = array<i32>} : memref<80x16xf32, #tpu.memory_space<vmem>>, vector<1x16xf32>,
    %swap3A_219 = vector.shape_cast %swap3A_218 : vector<1x16xf32> to vector<16xf32>
    %swap3A_220 = vector.shape_cast %broadcast_in_dim3A_3 : vector<16xf32> to vector<1x16xf32>
    tpu.vector_store %arg10[%swap3A_216, %swap3A_217], %swap3A_220 {strides = array<i32>} : memref<80x16xf32, #tpu.memory_space<vmem>>, vector<1x16xf32>,
    %swap3A_221 = arith.constant 36 : i32
    %swap3A_222 = arith.index_cast %swap3A_221 : i32 to index
    %swap3A_223 = arith.constant 0 : index
    %swap3A_224 = tpu.vector_load %arg10[%swap3A_222, %swap3A_223] {strides = array<i32>} : memref<80x16xf32, #tpu.memory_space<vmem>>, vector<1x16xf32>,
    %swap3A_225 = vector.shape_cast %swap3A_224 : vector<1x16xf32> to vector<16xf32>
    %swap3A_226 = vector.shape_cast %broadcast_in_dim3A_3 : vector<16xf32> to vector<1x16xf32>
    tpu.vector_store %arg10[%swap3A_222, %swap3A_223], %swap3A_226 {strides = array<i32>} : memref<80x16xf32, #tpu.memory_space<vmem>>, vector<1x16xf32>,
    %swap3A_227 = arith.constant 37 : i32
    %swap3A_228 = arith.index_cast %swap3A_227 : i32 to index
    %swap3A_229 = arith.constant 0 : index
    %swap3A_230 = tpu.vector_load %arg10[%swap3A_228, %swap3A_229] {strides = array<i32>} : memref<80x16xf32, #tpu.memory_space<vmem>>, vector<1x16xf32>,
    %swap3A_231 = vector.shape_cast %swap3A_230 : vector<1x16xf32> to vector<16xf32>
    %swap3A_232 = vector.shape_cast %broadcast_in_dim3A_3 : vector<16xf32> to vector<1x16xf32>
    tpu.vector_store %arg10[%swap3A_228, %swap3A_229], %swap3A_232 {strides = array<i32>} : memref<80x16xf32, #tpu.memory_space<vmem>>, vector<1x16xf32>,
    %swap3A_233 = arith.constant 38 : i32
    %swap3A_234 = arith.index_cast %swap3A_233 : i32 to index
    %swap3A_235 = arith.constant 0 : index
    %swap3A_236 = tpu.vector_load %arg10[%swap3A_234, %swap3A_235] {strides = array<i32>} : memref<80x16xf32, #tpu.memory_space<vmem>>, vector<1x16xf32>,
    %swap3A_237 = vector.shape_cast %swap3A_236 : vector<1x16xf32> to vector<16xf32>
    %swap3A_238 = vector.shape_cast %broadcast_in_dim3A_3 : vector<16xf32> to vector<1x16xf32>
    tpu.vector_store %arg10[%swap3A_234, %swap3A_235], %swap3A_238 {strides = array<i32>} : memref<80x16xf32, #tpu.memory_space<vmem>>, vector<1x16xf32>,
    %swap3A_239 = arith.constant 39 : i32
    %swap3A_240 = arith.index_cast %swap3A_239 : i32 to index
    %swap3A_241 = arith.constant 0 : index
    %swap3A_242 = tpu.vector_load %arg10[%swap3A_240, %swap3A_241] {strides = array<i32>} : memref<80x16xf32, #tpu.memory_space<vmem>>, vector<1x16xf32>,
    %swap3A_243 = vector.shape_cast %swap3A_242 : vector<1x16xf32> to vector<16xf32>
    %swap3A_244 = vector.shape_cast %broadcast_in_dim3A_3 : vector<16xf32> to vector<1x16xf32>
    tpu.vector_store %arg10[%swap3A_240, %swap3A_241], %swap3A_244 {strides = array<i32>} : memref<80x16xf32, #tpu.memory_space<vmem>>, vector<1x16xf32>,
    %swap3A_245 = arith.constant 40 : i32
    %swap3A_246 = arith.index_cast %swap3A_245 : i32 to index
    %swap3A_247 = arith.constant 0 : index
    %swap3A_248 = tpu.vector_load %arg10[%swap3A_246, %swap3A_247] {strides = array<i32>} : memref<80x16xf32, #tpu.memory_space<vmem>>, vector<1x16xf32>,
    %swap3A_249 = vector.shape_cast %swap3A_248 : vector<1x16xf32> to vector<16xf32>
    %swap3A_250 = vector.shape_cast %broadcast_in_dim3A_3 : vector<16xf32> to vector<1x16xf32>
    tpu.vector_store %arg10[%swap3A_246, %swap3A_247], %swap3A_250 {strides = array<i32>} : memref<80x16xf32, #tpu.memory_space<vmem>>, vector<1x16xf32>,
    %swap3A_251 = arith.constant 41 : i32
    %swap3A_252 = arith.index_cast %swap3A_251 : i32 to index
    %swap3A_253 = arith.constant 0 : index
    %swap3A_254 = tpu.vector_load %arg10[%swap3A_252, %swap3A_253] {strides = array<i32>} : memref<80x16xf32, #tpu.memory_space<vmem>>, vector<1x16xf32>,
    %swap3A_255 = vector.shape_cast %swap3A_254 : vector<1x16xf32> to vector<16xf32>
    %swap3A_256 = vector.shape_cast %broadcast_in_dim3A_3 : vector<16xf32> to vector<1x16xf32>
    tpu.vector_store %arg10[%swap3A_252, %swap3A_253], %swap3A_256 {strides = array<i32>} : memref<80x16xf32, #tpu.memory_space<vmem>>, vector<1x16xf32>,
    %swap3A_257 = arith.constant 42 : i32
    %swap3A_258 = arith.index_cast %swap3A_257 : i32 to index
    %swap3A_259 = arith.constant 0 : index
    %swap3A_260 = tpu.vector_load %arg10[%swap3A_258, %swap3A_259] {strides = array<i32>} : memref<80x16xf32, #tpu.memory_space<vmem>>, vector<1x16xf32>,
    %swap3A_261 = vector.shape_cast %swap3A_260 : vector<1x16xf32> to vector<16xf32>
    %swap3A_262 = vector.shape_cast %broadcast_in_dim3A_3 : vector<16xf32> to vector<1x16xf32>
    tpu.vector_store %arg10[%swap3A_258, %swap3A_259], %swap3A_262 {strides = array<i32>} : memref<80x16xf32, #tpu.memory_space<vmem>>, vector<1x16xf32>,
    %swap3A_263 = arith.constant 43 : i32
    %swap3A_264 = arith.index_cast %swap3A_263 : i32 to index
    %swap3A_265 = arith.constant 0 : index
    %swap3A_266 = tpu.vector_load %arg10[%swap3A_264, %swap3A_265] {strides = array<i32>} : memref<80x16xf32, #tpu.memory_space<vmem>>, vector<1x16xf32>,
    %swap3A_267 = vector.shape_cast %swap3A_266 : vector<1x16xf32> to vector<16xf32>
    %swap3A_268 = vector.shape_cast %broadcast_in_dim3A_3 : vector<16xf32> to vector<1x16xf32>
    tpu.vector_store %arg10[%swap3A_264, %swap3A_265], %swap3A_268 {strides = array<i32>} : memref<80x16xf32, #tpu.memory_space<vmem>>, vector<1x16xf32>,
    %swap3A_269 = arith.constant 44 : i32
    %swap3A_270 = arith.index_cast %swap3A_269 : i32 to index
    %swap3A_271 = arith.constant 0 : index
    %swap3A_272 = tpu.vector_load %arg10[%swap3A_270, %swap3A_271] {strides = array<i32>} : memref<80x16xf32, #tpu.memory_space<vmem>>, vector<1x16xf32>,
    %swap3A_273 = vector.shape_cast %swap3A_272 : vector<1x16xf32> to vector<16xf32>
    %swap3A_274 = vector.shape_cast %broadcast_in_dim3A_3 : vector<16xf32> to vector<1x16xf32>
    tpu.vector_store %arg10[%swap3A_270, %swap3A_271], %swap3A_274 {strides = array<i32>} : memref<80x16xf32, #tpu.memory_space<vmem>>, vector<1x16xf32>,
    %swap3A_275 = arith.constant 45 : i32
    %swap3A_276 = arith.index_cast %swap3A_275 : i32 to index
    %swap3A_277 = arith.constant 0 : index
    %swap3A_278 = tpu.vector_load %arg10[%swap3A_276, %swap3A_277] {strides = array<i32>} : memref<80x16xf32, #tpu.memory_space<vmem>>, vector<1x16xf32>,
    %swap3A_279 = vector.shape_cast %swap3A_278 : vector<1x16xf32> to vector<16xf32>
    %swap3A_280 = vector.shape_cast %broadcast_in_dim3A_3 : vector<16xf32> to vector<1x16xf32>
    tpu.vector_store %arg10[%swap3A_276, %swap3A_277], %swap3A_280 {strides = array<i32>} : memref<80x16xf32, #tpu.memory_space<vmem>>, vector<1x16xf32>,
    %swap3A_281 = arith.constant 46 : i32
    %swap3A_282 = arith.index_cast %swap3A_281 : i32 to index
    %swap3A_283 = arith.constant 0 : index
    %swap3A_284 = tpu.vector_load %arg10[%swap3A_282, %swap3A_283] {strides = array<i32>} : memref<80x16xf32, #tpu.memory_space<vmem>>, vector<1x16xf32>,
    %swap3A_285 = vector.shape_cast %swap3A_284 : vector<1x16xf32> to vector<16xf32>
    %swap3A_286 = vector.shape_cast %broadcast_in_dim3A_3 : vector<16xf32> to vector<1x16xf32>
    tpu.vector_store %arg10[%swap3A_282, %swap3A_283], %swap3A_286 {strides = array<i32>} : memref<80x16xf32, #tpu.memory_space<vmem>>, vector<1x16xf32>,
    %swap3A_287 = arith.constant 47 : i32
    %swap3A_288 = arith.index_cast %swap3A_287 : i32 to index
    %swap3A_289 = arith.constant 0 : index
    %swap3A_290 = tpu.vector_load %arg10[%swap3A_288, %swap3A_289] {strides = array<i32>} : memref<80x16xf32, #tpu.memory_space<vmem>>, vector<1x16xf32>,
    %swap3A_291 = vector.shape_cast %swap3A_290 : vector<1x16xf32> to vector<16xf32>
    %swap3A_292 = vector.shape_cast %broadcast_in_dim3A_3 : vector<16xf32> to vector<1x16xf32>
    tpu.vector_store %arg10[%swap3A_288, %swap3A_289], %swap3A_292 {strides = array<i32>} : memref<80x16xf32, #tpu.memory_space<vmem>>, vector<1x16xf32>,
    %swap3A_293 = arith.constant 48 : i32
    %swap3A_294 = arith.index_cast %swap3A_293 : i32 to index
    %swap3A_295 = arith.constant 0 : index
    %swap3A_296 = tpu.vector_load %arg10[%swap3A_294, %swap3A_295] {strides = array<i32>} : memref<80x16xf32, #tpu.memory_space<vmem>>, vector<1x16xf32>,
    %swap3A_297 = vector.shape_cast %swap3A_296 : vector<1x16xf32> to vector<16xf32>
    %swap3A_298 = vector.shape_cast %broadcast_in_dim3A_3 : vector<16xf32> to vector<1x16xf32>
    tpu.vector_store %arg10[%swap3A_294, %swap3A_295], %swap3A_298 {strides = array<i32>} : memref<80x16xf32, #tpu.memory_space<vmem>>, vector<1x16xf32>,
    %swap3A_299 = arith.constant 49 : i32
    %swap3A_300 = arith.index_cast %swap3A_299 : i32 to index
    %swap3A_301 = arith.constant 0 : index
    %swap3A_302 = tpu.vector_load %arg10[%swap3A_300, %swap3A_301] {strides = array<i32>} : memref<80x16xf32, #tpu.memory_space<vmem>>, vector<1x16xf32>,
    %swap3A_303 = vector.shape_cast %swap3A_302 : vector<1x16xf32> to vector<16xf32>
    %swap3A_304 = vector.shape_cast %broadcast_in_dim3A_3 : vector<16xf32> to vector<1x16xf32>
    tpu.vector_store %arg10[%swap3A_300, %swap3A_301], %swap3A_304 {strides = array<i32>} : memref<80x16xf32, #tpu.memory_space<vmem>>, vector<1x16xf32>,
    %swap3A_305 = arith.constant 50 : i32
    %swap3A_306 = arith.index_cast %swap3A_305 : i32 to index
    %swap3A_307 = arith.constant 0 : index
    %swap3A_308 = tpu.vector_load %arg10[%swap3A_306, %swap3A_307] {strides = array<i32>} : memref<80x16xf32, #tpu.memory_space<vmem>>, vector<1x16xf32>,
    %swap3A_309 = vector.shape_cast %swap3A_308 : vector<1x16xf32> to vector<16xf32>
    %swap3A_310 = vector.shape_cast %broadcast_in_dim3A_3 : vector<16xf32> to vector<1x16xf32>
    tpu.vector_store %arg10[%swap3A_306, %swap3A_307], %swap3A_310 {strides = array<i32>} : memref<80x16xf32, #tpu.memory_space<vmem>>, vector<1x16xf32>,
    %swap3A_311 = arith.constant 51 : i32
    %swap3A_312 = arith.index_cast %swap3A_311 : i32 to index
    %swap3A_313 = arith.constant 0 : index
    %swap3A_314 = tpu.vector_load %arg10[%swap3A_312, %swap3A_313] {strides = array<i32>} : memref<80x16xf32, #tpu.memory_space<vmem>>, vector<1x16xf32>,
    %swap3A_315 = vector.shape_cast %swap3A_314 : vector<1x16xf32> to vector<16xf32>
    %swap3A_316 = vector.shape_cast %broadcast_in_dim3A_3 : vector<16xf32> to vector<1x16xf32>
    tpu.vector_store %arg10[%swap3A_312, %swap3A_313], %swap3A_316 {strides = array<i32>} : memref<80x16xf32, #tpu.memory_space<vmem>>, vector<1x16xf32>,
    %swap3A_317 = arith.constant 52 : i32
    %swap3A_318 = arith.index_cast %swap3A_317 : i32 to index
    %swap3A_319 = arith.constant 0 : index
    %swap3A_320 = tpu.vector_load %arg10[%swap3A_318, %swap3A_319] {strides = array<i32>} : memref<80x16xf32, #tpu.memory_space<vmem>>, vector<1x16xf32>,
    %swap3A_321 = vector.shape_cast %swap3A_320 : vector<1x16xf32> to vector<16xf32>
    %swap3A_322 = vector.shape_cast %broadcast_in_dim3A_3 : vector<16xf32> to vector<1x16xf32>
    tpu.vector_store %arg10[%swap3A_318, %swap3A_319], %swap3A_322 {strides = array<i32>} : memref<80x16xf32, #tpu.memory_space<vmem>>, vector<1x16xf32>,
    %swap3A_323 = arith.constant 53 : i32
    %swap3A_324 = arith.index_cast %swap3A_323 : i32 to index
    %swap3A_325 = arith.constant 0 : index
    %swap3A_326 = tpu.vector_load %arg10[%swap3A_324, %swap3A_325] {strides = array<i32>} : memref<80x16xf32, #tpu.memory_space<vmem>>, vector<1x16xf32>,
    %swap3A_327 = vector.shape_cast %swap3A_326 : vector<1x16xf32> to vector<16xf32>
    %swap3A_328 = vector.shape_cast %broadcast_in_dim3A_3 : vector<16xf32> to vector<1x16xf32>
    tpu.vector_store %arg10[%swap3A_324, %swap3A_325], %swap3A_328 {strides = array<i32>} : memref<80x16xf32, #tpu.memory_space<vmem>>, vector<1x16xf32>,
    %swap3A_329 = arith.constant 54 : i32
    %swap3A_330 = arith.index_cast %swap3A_329 : i32 to index
    %swap3A_331 = arith.constant 0 : index
    %swap3A_332 = tpu.vector_load %arg10[%swap3A_330, %swap3A_331] {strides = array<i32>} : memref<80x16xf32, #tpu.memory_space<vmem>>, vector<1x16xf32>,
    %swap3A_333 = vector.shape_cast %swap3A_332 : vector<1x16xf32> to vector<16xf32>
    %swap3A_334 = vector.shape_cast %broadcast_in_dim3A_3 : vector<16xf32> to vector<1x16xf32>
    tpu.vector_store %arg10[%swap3A_330, %swap3A_331], %swap3A_334 {strides = array<i32>} : memref<80x16xf32, #tpu.memory_space<vmem>>, vector<1x16xf32>,
    %swap3A_335 = arith.constant 55 : i32
    %swap3A_336 = arith.index_cast %swap3A_335 : i32 to index
    %swap3A_337 = arith.constant 0 : index
    %swap3A_338 = tpu.vector_load %arg10[%swap3A_336, %swap3A_337] {strides = array<i32>} : memref<80x16xf32, #tpu.memory_space<vmem>>, vector<1x16xf32>,
    %swap3A_339 = vector.shape_cast %swap3A_338 : vector<1x16xf32> to vector<16xf32>
    %swap3A_340 = vector.shape_cast %broadcast_in_dim3A_3 : vector<16xf32> to vector<1x16xf32>
    tpu.vector_store %arg10[%swap3A_336, %swap3A_337], %swap3A_340 {strides = array<i32>} : memref<80x16xf32, #tpu.memory_space<vmem>>, vector<1x16xf32>,
    %swap3A_341 = arith.constant 56 : i32
    %swap3A_342 = arith.index_cast %swap3A_341 : i32 to index
    %swap3A_343 = arith.constant 0 : index
    %swap3A_344 = tpu.vector_load %arg10[%swap3A_342, %swap3A_343] {strides = array<i32>} : memref<80x16xf32, #tpu.memory_space<vmem>>, vector<1x16xf32>,
    %swap3A_345 = vector.shape_cast %swap3A_344 : vector<1x16xf32> to vector<16xf32>
    %swap3A_346 = vector.shape_cast %broadcast_in_dim3A_3 : vector<16xf32> to vector<1x16xf32>
    tpu.vector_store %arg10[%swap3A_342, %swap3A_343], %swap3A_346 {strides = array<i32>} : memref<80x16xf32, #tpu.memory_space<vmem>>, vector<1x16xf32>,
    %swap3A_347 = arith.constant 57 : i32
    %swap3A_348 = arith.index_cast %swap3A_347 : i32 to index
    %swap3A_349 = arith.constant 0 : index
    %swap3A_350 = tpu.vector_load %arg10[%swap3A_348, %swap3A_349] {strides = array<i32>} : memref<80x16xf32, #tpu.memory_space<vmem>>, vector<1x16xf32>,
    %swap3A_351 = vector.shape_cast %swap3A_350 : vector<1x16xf32> to vector<16xf32>
    %swap3A_352 = vector.shape_cast %broadcast_in_dim3A_3 : vector<16xf32> to vector<1x16xf32>
    tpu.vector_store %arg10[%swap3A_348, %swap3A_349], %swap3A_352 {strides = array<i32>} : memref<80x16xf32, #tpu.memory_space<vmem>>, vector<1x16xf32>,
    %swap3A_353 = arith.constant 58 : i32
    %swap3A_354 = arith.index_cast %swap3A_353 : i32 to index
    %swap3A_355 = arith.constant 0 : index
    %swap3A_356 = tpu.vector_load %arg10[%swap3A_354, %swap3A_355] {strides = array<i32>} : memref<80x16xf32, #tpu.memory_space<vmem>>, vector<1x16xf32>,
    %swap3A_357 = vector.shape_cast %swap3A_356 : vector<1x16xf32> to vector<16xf32>
    %swap3A_358 = vector.shape_cast %broadcast_in_dim3A_3 : vector<16xf32> to vector<1x16xf32>
    tpu.vector_store %arg10[%swap3A_354, %swap3A_355], %swap3A_358 {strides = array<i32>} : memref<80x16xf32, #tpu.memory_space<vmem>>, vector<1x16xf32>,
    %swap3A_359 = arith.constant 59 : i32
    %swap3A_360 = arith.index_cast %swap3A_359 : i32 to index
    %swap3A_361 = arith.constant 0 : index
    %swap3A_362 = tpu.vector_load %arg10[%swap3A_360, %swap3A_361] {strides = array<i32>} : memref<80x16xf32, #tpu.memory_space<vmem>>, vector<1x16xf32>,
    %swap3A_363 = vector.shape_cast %swap3A_362 : vector<1x16xf32> to vector<16xf32>
    %swap3A_364 = vector.shape_cast %broadcast_in_dim3A_3 : vector<16xf32> to vector<1x16xf32>
    tpu.vector_store %arg10[%swap3A_360, %swap3A_361], %swap3A_364 {strides = array<i32>} : memref<80x16xf32, #tpu.memory_space<vmem>>, vector<1x16xf32>,
    %swap3A_365 = arith.constant 60 : i32
    %swap3A_366 = arith.index_cast %swap3A_365 : i32 to index
    %swap3A_367 = arith.constant 0 : index
    %swap3A_368 = tpu.vector_load %arg10[%swap3A_366, %swap3A_367] {strides = array<i32>} : memref<80x16xf32, #tpu.memory_space<vmem>>, vector<1x16xf32>,
    %swap3A_369 = vector.shape_cast %swap3A_368 : vector<1x16xf32> to vector<16xf32>
    %swap3A_370 = vector.shape_cast %broadcast_in_dim3A_3 : vector<16xf32> to vector<1x16xf32>
    tpu.vector_store %arg10[%swap3A_366, %swap3A_367], %swap3A_370 {strides = array<i32>} : memref<80x16xf32, #tpu.memory_space<vmem>>, vector<1x16xf32>,
    %swap3A_371 = arith.constant 61 : i32
    %swap3A_372 = arith.index_cast %swap3A_371 : i32 to index
    %swap3A_373 = arith.constant 0 : index
    %swap3A_374 = tpu.vector_load %arg10[%swap3A_372, %swap3A_373] {strides = array<i32>} : memref<80x16xf32, #tpu.memory_space<vmem>>, vector<1x16xf32>,
    %swap3A_375 = vector.shape_cast %swap3A_374 : vector<1x16xf32> to vector<16xf32>
    %swap3A_376 = vector.shape_cast %broadcast_in_dim3A_3 : vector<16xf32> to vector<1x16xf32>
    tpu.vector_store %arg10[%swap3A_372, %swap3A_373], %swap3A_376 {strides = array<i32>} : memref<80x16xf32, #tpu.memory_space<vmem>>, vector<1x16xf32>,
    %swap3A_377 = arith.constant 62 : i32
    %swap3A_378 = arith.index_cast %swap3A_377 : i32 to index
    %swap3A_379 = arith.constant 0 : index
    %swap3A_380 = tpu.vector_load %arg10[%swap3A_378, %swap3A_379] {strides = array<i32>} : memref<80x16xf32, #tpu.memory_space<vmem>>, vector<1x16xf32>,
    %swap3A_381 = vector.shape_cast %swap3A_380 : vector<1x16xf32> to vector<16xf32>
    %swap3A_382 = vector.shape_cast %broadcast_in_dim3A_3 : vector<16xf32> to vector<1x16xf32>
    tpu.vector_store %arg10[%swap3A_378, %swap3A_379], %swap3A_382 {strides = array<i32>} : memref<80x16xf32, #tpu.memory_space<vmem>>, vector<1x16xf32>,
    %swap3A_383 = arith.constant 63 : i32
    %swap3A_384 = arith.index_cast %swap3A_383 : i32 to index
    %swap3A_385 = arith.constant 0 : index
    %swap3A_386 = tpu.vector_load %arg10[%swap3A_384, %swap3A_385] {strides = array<i32>} : memref<80x16xf32, #tpu.memory_space<vmem>>, vector<1x16xf32>,
    %swap3A_387 = vector.shape_cast %swap3A_386 : vector<1x16xf32> to vector<16xf32>
    %swap3A_388 = vector.shape_cast %broadcast_in_dim3A_3 : vector<16xf32> to vector<1x16xf32>
    tpu.vector_store %arg10[%swap3A_384, %swap3A_385], %swap3A_388 {strides = array<i32>} : memref<80x16xf32, #tpu.memory_space<vmem>>, vector<1x16xf32>,
    %swap3A_389 = arith.constant 64 : i32
    %swap3A_390 = arith.index_cast %swap3A_389 : i32 to index
    %swap3A_391 = arith.constant 0 : index
    %swap3A_392 = tpu.vector_load %arg10[%swap3A_390, %swap3A_391] {strides = array<i32>} : memref<80x16xf32, #tpu.memory_space<vmem>>, vector<1x16xf32>,
    %swap3A_393 = vector.shape_cast %swap3A_392 : vector<1x16xf32> to vector<16xf32>
    %swap3A_394 = vector.shape_cast %broadcast_in_dim3A_3 : vector<16xf32> to vector<1x16xf32>
    tpu.vector_store %arg10[%swap3A_390, %swap3A_391], %swap3A_394 {strides = array<i32>} : memref<80x16xf32, #tpu.memory_space<vmem>>, vector<1x16xf32>,
    %swap3A_395 = arith.constant 65 : i32
    %swap3A_396 = arith.index_cast %swap3A_395 : i32 to index
    %swap3A_397 = arith.constant 0 : index
    %swap3A_398 = tpu.vector_load %arg10[%swap3A_396, %swap3A_397] {strides = array<i32>} : memref<80x16xf32, #tpu.memory_space<vmem>>, vector<1x16xf32>,
    %swap3A_399 = vector.shape_cast %swap3A_398 : vector<1x16xf32> to vector<16xf32>
    %swap3A_400 = vector.shape_cast %broadcast_in_dim3A_3 : vector<16xf32> to vector<1x16xf32>
    tpu.vector_store %arg10[%swap3A_396, %swap3A_397], %swap3A_400 {strides = array<i32>} : memref<80x16xf32, #tpu.memory_space<vmem>>, vector<1x16xf32>,
    %swap3A_401 = arith.constant 66 : i32
    %swap3A_402 = arith.index_cast %swap3A_401 : i32 to index
    %swap3A_403 = arith.constant 0 : index
    %swap3A_404 = tpu.vector_load %arg10[%swap3A_402, %swap3A_403] {strides = array<i32>} : memref<80x16xf32, #tpu.memory_space<vmem>>, vector<1x16xf32>,
    %swap3A_405 = vector.shape_cast %swap3A_404 : vector<1x16xf32> to vector<16xf32>
    %swap3A_406 = vector.shape_cast %broadcast_in_dim3A_3 : vector<16xf32> to vector<1x16xf32>
    tpu.vector_store %arg10[%swap3A_402, %swap3A_403], %swap3A_406 {strides = array<i32>} : memref<80x16xf32, #tpu.memory_space<vmem>>, vector<1x16xf32>,
    %swap3A_407 = arith.constant 67 : i32
    %swap3A_408 = arith.index_cast %swap3A_407 : i32 to index
    %swap3A_409 = arith.constant 0 : index
    %swap3A_410 = tpu.vector_load %arg10[%swap3A_408, %swap3A_409] {strides = array<i32>} : memref<80x16xf32, #tpu.memory_space<vmem>>, vector<1x16xf32>,
    %swap3A_411 = vector.shape_cast %swap3A_410 : vector<1x16xf32> to vector<16xf32>
    %swap3A_412 = vector.shape_cast %broadcast_in_dim3A_3 : vector<16xf32> to vector<1x16xf32>
    tpu.vector_store %arg10[%swap3A_408, %swap3A_409], %swap3A_412 {strides = array<i32>} : memref<80x16xf32, #tpu.memory_space<vmem>>, vector<1x16xf32>,
    %swap3A_413 = arith.constant 68 : i32
    %swap3A_414 = arith.index_cast %swap3A_413 : i32 to index
    %swap3A_415 = arith.constant 0 : index
    %swap3A_416 = tpu.vector_load %arg10[%swap3A_414, %swap3A_415] {strides = array<i32>} : memref<80x16xf32, #tpu.memory_space<vmem>>, vector<1x16xf32>,
    %swap3A_417 = vector.shape_cast %swap3A_416 : vector<1x16xf32> to vector<16xf32>
    %swap3A_418 = vector.shape_cast %broadcast_in_dim3A_3 : vector<16xf32> to vector<1x16xf32>
    tpu.vector_store %arg10[%swap3A_414, %swap3A_415], %swap3A_418 {strides = array<i32>} : memref<80x16xf32, #tpu.memory_space<vmem>>, vector<1x16xf32>,
    %swap3A_419 = arith.constant 69 : i32
    %swap3A_420 = arith.index_cast %swap3A_419 : i32 to index
    %swap3A_421 = arith.constant 0 : index
    %swap3A_422 = tpu.vector_load %arg10[%swap3A_420, %swap3A_421] {strides = array<i32>} : memref<80x16xf32, #tpu.memory_space<vmem>>, vector<1x16xf32>,
    %swap3A_423 = vector.shape_cast %swap3A_422 : vector<1x16xf32> to vector<16xf32>
    %swap3A_424 = vector.shape_cast %broadcast_in_dim3A_3 : vector<16xf32> to vector<1x16xf32>
    tpu.vector_store %arg10[%swap3A_420, %swap3A_421], %swap3A_424 {strides = array<i32>} : memref<80x16xf32, #tpu.memory_space<vmem>>, vector<1x16xf32>,
    %swap3A_425 = arith.constant 70 : i32
    %swap3A_426 = arith.index_cast %swap3A_425 : i32 to index
    %swap3A_427 = arith.constant 0 : index
    %swap3A_428 = tpu.vector_load %arg10[%swap3A_426, %swap3A_427] {strides = array<i32>} : memref<80x16xf32, #tpu.memory_space<vmem>>, vector<1x16xf32>,
    %swap3A_429 = vector.shape_cast %swap3A_428 : vector<1x16xf32> to vector<16xf32>
    %swap3A_430 = vector.shape_cast %broadcast_in_dim3A_3 : vector<16xf32> to vector<1x16xf32>
    tpu.vector_store %arg10[%swap3A_426, %swap3A_427], %swap3A_430 {strides = array<i32>} : memref<80x16xf32, #tpu.memory_space<vmem>>, vector<1x16xf32>,
    %swap3A_431 = arith.constant 71 : i32
    %swap3A_432 = arith.index_cast %swap3A_431 : i32 to index
    %swap3A_433 = arith.constant 0 : index
    %swap3A_434 = tpu.vector_load %arg10[%swap3A_432, %swap3A_433] {strides = array<i32>} : memref<80x16xf32, #tpu.memory_space<vmem>>, vector<1x16xf32>,
    %swap3A_435 = vector.shape_cast %swap3A_434 : vector<1x16xf32> to vector<16xf32>
    %swap3A_436 = vector.shape_cast %broadcast_in_dim3A_3 : vector<16xf32> to vector<1x16xf32>
    tpu.vector_store %arg10[%swap3A_432, %swap3A_433], %swap3A_436 {strides = array<i32>} : memref<80x16xf32, #tpu.memory_space<vmem>>, vector<1x16xf32>,
    %swap3A_437 = arith.constant 72 : i32
    %swap3A_438 = arith.index_cast %swap3A_437 : i32 to index
    %swap3A_439 = arith.constant 0 : index
    %swap3A_440 = tpu.vector_load %arg10[%swap3A_438, %swap3A_439] {strides = array<i32>} : memref<80x16xf32, #tpu.memory_space<vmem>>, vector<1x16xf32>,
    %swap3A_441 = vector.shape_cast %swap3A_440 : vector<1x16xf32> to vector<16xf32>
    %swap3A_442 = vector.shape_cast %broadcast_in_dim3A_3 : vector<16xf32> to vector<1x16xf32>
    tpu.vector_store %arg10[%swap3A_438, %swap3A_439], %swap3A_442 {strides = array<i32>} : memref<80x16xf32, #tpu.memory_space<vmem>>, vector<1x16xf32>,
    %swap3A_443 = arith.constant 73 : i32
    %swap3A_444 = arith.index_cast %swap3A_443 : i32 to index
    %swap3A_445 = arith.constant 0 : index
    %swap3A_446 = tpu.vector_load %arg10[%swap3A_444, %swap3A_445] {strides = array<i32>} : memref<80x16xf32, #tpu.memory_space<vmem>>, vector<1x16xf32>,
    %swap3A_447 = vector.shape_cast %swap3A_446 : vector<1x16xf32> to vector<16xf32>
    %swap3A_448 = vector.shape_cast %broadcast_in_dim3A_3 : vector<16xf32> to vector<1x16xf32>
    tpu.vector_store %arg10[%swap3A_444, %swap3A_445], %swap3A_448 {strides = array<i32>} : memref<80x16xf32, #tpu.memory_space<vmem>>, vector<1x16xf32>,
    %swap3A_449 = arith.constant 74 : i32
    %swap3A_450 = arith.index_cast %swap3A_449 : i32 to index
    %swap3A_451 = arith.constant 0 : index
    %swap3A_452 = tpu.vector_load %arg10[%swap3A_450, %swap3A_451] {strides = array<i32>} : memref<80x16xf32, #tpu.memory_space<vmem>>, vector<1x16xf32>,
    %swap3A_453 = vector.shape_cast %swap3A_452 : vector<1x16xf32> to vector<16xf32>
    %swap3A_454 = vector.shape_cast %broadcast_in_dim3A_3 : vector<16xf32> to vector<1x16xf32>
    tpu.vector_store %arg10[%swap3A_450, %swap3A_451], %swap3A_454 {strides = array<i32>} : memref<80x16xf32, #tpu.memory_space<vmem>>, vector<1x16xf32>,
    %swap3A_455 = arith.constant 75 : i32
    %swap3A_456 = arith.index_cast %swap3A_455 : i32 to index
    %swap3A_457 = arith.constant 0 : index
    %swap3A_458 = tpu.vector_load %arg10[%swap3A_456, %swap3A_457] {strides = array<i32>} : memref<80x16xf32, #tpu.memory_space<vmem>>, vector<1x16xf32>,
    %swap3A_459 = vector.shape_cast %swap3A_458 : vector<1x16xf32> to vector<16xf32>
    %swap3A_460 = vector.shape_cast %broadcast_in_dim3A_3 : vector<16xf32> to vector<1x16xf32>
    tpu.vector_store %arg10[%swap3A_456, %swap3A_457], %swap3A_460 {strides = array<i32>} : memref<80x16xf32, #tpu.memory_space<vmem>>, vector<1x16xf32>,
    %swap3A_461 = arith.constant 76 : i32
    %swap3A_462 = arith.index_cast %swap3A_461 : i32 to index
    %swap3A_463 = arith.constant 0 : index
    %swap3A_464 = tpu.vector_load %arg10[%swap3A_462, %swap3A_463] {strides = array<i32>} : memref<80x16xf32, #tpu.memory_space<vmem>>, vector<1x16xf32>,
    %swap3A_465 = vector.shape_cast %swap3A_464 : vector<1x16xf32> to vector<16xf32>
    %swap3A_466 = vector.shape_cast %broadcast_in_dim3A_3 : vector<16xf32> to vector<1x16xf32>
    tpu.vector_store %arg10[%swap3A_462, %swap3A_463], %swap3A_466 {strides = array<i32>} : memref<80x16xf32, #tpu.memory_space<vmem>>, vector<1x16xf32>,
    %swap3A_467 = arith.constant 77 : i32
    %swap3A_468 = arith.index_cast %swap3A_467 : i32 to index
    %swap3A_469 = arith.constant 0 : index
    %swap3A_470 = tpu.vector_load %arg10[%swap3A_468, %swap3A_469] {strides = array<i32>} : memref<80x16xf32, #tpu.memory_space<vmem>>, vector<1x16xf32>,
    %swap3A_471 = vector.shape_cast %swap3A_470 : vector<1x16xf32> to vector<16xf32>
    %swap3A_472 = vector.shape_cast %broadcast_in_dim3A_3 : vector<16xf32> to vector<1x16xf32>
    tpu.vector_store %arg10[%swap3A_468, %swap3A_469], %swap3A_472 {strides = array<i32>} : memref<80x16xf32, #tpu.memory_space<vmem>>, vector<1x16xf32>,
    %swap3A_473 = arith.constant 78 : i32
    %swap3A_474 = arith.index_cast %swap3A_473 : i32 to index
    %swap3A_475 = arith.constant 0 : index
    %swap3A_476 = tpu.vector_load %arg10[%swap3A_474, %swap3A_475] {strides = array<i32>} : memref<80x16xf32, #tpu.memory_space<vmem>>, vector<1x16xf32>,
    %swap3A_477 = vector.shape_cast %swap3A_476 : vector<1x16xf32> to vector<16xf32>
    %swap3A_478 = vector.shape_cast %broadcast_in_dim3A_3 : vector<16xf32> to vector<1x16xf32>
    tpu.vector_store %arg10[%swap3A_474, %swap3A_475], %swap3A_478 {strides = array<i32>} : memref<80x16xf32, #tpu.memory_space<vmem>>, vector<1x16xf32>,
    %swap3A_479 = arith.constant 79 : i32
    %swap3A_480 = arith.index_cast %swap3A_479 : i32 to index
    %swap3A_481 = arith.constant 0 : index
    %swap3A_482 = tpu.vector_load %arg10[%swap3A_480, %swap3A_481] {strides = array<i32>} : memref<80x16xf32, #tpu.memory_space<vmem>>, vector<1x16xf32>,
    %swap3A_483 = vector.shape_cast %swap3A_482 : vector<1x16xf32> to vector<16xf32>
    %swap3A_484 = vector.shape_cast %broadcast_in_dim3A_3 : vector<16xf32> to vector<1x16xf32>
    tpu.vector_store %arg10[%swap3A_480, %swap3A_481], %swap3A_484 {strides = array<i32>} : memref<80x16xf32, #tpu.memory_space<vmem>>, vector<1x16xf32>,
    %swap3A_485 = arith.constant 0 : i32
    %swap3A_486 = arith.index_cast %swap3A_485 : i32 to index
    %swap3A_487 = arith.constant 0 : index
    %swap3A_488 = tpu.vector_load %arg12[%swap3A_486, %swap3A_487] {strides = array<i32>} : memref<80x16xf32, #tpu.memory_space<vmem>>, vector<1x16xf32>,
    %swap3A_489 = vector.shape_cast %swap3A_488 : vector<1x16xf32> to vector<16xf32>
    %swap3A_490 = vector.shape_cast %broadcast_in_dim3A_5 : vector<16xf32> to vector<1x16xf32>
    tpu.vector_store %arg12[%swap3A_486, %swap3A_487], %swap3A_490 {strides = array<i32>} : memref<80x16xf32, #tpu.memory_space<vmem>>, vector<1x16xf32>,
    %swap3A_491 = arith.constant 1 : i32
    %swap3A_492 = arith.index_cast %swap3A_491 : i32 to index
    %swap3A_493 = arith.constant 0 : index
    %swap3A_494 = tpu.vector_load %arg12[%swap3A_492, %swap3A_493] {strides = array<i32>} : memref<80x16xf32, #tpu.memory_space<vmem>>, vector<1x16xf32>,
    %swap3A_495 = vector.shape_cast %swap3A_494 : vector<1x16xf32> to vector<16xf32>
    %swap3A_496 = vector.shape_cast %broadcast_in_dim3A_5 : vector<16xf32> to vector<1x16xf32>
    tpu.vector_store %arg12[%swap3A_492, %swap3A_493], %swap3A_496 {strides = array<i32>} : memref<80x16xf32, #tpu.memory_space<vmem>>, vector<1x16xf32>,
    %swap3A_497 = arith.constant 2 : i32
    %swap3A_498 = arith.index_cast %swap3A_497 : i32 to index
    %swap3A_499 = arith.constant 0 : index
    %swap3A_500 = tpu.vector_load %arg12[%swap3A_498, %swap3A_499] {strides = array<i32>} : memref<80x16xf32, #tpu.memory_space<vmem>>, vector<1x16xf32>,
    %swap3A_501 = vector.shape_cast %swap3A_500 : vector<1x16xf32> to vector<16xf32>
    %swap3A_502 = vector.shape_cast %broadcast_in_dim3A_5 : vector<16xf32> to vector<1x16xf32>
    tpu.vector_store %arg12[%swap3A_498, %swap3A_499], %swap3A_502 {strides = array<i32>} : memref<80x16xf32, #tpu.memory_space<vmem>>, vector<1x16xf32>,
    %swap3A_503 = arith.constant 3 : i32
    %swap3A_504 = arith.index_cast %swap3A_503 : i32 to index
    %swap3A_505 = arith.constant 0 : index
    %swap3A_506 = tpu.vector_load %arg12[%swap3A_504, %swap3A_505] {strides = array<i32>} : memref<80x16xf32, #tpu.memory_space<vmem>>, vector<1x16xf32>,
    %swap3A_507 = vector.shape_cast %swap3A_506 : vector<1x16xf32> to vector<16xf32>
    %swap3A_508 = vector.shape_cast %broadcast_in_dim3A_5 : vector<16xf32> to vector<1x16xf32>
    tpu.vector_store %arg12[%swap3A_504, %swap3A_505], %swap3A_508 {strides = array<i32>} : memref<80x16xf32, #tpu.memory_space<vmem>>, vector<1x16xf32>,
    %swap3A_509 = arith.constant 4 : i32
    %swap3A_510 = arith.index_cast %swap3A_509 : i32 to index
    %swap3A_511 = arith.constant 0 : index
    %swap3A_512 = tpu.vector_load %arg12[%swap3A_510, %swap3A_511] {strides = array<i32>} : memref<80x16xf32, #tpu.memory_space<vmem>>, vector<1x16xf32>,
    %swap3A_513 = vector.shape_cast %swap3A_512 : vector<1x16xf32> to vector<16xf32>
    %swap3A_514 = vector.shape_cast %broadcast_in_dim3A_5 : vector<16xf32> to vector<1x16xf32>
    tpu.vector_store %arg12[%swap3A_510, %swap3A_511], %swap3A_514 {strides = array<i32>} : memref<80x16xf32, #tpu.memory_space<vmem>>, vector<1x16xf32>,
    %swap3A_515 = arith.constant 5 : i32
    %swap3A_516 = arith.index_cast %swap3A_515 : i32 to index
    %swap3A_517 = arith.constant 0 : index
    %swap3A_518 = tpu.vector_load %arg12[%swap3A_516, %swap3A_517] {strides = array<i32>} : memref<80x16xf32, #tpu.memory_space<vmem>>, vector<1x16xf32>,
    %swap3A_519 = vector.shape_cast %swap3A_518 : vector<1x16xf32> to vector<16xf32>
    %swap3A_520 = vector.shape_cast %broadcast_in_dim3A_5 : vector<16xf32> to vector<1x16xf32>
    tpu.vector_store %arg12[%swap3A_516, %swap3A_517], %swap3A_520 {strides = array<i32>} : memref<80x16xf32, #tpu.memory_space<vmem>>, vector<1x16xf32>,
    %swap3A_521 = arith.constant 6 : i32
    %swap3A_522 = arith.index_cast %swap3A_521 : i32 to index
    %swap3A_523 = arith.constant 0 : index
    %swap3A_524 = tpu.vector_load %arg12[%swap3A_522, %swap3A_523] {strides = array<i32>} : memref<80x16xf32, #tpu.memory_space<vmem>>, vector<1x16xf32>,
    %swap3A_525 = vector.shape_cast %swap3A_524 : vector<1x16xf32> to vector<16xf32>
    %swap3A_526 = vector.shape_cast %broadcast_in_dim3A_5 : vector<16xf32> to vector<1x16xf32>
    tpu.vector_store %arg12[%swap3A_522, %swap3A_523], %swap3A_526 {strides = array<i32>} : memref<80x16xf32, #tpu.memory_space<vmem>>, vector<1x16xf32>,
    %swap3A_527 = arith.constant 7 : i32
    %swap3A_528 = arith.index_cast %swap3A_527 : i32 to index
    %swap3A_529 = arith.constant 0 : index
    %swap3A_530 = tpu.vector_load %arg12[%swap3A_528, %swap3A_529] {strides = array<i32>} : memref<80x16xf32, #tpu.memory_space<vmem>>, vector<1x16xf32>,
    %swap3A_531 = vector.shape_cast %swap3A_530 : vector<1x16xf32> to vector<16xf32>
    %swap3A_532 = vector.shape_cast %broadcast_in_dim3A_5 : vector<16xf32> to vector<1x16xf32>
    tpu.vector_store %arg12[%swap3A_528, %swap3A_529], %swap3A_532 {strides = array<i32>} : memref<80x16xf32, #tpu.memory_space<vmem>>, vector<1x16xf32>,
    %swap3A_533 = arith.constant 8 : i32
    %swap3A_534 = arith.index_cast %swap3A_533 : i32 to index
    %swap3A_535 = arith.constant 0 : index
    %swap3A_536 = tpu.vector_load %arg12[%swap3A_534, %swap3A_535] {strides = array<i32>} : memref<80x16xf32, #tpu.memory_space<vmem>>, vector<1x16xf32>,
    %swap3A_537 = vector.shape_cast %swap3A_536 : vector<1x16xf32> to vector<16xf32>
    %swap3A_538 = vector.shape_cast %broadcast_in_dim3A_5 : vector<16xf32> to vector<1x16xf32>
    tpu.vector_store %arg12[%swap3A_534, %swap3A_535], %swap3A_538 {strides = array<i32>} : memref<80x16xf32, #tpu.memory_space<vmem>>, vector<1x16xf32>,
    %swap3A_539 = arith.constant 9 : i32
    %swap3A_540 = arith.index_cast %swap3A_539 : i32 to index
    %swap3A_541 = arith.constant 0 : index
    %swap3A_542 = tpu.vector_load %arg12[%swap3A_540, %swap3A_541] {strides = array<i32>} : memref<80x16xf32, #tpu.memory_space<vmem>>, vector<1x16xf32>,
    %swap3A_543 = vector.shape_cast %swap3A_542 : vector<1x16xf32> to vector<16xf32>
    %swap3A_544 = vector.shape_cast %broadcast_in_dim3A_5 : vector<16xf32> to vector<1x16xf32>
    tpu.vector_store %arg12[%swap3A_540, %swap3A_541], %swap3A_544 {strides = array<i32>} : memref<80x16xf32, #tpu.memory_space<vmem>>, vector<1x16xf32>,
    %swap3A_545 = arith.constant 10 : i32
    %swap3A_546 = arith.index_cast %swap3A_545 : i32 to index
    %swap3A_547 = arith.constant 0 : index
    %swap3A_548 = tpu.vector_load %arg12[%swap3A_546, %swap3A_547] {strides = array<i32>} : memref<80x16xf32, #tpu.memory_space<vmem>>, vector<1x16xf32>,
    %swap3A_549 = vector.shape_cast %swap3A_548 : vector<1x16xf32> to vector<16xf32>
    %swap3A_550 = vector.shape_cast %broadcast_in_dim3A_5 : vector<16xf32> to vector<1x16xf32>
    tpu.vector_store %arg12[%swap3A_546, %swap3A_547], %swap3A_550 {strides = array<i32>} : memref<80x16xf32, #tpu.memory_space<vmem>>, vector<1x16xf32>,
    %swap3A_551 = arith.constant 11 : i32
    %swap3A_552 = arith.index_cast %swap3A_551 : i32 to index
    %swap3A_553 = arith.constant 0 : index
    %swap3A_554 = tpu.vector_load %arg12[%swap3A_552, %swap3A_553] {strides = array<i32>} : memref<80x16xf32, #tpu.memory_space<vmem>>, vector<1x16xf32>,
    %swap3A_555 = vector.shape_cast %swap3A_554 : vector<1x16xf32> to vector<16xf32>
    %swap3A_556 = vector.shape_cast %broadcast_in_dim3A_5 : vector<16xf32> to vector<1x16xf32>
    tpu.vector_store %arg12[%swap3A_552, %swap3A_553], %swap3A_556 {strides = array<i32>} : memref<80x16xf32, #tpu.memory_space<vmem>>, vector<1x16xf32>,
    %swap3A_557 = arith.constant 12 : i32
    %swap3A_558 = arith.index_cast %swap3A_557 : i32 to index
    %swap3A_559 = arith.constant 0 : index
    %swap3A_560 = tpu.vector_load %arg12[%swap3A_558, %swap3A_559] {strides = array<i32>} : memref<80x16xf32, #tpu.memory_space<vmem>>, vector<1x16xf32>,
    %swap3A_561 = vector.shape_cast %swap3A_560 : vector<1x16xf32> to vector<16xf32>
    %swap3A_562 = vector.shape_cast %broadcast_in_dim3A_5 : vector<16xf32> to vector<1x16xf32>
    tpu.vector_store %arg12[%swap3A_558, %swap3A_559], %swap3A_562 {strides = array<i32>} : memref<80x16xf32, #tpu.memory_space<vmem>>, vector<1x16xf32>,
    %swap3A_563 = arith.constant 13 : i32
    %swap3A_564 = arith.index_cast %swap3A_563 : i32 to index
    %swap3A_565 = arith.constant 0 : index
    %swap3A_566 = tpu.vector_load %arg12[%swap3A_564, %swap3A_565] {strides = array<i32>} : memref<80x16xf32, #tpu.memory_space<vmem>>, vector<1x16xf32>,
    %swap3A_567 = vector.shape_cast %swap3A_566 : vector<1x16xf32> to vector<16xf32>
    %swap3A_568 = vector.shape_cast %broadcast_in_dim3A_5 : vector<16xf32> to vector<1x16xf32>
    tpu.vector_store %arg12[%swap3A_564, %swap3A_565], %swap3A_568 {strides = array<i32>} : memref<80x16xf32, #tpu.memory_space<vmem>>, vector<1x16xf32>,
    %swap3A_569 = arith.constant 14 : i32
    %swap3A_570 = arith.index_cast %swap3A_569 : i32 to index
    %swap3A_571 = arith.constant 0 : index
    %swap3A_572 = tpu.vector_load %arg12[%swap3A_570, %swap3A_571] {strides = array<i32>} : memref<80x16xf32, #tpu.memory_space<vmem>>, vector<1x16xf32>,
    %swap3A_573 = vector.shape_cast %swap3A_572 : vector<1x16xf32> to vector<16xf32>
    %swap3A_574 = vector.shape_cast %broadcast_in_dim3A_5 : vector<16xf32> to vector<1x16xf32>
    tpu.vector_store %arg12[%swap3A_570, %swap3A_571], %swap3A_574 {strides = array<i32>} : memref<80x16xf32, #tpu.memory_space<vmem>>, vector<1x16xf32>,
    %swap3A_575 = arith.constant 15 : i32
    %swap3A_576 = arith.index_cast %swap3A_575 : i32 to index
    %swap3A_577 = arith.constant 0 : index
    %swap3A_578 = tpu.vector_load %arg12[%swap3A_576, %swap3A_577] {strides = array<i32>} : memref<80x16xf32, #tpu.memory_space<vmem>>, vector<1x16xf32>,
    %swap3A_579 = vector.shape_cast %swap3A_578 : vector<1x16xf32> to vector<16xf32>
    %swap3A_580 = vector.shape_cast %broadcast_in_dim3A_5 : vector<16xf32> to vector<1x16xf32>
    tpu.vector_store %arg12[%swap3A_576, %swap3A_577], %swap3A_580 {strides = array<i32>} : memref<80x16xf32, #tpu.memory_space<vmem>>, vector<1x16xf32>,
    %swap3A_581 = arith.constant 16 : i32
    %swap3A_582 = arith.index_cast %swap3A_581 : i32 to index
    %swap3A_583 = arith.constant 0 : index
    %swap3A_584 = tpu.vector_load %arg12[%swap3A_582, %swap3A_583] {strides = array<i32>} : memref<80x16xf32, #tpu.memory_space<vmem>>, vector<1x16xf32>,
    %swap3A_585 = vector.shape_cast %swap3A_584 : vector<1x16xf32> to vector<16xf32>
    %swap3A_586 = vector.shape_cast %broadcast_in_dim3A_5 : vector<16xf32> to vector<1x16xf32>
    tpu.vector_store %arg12[%swap3A_582, %swap3A_583], %swap3A_586 {strides = array<i32>} : memref<80x16xf32, #tpu.memory_space<vmem>>, vector<1x16xf32>,
    %swap3A_587 = arith.constant 17 : i32
    %swap3A_588 = arith.index_cast %swap3A_587 : i32 to index
    %swap3A_589 = arith.constant 0 : index
    %swap3A_590 = tpu.vector_load %arg12[%swap3A_588, %swap3A_589] {strides = array<i32>} : memref<80x16xf32, #tpu.memory_space<vmem>>, vector<1x16xf32>,
    %swap3A_591 = vector.shape_cast %swap3A_590 : vector<1x16xf32> to vector<16xf32>
    %swap3A_592 = vector.shape_cast %broadcast_in_dim3A_5 : vector<16xf32> to vector<1x16xf32>
    tpu.vector_store %arg12[%swap3A_588, %swap3A_589], %swap3A_592 {strides = array<i32>} : memref<80x16xf32, #tpu.memory_space<vmem>>, vector<1x16xf32>,
    %swap3A_593 = arith.constant 18 : i32
    %swap3A_594 = arith.index_cast %swap3A_593 : i32 to index
    %swap3A_595 = arith.constant 0 : index
    %swap3A_596 = tpu.vector_load %arg12[%swap3A_594, %swap3A_595] {strides = array<i32>} : memref<80x16xf32, #tpu.memory_space<vmem>>, vector<1x16xf32>,
    %swap3A_597 = vector.shape_cast %swap3A_596 : vector<1x16xf32> to vector<16xf32>
    %swap3A_598 = vector.shape_cast %broadcast_in_dim3A_5 : vector<16xf32> to vector<1x16xf32>
    tpu.vector_store %arg12[%swap3A_594, %swap3A_595], %swap3A_598 {strides = array<i32>} : memref<80x16xf32, #tpu.memory_space<vmem>>, vector<1x16xf32>,
    %swap3A_599 = arith.constant 19 : i32
    %swap3A_600 = arith.index_cast %swap3A_599 : i32 to index
    %swap3A_601 = arith.constant 0 : index
    %swap3A_602 = tpu.vector_load %arg12[%swap3A_600, %swap3A_601] {strides = array<i32>} : memref<80x16xf32, #tpu.memory_space<vmem>>, vector<1x16xf32>,
    %swap3A_603 = vector.shape_cast %swap3A_602 : vector<1x16xf32> to vector<16xf32>
    %swap3A_604 = vector.shape_cast %broadcast_in_dim3A_5 : vector<16xf32> to vector<1x16xf32>
    tpu.vector_store %arg12[%swap3A_600, %swap3A_601], %swap3A_604 {strides = array<i32>} : memref<80x16xf32, #tpu.memory_space<vmem>>, vector<1x16xf32>,
    %swap3A_605 = arith.constant 20 : i32
    %swap3A_606 = arith.index_cast %swap3A_605 : i32 to index
    %swap3A_607 = arith.constant 0 : index
    %swap3A_608 = tpu.vector_load %arg12[%swap3A_606, %swap3A_607] {strides = array<i32>} : memref<80x16xf32, #tpu.memory_space<vmem>>, vector<1x16xf32>,
    %swap3A_609 = vector.shape_cast %swap3A_608 : vector<1x16xf32> to vector<16xf32>
    %swap3A_610 = vector.shape_cast %broadcast_in_dim3A_5 : vector<16xf32> to vector<1x16xf32>
    tpu.vector_store %arg12[%swap3A_606, %swap3A_607], %swap3A_610 {strides = array<i32>} : memref<80x16xf32, #tpu.memory_space<vmem>>, vector<1x16xf32>,
    %swap3A_611 = arith.constant 21 : i32
    %swap3A_612 = arith.index_cast %swap3A_611 : i32 to index
    %swap3A_613 = arith.constant 0 : index
    %swap3A_614 = tpu.vector_load %arg12[%swap3A_612, %swap3A_613] {strides = array<i32>} : memref<80x16xf32, #tpu.memory_space<vmem>>, vector<1x16xf32>,
    %swap3A_615 = vector.shape_cast %swap3A_614 : vector<1x16xf32> to vector<16xf32>
    %swap3A_616 = vector.shape_cast %broadcast_in_dim3A_5 : vector<16xf32> to vector<1x16xf32>
    tpu.vector_store %arg12[%swap3A_612, %swap3A_613], %swap3A_616 {strides = array<i32>} : memref<80x16xf32, #tpu.memory_space<vmem>>, vector<1x16xf32>,
    %swap3A_617 = arith.constant 22 : i32
    %swap3A_618 = arith.index_cast %swap3A_617 : i32 to index
    %swap3A_619 = arith.constant 0 : index
    %swap3A_620 = tpu.vector_load %arg12[%swap3A_618, %swap3A_619] {strides = array<i32>} : memref<80x16xf32, #tpu.memory_space<vmem>>, vector<1x16xf32>,
    %swap3A_621 = vector.shape_cast %swap3A_620 : vector<1x16xf32> to vector<16xf32>
    %swap3A_622 = vector.shape_cast %broadcast_in_dim3A_5 : vector<16xf32> to vector<1x16xf32>
    tpu.vector_store %arg12[%swap3A_618, %swap3A_619], %swap3A_622 {strides = array<i32>} : memref<80x16xf32, #tpu.memory_space<vmem>>, vector<1x16xf32>,
    %swap3A_623 = arith.constant 23 : i32
    %swap3A_624 = arith.index_cast %swap3A_623 : i32 to index
    %swap3A_625 = arith.constant 0 : index
    %swap3A_626 = tpu.vector_load %arg12[%swap3A_624, %swap3A_625] {strides = array<i32>} : memref<80x16xf32, #tpu.memory_space<vmem>>, vector<1x16xf32>,
    %swap3A_627 = vector.shape_cast %swap3A_626 : vector<1x16xf32> to vector<16xf32>
    %swap3A_628 = vector.shape_cast %broadcast_in_dim3A_5 : vector<16xf32> to vector<1x16xf32>
    tpu.vector_store %arg12[%swap3A_624, %swap3A_625], %swap3A_628 {strides = array<i32>} : memref<80x16xf32, #tpu.memory_space<vmem>>, vector<1x16xf32>,
    %swap3A_629 = arith.constant 24 : i32
    %swap3A_630 = arith.index_cast %swap3A_629 : i32 to index
    %swap3A_631 = arith.constant 0 : index
    %swap3A_632 = tpu.vector_load %arg12[%swap3A_630, %swap3A_631] {strides = array<i32>} : memref<80x16xf32, #tpu.memory_space<vmem>>, vector<1x16xf32>,
    %swap3A_633 = vector.shape_cast %swap3A_632 : vector<1x16xf32> to vector<16xf32>
    %swap3A_634 = vector.shape_cast %broadcast_in_dim3A_5 : vector<16xf32> to vector<1x16xf32>
    tpu.vector_store %arg12[%swap3A_630, %swap3A_631], %swap3A_634 {strides = array<i32>} : memref<80x16xf32, #tpu.memory_space<vmem>>, vector<1x16xf32>,
    %swap3A_635 = arith.constant 25 : i32
    %swap3A_636 = arith.index_cast %swap3A_635 : i32 to index
    %swap3A_637 = arith.constant 0 : index
    %swap3A_638 = tpu.vector_load %arg12[%swap3A_636, %swap3A_637] {strides = array<i32>} : memref<80x16xf32, #tpu.memory_space<vmem>>, vector<1x16xf32>,
    %swap3A_639 = vector.shape_cast %swap3A_638 : vector<1x16xf32> to vector<16xf32>
    %swap3A_640 = vector.shape_cast %broadcast_in_dim3A_5 : vector<16xf32> to vector<1x16xf32>
    tpu.vector_store %arg12[%swap3A_636, %swap3A_637], %swap3A_640 {strides = array<i32>} : memref<80x16xf32, #tpu.memory_space<vmem>>, vector<1x16xf32>,
    %swap3A_641 = arith.constant 26 : i32
    %swap3A_642 = arith.index_cast %swap3A_641 : i32 to index
    %swap3A_643 = arith.constant 0 : index
    %swap3A_644 = tpu.vector_load %arg12[%swap3A_642, %swap3A_643] {strides = array<i32>} : memref<80x16xf32, #tpu.memory_space<vmem>>, vector<1x16xf32>,
    %swap3A_645 = vector.shape_cast %swap3A_644 : vector<1x16xf32> to vector<16xf32>
    %swap3A_646 = vector.shape_cast %broadcast_in_dim3A_5 : vector<16xf32> to vector<1x16xf32>
    tpu.vector_store %arg12[%swap3A_642, %swap3A_643], %swap3A_646 {strides = array<i32>} : memref<80x16xf32, #tpu.memory_space<vmem>>, vector<1x16xf32>,
    %swap3A_647 = arith.constant 27 : i32
    %swap3A_648 = arith.index_cast %swap3A_647 : i32 to index
    %swap3A_649 = arith.constant 0 : index
    %swap3A_650 = tpu.vector_load %arg12[%swap3A_648, %swap3A_649] {strides = array<i32>} : memref<80x16xf32, #tpu.memory_space<vmem>>, vector<1x16xf32>,
    %swap3A_651 = vector.shape_cast %swap3A_650 : vector<1x16xf32> to vector<16xf32>
    %swap3A_652 = vector.shape_cast %broadcast_in_dim3A_5 : vector<16xf32> to vector<1x16xf32>
    tpu.vector_store %arg12[%swap3A_648, %swap3A_649], %swap3A_652 {strides = array<i32>} : memref<80x16xf32, #tpu.memory_space<vmem>>, vector<1x16xf32>,
    %swap3A_653 = arith.constant 28 : i32
    %swap3A_654 = arith.index_cast %swap3A_653 : i32 to index
    %swap3A_655 = arith.constant 0 : index
    %swap3A_656 = tpu.vector_load %arg12[%swap3A_654, %swap3A_655] {strides = array<i32>} : memref<80x16xf32, #tpu.memory_space<vmem>>, vector<1x16xf32>,
    %swap3A_657 = vector.shape_cast %swap3A_656 : vector<1x16xf32> to vector<16xf32>
    %swap3A_658 = vector.shape_cast %broadcast_in_dim3A_5 : vector<16xf32> to vector<1x16xf32>
    tpu.vector_store %arg12[%swap3A_654, %swap3A_655], %swap3A_658 {strides = array<i32>} : memref<80x16xf32, #tpu.memory_space<vmem>>, vector<1x16xf32>,
    %swap3A_659 = arith.constant 29 : i32
    %swap3A_660 = arith.index_cast %swap3A_659 : i32 to index
    %swap3A_661 = arith.constant 0 : index
    %swap3A_662 = tpu.vector_load %arg12[%swap3A_660, %swap3A_661] {strides = array<i32>} : memref<80x16xf32, #tpu.memory_space<vmem>>, vector<1x16xf32>,
    %swap3A_663 = vector.shape_cast %swap3A_662 : vector<1x16xf32> to vector<16xf32>
    %swap3A_664 = vector.shape_cast %broadcast_in_dim3A_5 : vector<16xf32> to vector<1x16xf32>
    tpu.vector_store %arg12[%swap3A_660, %swap3A_661], %swap3A_664 {strides = array<i32>} : memref<80x16xf32, #tpu.memory_space<vmem>>, vector<1x16xf32>,
    %swap3A_665 = arith.constant 30 : i32
    %swap3A_666 = arith.index_cast %swap3A_665 : i32 to index
    %swap3A_667 = arith.constant 0 : index
    %swap3A_668 = tpu.vector_load %arg12[%swap3A_666, %swap3A_667] {strides = array<i32>} : memref<80x16xf32, #tpu.memory_space<vmem>>, vector<1x16xf32>,
    %swap3A_669 = vector.shape_cast %swap3A_668 : vector<1x16xf32> to vector<16xf32>
    %swap3A_670 = vector.shape_cast %broadcast_in_dim3A_5 : vector<16xf32> to vector<1x16xf32>
    tpu.vector_store %arg12[%swap3A_666, %swap3A_667], %swap3A_670 {strides = array<i32>} : memref<80x16xf32, #tpu.memory_space<vmem>>, vector<1x16xf32>,
    %swap3A_671 = arith.constant 31 : i32
    %swap3A_672 = arith.index_cast %swap3A_671 : i32 to index
    %swap3A_673 = arith.constant 0 : index
    %swap3A_674 = tpu.vector_load %arg12[%swap3A_672, %swap3A_673] {strides = array<i32>} : memref<80x16xf32, #tpu.memory_space<vmem>>, vector<1x16xf32>,
    %swap3A_675 = vector.shape_cast %swap3A_674 : vector<1x16xf32> to vector<16xf32>
    %swap3A_676 = vector.shape_cast %broadcast_in_dim3A_5 : vector<16xf32> to vector<1x16xf32>
    tpu.vector_store %arg12[%swap3A_672, %swap3A_673], %swap3A_676 {strides = array<i32>} : memref<80x16xf32, #tpu.memory_space<vmem>>, vector<1x16xf32>,
    %swap3A_677 = arith.constant 32 : i32
    %swap3A_678 = arith.index_cast %swap3A_677 : i32 to index
    %swap3A_679 = arith.constant 0 : index
    %swap3A_680 = tpu.vector_load %arg12[%swap3A_678, %swap3A_679] {strides = array<i32>} : memref<80x16xf32, #tpu.memory_space<vmem>>, vector<1x16xf32>,
    %swap3A_681 = vector.shape_cast %swap3A_680 : vector<1x16xf32> to vector<16xf32>
    %swap3A_682 = vector.shape_cast %broadcast_in_dim3A_5 : vector<16xf32> to vector<1x16xf32>
    tpu.vector_store %arg12[%swap3A_678, %swap3A_679], %swap3A_682 {strides = array<i32>} : memref<80x16xf32, #tpu.memory_space<vmem>>, vector<1x16xf32>,
    %swap3A_683 = arith.constant 33 : i32
    %swap3A_684 = arith.index_cast %swap3A_683 : i32 to index
    %swap3A_685 = arith.constant 0 : index
    %swap3A_686 = tpu.vector_load %arg12[%swap3A_684, %swap3A_685] {strides = array<i32>} : memref<80x16xf32, #tpu.memory_space<vmem>>, vector<1x16xf32>,
    %swap3A_687 = vector.shape_cast %swap3A_686 : vector<1x16xf32> to vector<16xf32>
    %swap3A_688 = vector.shape_cast %broadcast_in_dim3A_5 : vector<16xf32> to vector<1x16xf32>
    tpu.vector_store %arg12[%swap3A_684, %swap3A_685], %swap3A_688 {strides = array<i32>} : memref<80x16xf32, #tpu.memory_space<vmem>>, vector<1x16xf32>,
    %swap3A_689 = arith.constant 34 : i32
    %swap3A_690 = arith.index_cast %swap3A_689 : i32 to index
    %swap3A_691 = arith.constant 0 : index
    %swap3A_692 = tpu.vector_load %arg12[%swap3A_690, %swap3A_691] {strides = array<i32>} : memref<80x16xf32, #tpu.memory_space<vmem>>, vector<1x16xf32>,
    %swap3A_693 = vector.shape_cast %swap3A_692 : vector<1x16xf32> to vector<16xf32>
    %swap3A_694 = vector.shape_cast %broadcast_in_dim3A_5 : vector<16xf32> to vector<1x16xf32>
    tpu.vector_store %arg12[%swap3A_690, %swap3A_691], %swap3A_694 {strides = array<i32>} : memref<80x16xf32, #tpu.memory_space<vmem>>, vector<1x16xf32>,
    %swap3A_695 = arith.constant 35 : i32
    %swap3A_696 = arith.index_cast %swap3A_695 : i32 to index
    %swap3A_697 = arith.constant 0 : index
    %swap3A_698 = tpu.vector_load %arg12[%swap3A_696, %swap3A_697] {strides = array<i32>} : memref<80x16xf32, #tpu.memory_space<vmem>>, vector<1x16xf32>,
    %swap3A_699 = vector.shape_cast %swap3A_698 : vector<1x16xf32> to vector<16xf32>
    %swap3A_700 = vector.shape_cast %broadcast_in_dim3A_5 : vector<16xf32> to vector<1x16xf32>
    tpu.vector_store %arg12[%swap3A_696, %swap3A_697], %swap3A_700 {strides = array<i32>} : memref<80x16xf32, #tpu.memory_space<vmem>>, vector<1x16xf32>,
    %swap3A_701 = arith.constant 36 : i32
    %swap3A_702 = arith.index_cast %swap3A_701 : i32 to index
    %swap3A_703 = arith.constant 0 : index
    %swap3A_704 = tpu.vector_load %arg12[%swap3A_702, %swap3A_703] {strides = array<i32>} : memref<80x16xf32, #tpu.memory_space<vmem>>, vector<1x16xf32>,
    %swap3A_705 = vector.shape_cast %swap3A_704 : vector<1x16xf32> to vector<16xf32>
    %swap3A_706 = vector.shape_cast %broadcast_in_dim3A_5 : vector<16xf32> to vector<1x16xf32>
    tpu.vector_store %arg12[%swap3A_702, %swap3A_703], %swap3A_706 {strides = array<i32>} : memref<80x16xf32, #tpu.memory_space<vmem>>, vector<1x16xf32>,
    %swap3A_707 = arith.constant 37 : i32
    %swap3A_708 = arith.index_cast %swap3A_707 : i32 to index
    %swap3A_709 = arith.constant 0 : index
    %swap3A_710 = tpu.vector_load %arg12[%swap3A_708, %swap3A_709] {strides = array<i32>} : memref<80x16xf32, #tpu.memory_space<vmem>>, vector<1x16xf32>,
    %swap3A_711 = vector.shape_cast %swap3A_710 : vector<1x16xf32> to vector<16xf32>
    %swap3A_712 = vector.shape_cast %broadcast_in_dim3A_5 : vector<16xf32> to vector<1x16xf32>
    tpu.vector_store %arg12[%swap3A_708, %swap3A_709], %swap3A_712 {strides = array<i32>} : memref<80x16xf32, #tpu.memory_space<vmem>>, vector<1x16xf32>,
    %swap3A_713 = arith.constant 38 : i32
    %swap3A_714 = arith.index_cast %swap3A_713 : i32 to index
    %swap3A_715 = arith.constant 0 : index
    %swap3A_716 = tpu.vector_load %arg12[%swap3A_714, %swap3A_715] {strides = array<i32>} : memref<80x16xf32, #tpu.memory_space<vmem>>, vector<1x16xf32>,
    %swap3A_717 = vector.shape_cast %swap3A_716 : vector<1x16xf32> to vector<16xf32>
    %swap3A_718 = vector.shape_cast %broadcast_in_dim3A_5 : vector<16xf32> to vector<1x16xf32>
    tpu.vector_store %arg12[%swap3A_714, %swap3A_715], %swap3A_718 {strides = array<i32>} : memref<80x16xf32, #tpu.memory_space<vmem>>, vector<1x16xf32>,
    %swap3A_719 = arith.constant 39 : i32
    %swap3A_720 = arith.index_cast %swap3A_719 : i32 to index
    %swap3A_721 = arith.constant 0 : index
    %swap3A_722 = tpu.vector_load %arg12[%swap3A_720, %swap3A_721] {strides = array<i32>} : memref<80x16xf32, #tpu.memory_space<vmem>>, vector<1x16xf32>,
    %swap3A_723 = vector.shape_cast %swap3A_722 : vector<1x16xf32> to vector<16xf32>
    %swap3A_724 = vector.shape_cast %broadcast_in_dim3A_5 : vector<16xf32> to vector<1x16xf32>
    tpu.vector_store %arg12[%swap3A_720, %swap3A_721], %swap3A_724 {strides = array<i32>} : memref<80x16xf32, #tpu.memory_space<vmem>>, vector<1x16xf32>,
    %swap3A_725 = arith.constant 40 : i32
    %swap3A_726 = arith.index_cast %swap3A_725 : i32 to index
    %swap3A_727 = arith.constant 0 : index
    %swap3A_728 = tpu.vector_load %arg12[%swap3A_726, %swap3A_727] {strides = array<i32>} : memref<80x16xf32, #tpu.memory_space<vmem>>, vector<1x16xf32>,
    %swap3A_729 = vector.shape_cast %swap3A_728 : vector<1x16xf32> to vector<16xf32>
    %swap3A_730 = vector.shape_cast %broadcast_in_dim3A_5 : vector<16xf32> to vector<1x16xf32>
    tpu.vector_store %arg12[%swap3A_726, %swap3A_727], %swap3A_730 {strides = array<i32>} : memref<80x16xf32, #tpu.memory_space<vmem>>, vector<1x16xf32>,
    %swap3A_731 = arith.constant 41 : i32
    %swap3A_732 = arith.index_cast %swap3A_731 : i32 to index
    %swap3A_733 = arith.constant 0 : index
    %swap3A_734 = tpu.vector_load %arg12[%swap3A_732, %swap3A_733] {strides = array<i32>} : memref<80x16xf32, #tpu.memory_space<vmem>>, vector<1x16xf32>,
    %swap3A_735 = vector.shape_cast %swap3A_734 : vector<1x16xf32> to vector<16xf32>
    %swap3A_736 = vector.shape_cast %broadcast_in_dim3A_5 : vector<16xf32> to vector<1x16xf32>
    tpu.vector_store %arg12[%swap3A_732, %swap3A_733], %swap3A_736 {strides = array<i32>} : memref<80x16xf32, #tpu.memory_space<vmem>>, vector<1x16xf32>,
    %swap3A_737 = arith.constant 42 : i32
    %swap3A_738 = arith.index_cast %swap3A_737 : i32 to index
    %swap3A_739 = arith.constant 0 : index
    %swap3A_740 = tpu.vector_load %arg12[%swap3A_738, %swap3A_739] {strides = array<i32>} : memref<80x16xf32, #tpu.memory_space<vmem>>, vector<1x16xf32>,
    %swap3A_741 = vector.shape_cast %swap3A_740 : vector<1x16xf32> to vector<16xf32>
    %swap3A_742 = vector.shape_cast %broadcast_in_dim3A_5 : vector<16xf32> to vector<1x16xf32>
    tpu.vector_store %arg12[%swap3A_738, %swap3A_739], %swap3A_742 {strides = array<i32>} : memref<80x16xf32, #tpu.memory_space<vmem>>, vector<1x16xf32>,
    %swap3A_743 = arith.constant 43 : i32
    %swap3A_744 = arith.index_cast %swap3A_743 : i32 to index
    %swap3A_745 = arith.constant 0 : index
    %swap3A_746 = tpu.vector_load %arg12[%swap3A_744, %swap3A_745] {strides = array<i32>} : memref<80x16xf32, #tpu.memory_space<vmem>>, vector<1x16xf32>,
    %swap3A_747 = vector.shape_cast %swap3A_746 : vector<1x16xf32> to vector<16xf32>
    %swap3A_748 = vector.shape_cast %broadcast_in_dim3A_5 : vector<16xf32> to vector<1x16xf32>
    tpu.vector_store %arg12[%swap3A_744, %swap3A_745], %swap3A_748 {strides = array<i32>} : memref<80x16xf32, #tpu.memory_space<vmem>>, vector<1x16xf32>,
    %swap3A_749 = arith.constant 44 : i32
    %swap3A_750 = arith.index_cast %swap3A_749 : i32 to index
    %swap3A_751 = arith.constant 0 : index
    %swap3A_752 = tpu.vector_load %arg12[%swap3A_750, %swap3A_751] {strides = array<i32>} : memref<80x16xf32, #tpu.memory_space<vmem>>, vector<1x16xf32>,
    %swap3A_753 = vector.shape_cast %swap3A_752 : vector<1x16xf32> to vector<16xf32>
    %swap3A_754 = vector.shape_cast %broadcast_in_dim3A_5 : vector<16xf32> to vector<1x16xf32>
    tpu.vector_store %arg12[%swap3A_750, %swap3A_751], %swap3A_754 {strides = array<i32>} : memref<80x16xf32, #tpu.memory_space<vmem>>, vector<1x16xf32>,
    %swap3A_755 = arith.constant 45 : i32
    %swap3A_756 = arith.index_cast %swap3A_755 : i32 to index
    %swap3A_757 = arith.constant 0 : index
    %swap3A_758 = tpu.vector_load %arg12[%swap3A_756, %swap3A_757] {strides = array<i32>} : memref<80x16xf32, #tpu.memory_space<vmem>>, vector<1x16xf32>,
    %swap3A_759 = vector.shape_cast %swap3A_758 : vector<1x16xf32> to vector<16xf32>
    %swap3A_760 = vector.shape_cast %broadcast_in_dim3A_5 : vector<16xf32> to vector<1x16xf32>
    tpu.vector_store %arg12[%swap3A_756, %swap3A_757], %swap3A_760 {strides = array<i32>} : memref<80x16xf32, #tpu.memory_space<vmem>>, vector<1x16xf32>,
    %swap3A_761 = arith.constant 46 : i32
    %swap3A_762 = arith.index_cast %swap3A_761 : i32 to index
    %swap3A_763 = arith.constant 0 : index
    %swap3A_764 = tpu.vector_load %arg12[%swap3A_762, %swap3A_763] {strides = array<i32>} : memref<80x16xf32, #tpu.memory_space<vmem>>, vector<1x16xf32>,
    %swap3A_765 = vector.shape_cast %swap3A_764 : vector<1x16xf32> to vector<16xf32>
    %swap3A_766 = vector.shape_cast %broadcast_in_dim3A_5 : vector<16xf32> to vector<1x16xf32>
    tpu.vector_store %arg12[%swap3A_762, %swap3A_763], %swap3A_766 {strides = array<i32>} : memref<80x16xf32, #tpu.memory_space<vmem>>, vector<1x16xf32>,
    %swap3A_767 = arith.constant 47 : i32
    %swap3A_768 = arith.index_cast %swap3A_767 : i32 to index
    %swap3A_769 = arith.constant 0 : index
    %swap3A_770 = tpu.vector_load %arg12[%swap3A_768, %swap3A_769] {strides = array<i32>} : memref<80x16xf32, #tpu.memory_space<vmem>>, vector<1x16xf32>,
    %swap3A_771 = vector.shape_cast %swap3A_770 : vector<1x16xf32> to vector<16xf32>
    %swap3A_772 = vector.shape_cast %broadcast_in_dim3A_5 : vector<16xf32> to vector<1x16xf32>
    tpu.vector_store %arg12[%swap3A_768, %swap3A_769], %swap3A_772 {strides = array<i32>} : memref<80x16xf32, #tpu.memory_space<vmem>>, vector<1x16xf32>,
    %swap3A_773 = arith.constant 48 : i32
    %swap3A_774 = arith.index_cast %swap3A_773 : i32 to index
    %swap3A_775 = arith.constant 0 : index
    %swap3A_776 = tpu.vector_load %arg12[%swap3A_774, %swap3A_775] {strides = array<i32>} : memref<80x16xf32, #tpu.memory_space<vmem>>, vector<1x16xf32>,
    %swap3A_777 = vector.shape_cast %swap3A_776 : vector<1x16xf32> to vector<16xf32>
    %swap3A_778 = vector.shape_cast %broadcast_in_dim3A_5 : vector<16xf32> to vector<1x16xf32>
    tpu.vector_store %arg12[%swap3A_774, %swap3A_775], %swap3A_778 {strides = array<i32>} : memref<80x16xf32, #tpu.memory_space<vmem>>, vector<1x16xf32>,
    %swap3A_779 = arith.constant 49 : i32
    %swap3A_780 = arith.index_cast %swap3A_779 : i32 to index
    %swap3A_781 = arith.constant 0 : index
    %swap3A_782 = tpu.vector_load %arg12[%swap3A_780, %swap3A_781] {strides = array<i32>} : memref<80x16xf32, #tpu.memory_space<vmem>>, vector<1x16xf32>,
    %swap3A_783 = vector.shape_cast %swap3A_782 : vector<1x16xf32> to vector<16xf32>
    %swap3A_784 = vector.shape_cast %broadcast_in_dim3A_5 : vector<16xf32> to vector<1x16xf32>
    tpu.vector_store %arg12[%swap3A_780, %swap3A_781], %swap3A_784 {strides = array<i32>} : memref<80x16xf32, #tpu.memory_space<vmem>>, vector<1x16xf32>,
    %swap3A_785 = arith.constant 50 : i32
    %swap3A_786 = arith.index_cast %swap3A_785 : i32 to index
    %swap3A_787 = arith.constant 0 : index
    %swap3A_788 = tpu.vector_load %arg12[%swap3A_786, %swap3A_787] {strides = array<i32>} : memref<80x16xf32, #tpu.memory_space<vmem>>, vector<1x16xf32>,
    %swap3A_789 = vector.shape_cast %swap3A_788 : vector<1x16xf32> to vector<16xf32>
    %swap3A_790 = vector.shape_cast %broadcast_in_dim3A_5 : vector<16xf32> to vector<1x16xf32>
    tpu.vector_store %arg12[%swap3A_786, %swap3A_787], %swap3A_790 {strides = array<i32>} : memref<80x16xf32, #tpu.memory_space<vmem>>, vector<1x16xf32>,
    %swap3A_791 = arith.constant 51 : i32
    %swap3A_792 = arith.index_cast %swap3A_791 : i32 to index
    %swap3A_793 = arith.constant 0 : index
    %swap3A_794 = tpu.vector_load %arg12[%swap3A_792, %swap3A_793] {strides = array<i32>} : memref<80x16xf32, #tpu.memory_space<vmem>>, vector<1x16xf32>,
    %swap3A_795 = vector.shape_cast %swap3A_794 : vector<1x16xf32> to vector<16xf32>
    %swap3A_796 = vector.shape_cast %broadcast_in_dim3A_5 : vector<16xf32> to vector<1x16xf32>
    tpu.vector_store %arg12[%swap3A_792, %swap3A_793], %swap3A_796 {strides = array<i32>} : memref<80x16xf32, #tpu.memory_space<vmem>>, vector<1x16xf32>,
    %swap3A_797 = arith.constant 52 : i32
    %swap3A_798 = arith.index_cast %swap3A_797 : i32 to index
    %swap3A_799 = arith.constant 0 : index
    %swap3A_800 = tpu.vector_load %arg12[%swap3A_798, %swap3A_799] {strides = array<i32>} : memref<80x16xf32, #tpu.memory_space<vmem>>, vector<1x16xf32>,
    %swap3A_801 = vector.shape_cast %swap3A_800 : vector<1x16xf32> to vector<16xf32>
    %swap3A_802 = vector.shape_cast %broadcast_in_dim3A_5 : vector<16xf32> to vector<1x16xf32>
    tpu.vector_store %arg12[%swap3A_798, %swap3A_799], %swap3A_802 {strides = array<i32>} : memref<80x16xf32, #tpu.memory_space<vmem>>, vector<1x16xf32>,
    %swap3A_803 = arith.constant 53 : i32
    %swap3A_804 = arith.index_cast %swap3A_803 : i32 to index
    %swap3A_805 = arith.constant 0 : index
    %swap3A_806 = tpu.vector_load %arg12[%swap3A_804, %swap3A_805] {strides = array<i32>} : memref<80x16xf32, #tpu.memory_space<vmem>>, vector<1x16xf32>,
    %swap3A_807 = vector.shape_cast %swap3A_806 : vector<1x16xf32> to vector<16xf32>
    %swap3A_808 = vector.shape_cast %broadcast_in_dim3A_5 : vector<16xf32> to vector<1x16xf32>
    tpu.vector_store %arg12[%swap3A_804, %swap3A_805], %swap3A_808 {strides = array<i32>} : memref<80x16xf32, #tpu.memory_space<vmem>>, vector<1x16xf32>,
    %swap3A_809 = arith.constant 54 : i32
    %swap3A_810 = arith.index_cast %swap3A_809 : i32 to index
    %swap3A_811 = arith.constant 0 : index
    %swap3A_812 = tpu.vector_load %arg12[%swap3A_810, %swap3A_811] {strides = array<i32>} : memref<80x16xf32, #tpu.memory_space<vmem>>, vector<1x16xf32>,
    %swap3A_813 = vector.shape_cast %swap3A_812 : vector<1x16xf32> to vector<16xf32>
    %swap3A_814 = vector.shape_cast %broadcast_in_dim3A_5 : vector<16xf32> to vector<1x16xf32>
    tpu.vector_store %arg12[%swap3A_810, %swap3A_811], %swap3A_814 {strides = array<i32>} : memref<80x16xf32, #tpu.memory_space<vmem>>, vector<1x16xf32>,
    %swap3A_815 = arith.constant 55 : i32
    %swap3A_816 = arith.index_cast %swap3A_815 : i32 to index
    %swap3A_817 = arith.constant 0 : index
    %swap3A_818 = tpu.vector_load %arg12[%swap3A_816, %swap3A_817] {strides = array<i32>} : memref<80x16xf32, #tpu.memory_space<vmem>>, vector<1x16xf32>,
    %swap3A_819 = vector.shape_cast %swap3A_818 : vector<1x16xf32> to vector<16xf32>
    %swap3A_820 = vector.shape_cast %broadcast_in_dim3A_5 : vector<16xf32> to vector<1x16xf32>
    tpu.vector_store %arg12[%swap3A_816, %swap3A_817], %swap3A_820 {strides = array<i32>} : memref<80x16xf32, #tpu.memory_space<vmem>>, vector<1x16xf32>,
    %swap3A_821 = arith.constant 56 : i32
    %swap3A_822 = arith.index_cast %swap3A_821 : i32 to index
    %swap3A_823 = arith.constant 0 : index
    %swap3A_824 = tpu.vector_load %arg12[%swap3A_822, %swap3A_823] {strides = array<i32>} : memref<80x16xf32, #tpu.memory_space<vmem>>, vector<1x16xf32>,
    %swap3A_825 = vector.shape_cast %swap3A_824 : vector<1x16xf32> to vector<16xf32>
    %swap3A_826 = vector.shape_cast %broadcast_in_dim3A_5 : vector<16xf32> to vector<1x16xf32>
    tpu.vector_store %arg12[%swap3A_822, %swap3A_823], %swap3A_826 {strides = array<i32>} : memref<80x16xf32, #tpu.memory_space<vmem>>, vector<1x16xf32>,
    %swap3A_827 = arith.constant 57 : i32
    %swap3A_828 = arith.index_cast %swap3A_827 : i32 to index
    %swap3A_829 = arith.constant 0 : index
    %swap3A_830 = tpu.vector_load %arg12[%swap3A_828, %swap3A_829] {strides = array<i32>} : memref<80x16xf32, #tpu.memory_space<vmem>>, vector<1x16xf32>,
    %swap3A_831 = vector.shape_cast %swap3A_830 : vector<1x16xf32> to vector<16xf32>
    %swap3A_832 = vector.shape_cast %broadcast_in_dim3A_5 : vector<16xf32> to vector<1x16xf32>
    tpu.vector_store %arg12[%swap3A_828, %swap3A_829], %swap3A_832 {strides = array<i32>} : memref<80x16xf32, #tpu.memory_space<vmem>>, vector<1x16xf32>,
    %swap3A_833 = arith.constant 58 : i32
    %swap3A_834 = arith.index_cast %swap3A_833 : i32 to index
    %swap3A_835 = arith.constant 0 : index
    %swap3A_836 = tpu.vector_load %arg12[%swap3A_834, %swap3A_835] {strides = array<i32>} : memref<80x16xf32, #tpu.memory_space<vmem>>, vector<1x16xf32>,
    %swap3A_837 = vector.shape_cast %swap3A_836 : vector<1x16xf32> to vector<16xf32>
    %swap3A_838 = vector.shape_cast %broadcast_in_dim3A_5 : vector<16xf32> to vector<1x16xf32>
    tpu.vector_store %arg12[%swap3A_834, %swap3A_835], %swap3A_838 {strides = array<i32>} : memref<80x16xf32, #tpu.memory_space<vmem>>, vector<1x16xf32>,
    %swap3A_839 = arith.constant 59 : i32
    %swap3A_840 = arith.index_cast %swap3A_839 : i32 to index
    %swap3A_841 = arith.constant 0 : index
    %swap3A_842 = tpu.vector_load %arg12[%swap3A_840, %swap3A_841] {strides = array<i32>} : memref<80x16xf32, #tpu.memory_space<vmem>>, vector<1x16xf32>,
    %swap3A_843 = vector.shape_cast %swap3A_842 : vector<1x16xf32> to vector<16xf32>
    %swap3A_844 = vector.shape_cast %broadcast_in_dim3A_5 : vector<16xf32> to vector<1x16xf32>
    tpu.vector_store %arg12[%swap3A_840, %swap3A_841], %swap3A_844 {strides = array<i32>} : memref<80x16xf32, #tpu.memory_space<vmem>>, vector<1x16xf32>,
    %swap3A_845 = arith.constant 60 : i32
    %swap3A_846 = arith.index_cast %swap3A_845 : i32 to index
    %swap3A_847 = arith.constant 0 : index
    %swap3A_848 = tpu.vector_load %arg12[%swap3A_846, %swap3A_847] {strides = array<i32>} : memref<80x16xf32, #tpu.memory_space<vmem>>, vector<1x16xf32>,
    %swap3A_849 = vector.shape_cast %swap3A_848 : vector<1x16xf32> to vector<16xf32>
    %swap3A_850 = vector.shape_cast %broadcast_in_dim3A_5 : vector<16xf32> to vector<1x16xf32>
    tpu.vector_store %arg12[%swap3A_846, %swap3A_847], %swap3A_850 {strides = array<i32>} : memref<80x16xf32, #tpu.memory_space<vmem>>, vector<1x16xf32>,
    %swap3A_851 = arith.constant 61 : i32
    %swap3A_852 = arith.index_cast %swap3A_851 : i32 to index
    %swap3A_853 = arith.constant 0 : index
    %swap3A_854 = tpu.vector_load %arg12[%swap3A_852, %swap3A_853] {strides = array<i32>} : memref<80x16xf32, #tpu.memory_space<vmem>>, vector<1x16xf32>,
    %swap3A_855 = vector.shape_cast %swap3A_854 : vector<1x16xf32> to vector<16xf32>
    %swap3A_856 = vector.shape_cast %broadcast_in_dim3A_5 : vector<16xf32> to vector<1x16xf32>
    tpu.vector_store %arg12[%swap3A_852, %swap3A_853], %swap3A_856 {strides = array<i32>} : memref<80x16xf32, #tpu.memory_space<vmem>>, vector<1x16xf32>,
    %swap3A_857 = arith.constant 62 : i32
    %swap3A_858 = arith.index_cast %swap3A_857 : i32 to index
    %swap3A_859 = arith.constant 0 : index
    %swap3A_860 = tpu.vector_load %arg12[%swap3A_858, %swap3A_859] {strides = array<i32>} : memref<80x16xf32, #tpu.memory_space<vmem>>, vector<1x16xf32>,
    %swap3A_861 = vector.shape_cast %swap3A_860 : vector<1x16xf32> to vector<16xf32>
    %swap3A_862 = vector.shape_cast %broadcast_in_dim3A_5 : vector<16xf32> to vector<1x16xf32>
    tpu.vector_store %arg12[%swap3A_858, %swap3A_859], %swap3A_862 {strides = array<i32>} : memref<80x16xf32, #tpu.memory_space<vmem>>, vector<1x16xf32>,
    %swap3A_863 = arith.constant 63 : i32
    %swap3A_864 = arith.index_cast %swap3A_863 : i32 to index
    %swap3A_865 = arith.constant 0 : index
    %swap3A_866 = tpu.vector_load %arg12[%swap3A_864, %swap3A_865] {strides = array<i32>} : memref<80x16xf32, #tpu.memory_space<vmem>>, vector<1x16xf32>,
    %swap3A_867 = vector.shape_cast %swap3A_866 : vector<1x16xf32> to vector<16xf32>
    %swap3A_868 = vector.shape_cast %broadcast_in_dim3A_5 : vector<16xf32> to vector<1x16xf32>
    tpu.vector_store %arg12[%swap3A_864, %swap3A_865], %swap3A_868 {strides = array<i32>} : memref<80x16xf32, #tpu.memory_space<vmem>>, vector<1x16xf32>,
    %swap3A_869 = arith.constant 64 : i32
    %swap3A_870 = arith.index_cast %swap3A_869 : i32 to index
    %swap3A_871 = arith.constant 0 : index
    %swap3A_872 = tpu.vector_load %arg12[%swap3A_870, %swap3A_871] {strides = array<i32>} : memref<80x16xf32, #tpu.memory_space<vmem>>, vector<1x16xf32>,
    %swap3A_873 = vector.shape_cast %swap3A_872 : vector<1x16xf32> to vector<16xf32>
    %swap3A_874 = vector.shape_cast %broadcast_in_dim3A_5 : vector<16xf32> to vector<1x16xf32>
    tpu.vector_store %arg12[%swap3A_870, %swap3A_871], %swap3A_874 {strides = array<i32>} : memref<80x16xf32, #tpu.memory_space<vmem>>, vector<1x16xf32>,
    %swap3A_875 = arith.constant 65 : i32
    %swap3A_876 = arith.index_cast %swap3A_875 : i32 to index
    %swap3A_877 = arith.constant 0 : index
    %swap3A_878 = tpu.vector_load %arg12[%swap3A_876, %swap3A_877] {strides = array<i32>} : memref<80x16xf32, #tpu.memory_space<vmem>>, vector<1x16xf32>,
    %swap3A_879 = vector.shape_cast %swap3A_878 : vector<1x16xf32> to vector<16xf32>
    %swap3A_880 = vector.shape_cast %broadcast_in_dim3A_5 : vector<16xf32> to vector<1x16xf32>
    tpu.vector_store %arg12[%swap3A_876, %swap3A_877], %swap3A_880 {strides = array<i32>} : memref<80x16xf32, #tpu.memory_space<vmem>>, vector<1x16xf32>,
    %swap3A_881 = arith.constant 66 : i32
    %swap3A_882 = arith.index_cast %swap3A_881 : i32 to index
    %swap3A_883 = arith.constant 0 : index
    %swap3A_884 = tpu.vector_load %arg12[%swap3A_882, %swap3A_883] {strides = array<i32>} : memref<80x16xf32, #tpu.memory_space<vmem>>, vector<1x16xf32>,
    %swap3A_885 = vector.shape_cast %swap3A_884 : vector<1x16xf32> to vector<16xf32>
    %swap3A_886 = vector.shape_cast %broadcast_in_dim3A_5 : vector<16xf32> to vector<1x16xf32>
    tpu.vector_store %arg12[%swap3A_882, %swap3A_883], %swap3A_886 {strides = array<i32>} : memref<80x16xf32, #tpu.memory_space<vmem>>, vector<1x16xf32>,
    %swap3A_887 = arith.constant 67 : i32
    %swap3A_888 = arith.index_cast %swap3A_887 : i32 to index
    %swap3A_889 = arith.constant 0 : index
    %swap3A_890 = tpu.vector_load %arg12[%swap3A_888, %swap3A_889] {strides = array<i32>} : memref<80x16xf32, #tpu.memory_space<vmem>>, vector<1x16xf32>,
    %swap3A_891 = vector.shape_cast %swap3A_890 : vector<1x16xf32> to vector<16xf32>
    %swap3A_892 = vector.shape_cast %broadcast_in_dim3A_5 : vector<16xf32> to vector<1x16xf32>
    tpu.vector_store %arg12[%swap3A_888, %swap3A_889], %swap3A_892 {strides = array<i32>} : memref<80x16xf32, #tpu.memory_space<vmem>>, vector<1x16xf32>,
    %swap3A_893 = arith.constant 68 : i32
    %swap3A_894 = arith.index_cast %swap3A_893 : i32 to index
    %swap3A_895 = arith.constant 0 : index
    %swap3A_896 = tpu.vector_load %arg12[%swap3A_894, %swap3A_895] {strides = array<i32>} : memref<80x16xf32, #tpu.memory_space<vmem>>, vector<1x16xf32>,
    %swap3A_897 = vector.shape_cast %swap3A_896 : vector<1x16xf32> to vector<16xf32>
    %swap3A_898 = vector.shape_cast %broadcast_in_dim3A_5 : vector<16xf32> to vector<1x16xf32>
    tpu.vector_store %arg12[%swap3A_894, %swap3A_895], %swap3A_898 {strides = array<i32>} : memref<80x16xf32, #tpu.memory_space<vmem>>, vector<1x16xf32>,
    %swap3A_899 = arith.constant 69 : i32
    %swap3A_900 = arith.index_cast %swap3A_899 : i32 to index
    %swap3A_901 = arith.constant 0 : index
    %swap3A_902 = tpu.vector_load %arg12[%swap3A_900, %swap3A_901] {strides = array<i32>} : memref<80x16xf32, #tpu.memory_space<vmem>>, vector<1x16xf32>,
    %swap3A_903 = vector.shape_cast %swap3A_902 : vector<1x16xf32> to vector<16xf32>
    %swap3A_904 = vector.shape_cast %broadcast_in_dim3A_5 : vector<16xf32> to vector<1x16xf32>
    tpu.vector_store %arg12[%swap3A_900, %swap3A_901], %swap3A_904 {strides = array<i32>} : memref<80x16xf32, #tpu.memory_space<vmem>>, vector<1x16xf32>,
    %swap3A_905 = arith.constant 70 : i32
    %swap3A_906 = arith.index_cast %swap3A_905 : i32 to index
    %swap3A_907 = arith.constant 0 : index
    %swap3A_908 = tpu.vector_load %arg12[%swap3A_906, %swap3A_907] {strides = array<i32>} : memref<80x16xf32, #tpu.memory_space<vmem>>, vector<1x16xf32>,
    %swap3A_909 = vector.shape_cast %swap3A_908 : vector<1x16xf32> to vector<16xf32>
    %swap3A_910 = vector.shape_cast %broadcast_in_dim3A_5 : vector<16xf32> to vector<1x16xf32>
    tpu.vector_store %arg12[%swap3A_906, %swap3A_907], %swap3A_910 {strides = array<i32>} : memref<80x16xf32, #tpu.memory_space<vmem>>, vector<1x16xf32>,
    %swap3A_911 = arith.constant 71 : i32
    %swap3A_912 = arith.index_cast %swap3A_911 : i32 to index
    %swap3A_913 = arith.constant 0 : index
    %swap3A_914 = tpu.vector_load %arg12[%swap3A_912, %swap3A_913] {strides = array<i32>} : memref<80x16xf32, #tpu.memory_space<vmem>>, vector<1x16xf32>,
    %swap3A_915 = vector.shape_cast %swap3A_914 : vector<1x16xf32> to vector<16xf32>
    %swap3A_916 = vector.shape_cast %broadcast_in_dim3A_5 : vector<16xf32> to vector<1x16xf32>
    tpu.vector_store %arg12[%swap3A_912, %swap3A_913], %swap3A_916 {strides = array<i32>} : memref<80x16xf32, #tpu.memory_space<vmem>>, vector<1x16xf32>,
    %swap3A_917 = arith.constant 72 : i32
    %swap3A_918 = arith.index_cast %swap3A_917 : i32 to index
    %swap3A_919 = arith.constant 0 : index
    %swap3A_920 = tpu.vector_load %arg12[%swap3A_918, %swap3A_919] {strides = array<i32>} : memref<80x16xf32, #tpu.memory_space<vmem>>, vector<1x16xf32>,
    %swap3A_921 = vector.shape_cast %swap3A_920 : vector<1x16xf32> to vector<16xf32>
    %swap3A_922 = vector.shape_cast %broadcast_in_dim3A_5 : vector<16xf32> to vector<1x16xf32>
    tpu.vector_store %arg12[%swap3A_918, %swap3A_919], %swap3A_922 {strides = array<i32>} : memref<80x16xf32, #tpu.memory_space<vmem>>, vector<1x16xf32>,
    %swap3A_923 = arith.constant 73 : i32
    %swap3A_924 = arith.index_cast %swap3A_923 : i32 to index
    %swap3A_925 = arith.constant 0 : index
    %swap3A_926 = tpu.vector_load %arg12[%swap3A_924, %swap3A_925] {strides = array<i32>} : memref<80x16xf32, #tpu.memory_space<vmem>>, vector<1x16xf32>,
    %swap3A_927 = vector.shape_cast %swap3A_926 : vector<1x16xf32> to vector<16xf32>
    %swap3A_928 = vector.shape_cast %broadcast_in_dim3A_5 : vector<16xf32> to vector<1x16xf32>
    tpu.vector_store %arg12[%swap3A_924, %swap3A_925], %swap3A_928 {strides = array<i32>} : memref<80x16xf32, #tpu.memory_space<vmem>>, vector<1x16xf32>,
    %swap3A_929 = arith.constant 74 : i32
    %swap3A_930 = arith.index_cast %swap3A_929 : i32 to index
    %swap3A_931 = arith.constant 0 : index
    %swap3A_932 = tpu.vector_load %arg12[%swap3A_930, %swap3A_931] {strides = array<i32>} : memref<80x16xf32, #tpu.memory_space<vmem>>, vector<1x16xf32>,
    %swap3A_933 = vector.shape_cast %swap3A_932 : vector<1x16xf32> to vector<16xf32>
    %swap3A_934 = vector.shape_cast %broadcast_in_dim3A_5 : vector<16xf32> to vector<1x16xf32>
    tpu.vector_store %arg12[%swap3A_930, %swap3A_931], %swap3A_934 {strides = array<i32>} : memref<80x16xf32, #tpu.memory_space<vmem>>, vector<1x16xf32>,
    %swap3A_935 = arith.constant 75 : i32
    %swap3A_936 = arith.index_cast %swap3A_935 : i32 to index
    %swap3A_937 = arith.constant 0 : index
    %swap3A_938 = tpu.vector_load %arg12[%swap3A_936, %swap3A_937] {strides = array<i32>} : memref<80x16xf32, #tpu.memory_space<vmem>>, vector<1x16xf32>,
    %swap3A_939 = vector.shape_cast %swap3A_938 : vector<1x16xf32> to vector<16xf32>
    %swap3A_940 = vector.shape_cast %broadcast_in_dim3A_5 : vector<16xf32> to vector<1x16xf32>
    tpu.vector_store %arg12[%swap3A_936, %swap3A_937], %swap3A_940 {strides = array<i32>} : memref<80x16xf32, #tpu.memory_space<vmem>>, vector<1x16xf32>,
    %swap3A_941 = arith.constant 76 : i32
    %swap3A_942 = arith.index_cast %swap3A_941 : i32 to index
    %swap3A_943 = arith.constant 0 : index
    %swap3A_944 = tpu.vector_load %arg12[%swap3A_942, %swap3A_943] {strides = array<i32>} : memref<80x16xf32, #tpu.memory_space<vmem>>, vector<1x16xf32>,
    %swap3A_945 = vector.shape_cast %swap3A_944 : vector<1x16xf32> to vector<16xf32>
    %swap3A_946 = vector.shape_cast %broadcast_in_dim3A_5 : vector<16xf32> to vector<1x16xf32>
    tpu.vector_store %arg12[%swap3A_942, %swap3A_943], %swap3A_946 {strides = array<i32>} : memref<80x16xf32, #tpu.memory_space<vmem>>, vector<1x16xf32>,
    %swap3A_947 = arith.constant 77 : i32
    %swap3A_948 = arith.index_cast %swap3A_947 : i32 to index
    %swap3A_949 = arith.constant 0 : index
    %swap3A_950 = tpu.vector_load %arg12[%swap3A_948, %swap3A_949] {strides = array<i32>} : memref<80x16xf32, #tpu.memory_space<vmem>>, vector<1x16xf32>,
    %swap3A_951 = vector.shape_cast %swap3A_950 : vector<1x16xf32> to vector<16xf32>
    %swap3A_952 = vector.shape_cast %broadcast_in_dim3A_5 : vector<16xf32> to vector<1x16xf32>
    tpu.vector_store %arg12[%swap3A_948, %swap3A_949], %swap3A_952 {strides = array<i32>} : memref<80x16xf32, #tpu.memory_space<vmem>>, vector<1x16xf32>,
    %swap3A_953 = arith.constant 78 : i32
    %swap3A_954 = arith.index_cast %swap3A_953 : i32 to index
    %swap3A_955 = arith.constant 0 : index
    %swap3A_956 = tpu.vector_load %arg12[%swap3A_954, %swap3A_955] {strides = array<i32>} : memref<80x16xf32, #tpu.memory_space<vmem>>, vector<1x16xf32>,
    %swap3A_957 = vector.shape_cast %swap3A_956 : vector<1x16xf32> to vector<16xf32>
    %swap3A_958 = vector.shape_cast %broadcast_in_dim3A_5 : vector<16xf32> to vector<1x16xf32>
    tpu.vector_store %arg12[%swap3A_954, %swap3A_955], %swap3A_958 {strides = array<i32>} : memref<80x16xf32, #tpu.memory_space<vmem>>, vector<1x16xf32>,
    %swap3A_959 = arith.constant 79 : i32
    %swap3A_960 = arith.index_cast %swap3A_959 : i32 to index
    %swap3A_961 = arith.constant 0 : index
    %swap3A_962 = tpu.vector_load %arg12[%swap3A_960, %swap3A_961] {strides = array<i32>} : memref<80x16xf32, #tpu.memory_space<vmem>>, vector<1x16xf32>,
    %swap3A_963 = vector.shape_cast %swap3A_962 : vector<1x16xf32> to vector<16xf32>
    %swap3A_964 = vector.shape_cast %broadcast_in_dim3A_5 : vector<16xf32> to vector<1x16xf32>
    tpu.vector_store %arg12[%swap3A_960, %swap3A_961], %swap3A_964 {strides = array<i32>} : memref<80x16xf32, #tpu.memory_space<vmem>>, vector<1x16xf32>,
    "tpu.region"() ({
      %run_scoped3A = tpu.sem_alloc : memref<!tpu.dma_semaphore, #tpu.memory_space<semaphore_mem>>
      tpu.enqueue_dma source(%arg5 : memref<80x128xf32, #tpu.memory_space<hbm>>) target(%arg11 : memref<80x128xf32, #tpu.memory_space<vmem>>) target_semaphore(%run_scoped3A : memref<!tpu.dma_semaphore, #tpu.memory_space<semaphore_mem>>)
      tpu.wait_dma2 semaphore(%run_scoped3A : memref<!tpu.dma_semaphore, #tpu.memory_space<semaphore_mem>>) src(%arg5 : memref<80x128xf32, #tpu.memory_space<hbm>>) dst(%arg11 : memref<80x128xf32, #tpu.memory_space<vmem>>)
      tpu.yield
    }) : () -> ()
    %add3A = arith.constant 0 : i32
    %add3A_965 = arith.addi %mul3A_0, %add3A : i32
    "tpu.region"() ({
      %run_scoped3A = tpu.sem_alloc : memref<!tpu.dma_semaphore, #tpu.memory_space<semaphore_mem>>
      %dma_start3A = arith.constant 0 : i32
      %dma_start3A_1037 = tpu.memref_slice %arg13[%add3A_965, %dma_start3A] : memref<5128x128xf32, #tpu.memory_space<vmem_shared>> -> memref<80x128xf32, #tpu.memory_space<vmem_shared>>
      %dma_start3A_1038 = arith.constant 0 : i32
      %dma_start3A_1039 = tpu.memref_slice %arg13[%add3A_965, %dma_start3A_1038] : memref<5128x128xf32, #tpu.memory_space<vmem_shared>> -> memref<80x128xf32, #tpu.memory_space<vmem_shared>>
      tpu.enqueue_dma source(%arg11 : memref<80x128xf32, #tpu.memory_space<vmem>>) target(%dma_start3A_1039 : memref<80x128xf32, #tpu.memory_space<vmem_shared>>) target_semaphore(%run_scoped3A : memref<!tpu.dma_semaphore, #tpu.memory_space<semaphore_mem>>)
      %dma_wait3A = arith.constant 0 : i32
      %dma_wait3A_1040 = tpu.memref_slice %arg13[%add3A_965, %dma_wait3A] : memref<5128x128xf32, #tpu.memory_space<vmem_shared>> -> memref<80x128xf32, #tpu.memory_space<vmem_shared>>
      %dma_wait3A_1041 = arith.constant 0 : i32
      %dma_wait3A_1042 = tpu.memref_slice %arg13[%add3A_965, %dma_wait3A_1041] : memref<5128x128xf32, #tpu.memory_space<vmem_shared>> -> memref<80x128xf32, #tpu.memory_space<vmem_shared>>
      tpu.wait_dma2 semaphore(%run_scoped3A : memref<!tpu.dma_semaphore, #tpu.memory_space<semaphore_mem>>) src(%arg11 : memref<80x128xf32, #tpu.memory_space<vmem>>) dst(%dma_wait3A_1042 : memref<80x128xf32, #tpu.memory_space<vmem_shared>>)
      tpu.yield
    }) : () -> ()
    %add3A_966 = arith.constant 0 : i32
    %add3A_967 = arith.addi %mul3A_0, %add3A_966 : i32
    "tpu.region"() ({
      %run_scoped3A = tpu.sem_alloc : memref<!tpu.dma_semaphore, #tpu.memory_space<semaphore_mem>>
      %dma_start3A = arith.constant 0 : i32
      %dma_start3A_1037 = tpu.memref_slice %arg14[%add3A_967, %dma_start3A] : memref<5128x16xf32, #tpu.memory_space<vmem_shared>> -> memref<80x16xf32, #tpu.memory_space<vmem_shared>>
      %dma_start3A_1038 = arith.constant 0 : i32
      %dma_start3A_1039 = tpu.memref_slice %arg14[%add3A_967, %dma_start3A_1038] : memref<5128x16xf32, #tpu.memory_space<vmem_shared>> -> memref<80x16xf32, #tpu.memory_space<vmem_shared>>
      tpu.enqueue_dma source(%arg12 : memref<80x16xf32, #tpu.memory_space<vmem>>) target(%dma_start3A_1039 : memref<80x16xf32, #tpu.memory_space<vmem_shared>>) target_semaphore(%run_scoped3A : memref<!tpu.dma_semaphore, #tpu.memory_space<semaphore_mem>>)
      %dma_wait3A = arith.constant 0 : i32
      %dma_wait3A_1040 = tpu.memref_slice %arg14[%add3A_967, %dma_wait3A] : memref<5128x16xf32, #tpu.memory_space<vmem_shared>> -> memref<80x16xf32, #tpu.memory_space<vmem_shared>>
      %dma_wait3A_1041 = arith.constant 0 : i32
      %dma_wait3A_1042 = tpu.memref_slice %arg14[%add3A_967, %dma_wait3A_1041] : memref<5128x16xf32, #tpu.memory_space<vmem_shared>> -> memref<80x16xf32, #tpu.memory_space<vmem_shared>>
      tpu.wait_dma2 semaphore(%run_scoped3A : memref<!tpu.dma_semaphore, #tpu.memory_space<semaphore_mem>>) src(%arg12 : memref<80x16xf32, #tpu.memory_space<vmem>>) dst(%dma_wait3A_1042 : memref<80x16xf32, #tpu.memory_space<vmem_shared>>)
      tpu.yield
    }) : () -> ()
    %add3A_968 = arith.constant 80 : i32
    %add3A_969 = arith.addi %mul3A_0, %add3A_968 : i32
    "tpu.region"() ({
      %run_scoped3A = tpu.sem_alloc : memref<!tpu.dma_semaphore, #tpu.memory_space<semaphore_mem>>
      %dma_start3A = arith.constant 0 : i32
      %dma_start3A_1037 = tpu.memref_slice %arg13[%add3A_969, %dma_start3A] : memref<5128x128xf32, #tpu.memory_space<vmem_shared>> -> memref<80x128xf32, #tpu.memory_space<vmem_shared>>
      %dma_start3A_1038 = arith.constant 0 : i32
      %dma_start3A_1039 = tpu.memref_slice %arg13[%add3A_969, %dma_start3A_1038] : memref<5128x128xf32, #tpu.memory_space<vmem_shared>> -> memref<80x128xf32, #tpu.memory_space<vmem_shared>>
      tpu.enqueue_dma source(%arg11 : memref<80x128xf32, #tpu.memory_space<vmem>>) target(%dma_start3A_1039 : memref<80x128xf32, #tpu.memory_space<vmem_shared>>) target_semaphore(%run_scoped3A : memref<!tpu.dma_semaphore, #tpu.memory_space<semaphore_mem>>)
      %dma_wait3A = arith.constant 0 : i32
      %dma_wait3A_1040 = tpu.memref_slice %arg13[%add3A_969, %dma_wait3A] : memref<5128x128xf32, #tpu.memory_space<vmem_shared>> -> memref<80x128xf32, #tpu.memory_space<vmem_shared>>
      %dma_wait3A_1041 = arith.constant 0 : i32
      %dma_wait3A_1042 = tpu.memref_slice %arg13[%add3A_969, %dma_wait3A_1041] : memref<5128x128xf32, #tpu.memory_space<vmem_shared>> -> memref<80x128xf32, #tpu.memory_space<vmem_shared>>
      tpu.wait_dma2 semaphore(%run_scoped3A : memref<!tpu.dma_semaphore, #tpu.memory_space<semaphore_mem>>) src(%arg11 : memref<80x128xf32, #tpu.memory_space<vmem>>) dst(%dma_wait3A_1042 : memref<80x128xf32, #tpu.memory_space<vmem_shared>>)
      tpu.yield
    }) : () -> ()
    %add3A_970 = arith.constant 80 : i32
    %add3A_971 = arith.addi %mul3A_0, %add3A_970 : i32
    "tpu.region"() ({
      %run_scoped3A = tpu.sem_alloc : memref<!tpu.dma_semaphore, #tpu.memory_space<semaphore_mem>>
      %dma_start3A = arith.constant 0 : i32
      %dma_start3A_1037 = tpu.memref_slice %arg14[%add3A_971, %dma_start3A] : memref<5128x16xf32, #tpu.memory_space<vmem_shared>> -> memref<80x16xf32, #tpu.memory_space<vmem_shared>>
      %dma_start3A_1038 = arith.constant 0 : i32
      %dma_start3A_1039 = tpu.memref_slice %arg14[%add3A_971, %dma_start3A_1038] : memref<5128x16xf32, #tpu.memory_space<vmem_shared>> -> memref<80x16xf32, #tpu.memory_space<vmem_shared>>
      tpu.enqueue_dma source(%arg12 : memref<80x16xf32, #tpu.memory_space<vmem>>) target(%dma_start3A_1039 : memref<80x16xf32, #tpu.memory_space<vmem_shared>>) target_semaphore(%run_scoped3A : memref<!tpu.dma_semaphore, #tpu.memory_space<semaphore_mem>>)
      %dma_wait3A = arith.constant 0 : i32
      %dma_wait3A_1040 = tpu.memref_slice %arg14[%add3A_971, %dma_wait3A] : memref<5128x16xf32, #tpu.memory_space<vmem_shared>> -> memref<80x16xf32, #tpu.memory_space<vmem_shared>>
      %dma_wait3A_1041 = arith.constant 0 : i32
      %dma_wait3A_1042 = tpu.memref_slice %arg14[%add3A_971, %dma_wait3A_1041] : memref<5128x16xf32, #tpu.memory_space<vmem_shared>> -> memref<80x16xf32, #tpu.memory_space<vmem_shared>>
      tpu.wait_dma2 semaphore(%run_scoped3A : memref<!tpu.dma_semaphore, #tpu.memory_space<semaphore_mem>>) src(%arg12 : memref<80x16xf32, #tpu.memory_space<vmem>>) dst(%dma_wait3A_1042 : memref<80x16xf32, #tpu.memory_space<vmem_shared>>)
      tpu.yield
    }) : () -> ()
    %add3A_972 = arith.constant 160 : i32
    %add3A_973 = arith.addi %mul3A_0, %add3A_972 : i32
    "tpu.region"() ({
      %run_scoped3A = tpu.sem_alloc : memref<!tpu.dma_semaphore, #tpu.memory_space<semaphore_mem>>
      %dma_start3A = arith.constant 0 : i32
      %dma_start3A_1037 = tpu.memref_slice %arg13[%add3A_973, %dma_start3A] : memref<5128x128xf32, #tpu.memory_space<vmem_shared>> -> memref<80x128xf32, #tpu.memory_space<vmem_shared>>
      %dma_start3A_1038 = arith.constant 0 : i32
      %dma_start3A_1039 = tpu.memref_slice %arg13[%add3A_973, %dma_start3A_1038] : memref<5128x128xf32, #tpu.memory_space<vmem_shared>> -> memref<80x128xf32, #tpu.memory_space<vmem_shared>>
      tpu.enqueue_dma source(%arg11 : memref<80x128xf32, #tpu.memory_space<vmem>>) target(%dma_start3A_1039 : memref<80x128xf32, #tpu.memory_space<vmem_shared>>) target_semaphore(%run_scoped3A : memref<!tpu.dma_semaphore, #tpu.memory_space<semaphore_mem>>)
      %dma_wait3A = arith.constant 0 : i32
      %dma_wait3A_1040 = tpu.memref_slice %arg13[%add3A_973, %dma_wait3A] : memref<5128x128xf32, #tpu.memory_space<vmem_shared>> -> memref<80x128xf32, #tpu.memory_space<vmem_shared>>
      %dma_wait3A_1041 = arith.constant 0 : i32
      %dma_wait3A_1042 = tpu.memref_slice %arg13[%add3A_973, %dma_wait3A_1041] : memref<5128x128xf32, #tpu.memory_space<vmem_shared>> -> memref<80x128xf32, #tpu.memory_space<vmem_shared>>
      tpu.wait_dma2 semaphore(%run_scoped3A : memref<!tpu.dma_semaphore, #tpu.memory_space<semaphore_mem>>) src(%arg11 : memref<80x128xf32, #tpu.memory_space<vmem>>) dst(%dma_wait3A_1042 : memref<80x128xf32, #tpu.memory_space<vmem_shared>>)
      tpu.yield
    }) : () -> ()
    %add3A_974 = arith.constant 160 : i32
    %add3A_975 = arith.addi %mul3A_0, %add3A_974 : i32
    "tpu.region"() ({
      %run_scoped3A = tpu.sem_alloc : memref<!tpu.dma_semaphore, #tpu.memory_space<semaphore_mem>>
      %dma_start3A = arith.constant 0 : i32
      %dma_start3A_1037 = tpu.memref_slice %arg14[%add3A_975, %dma_start3A] : memref<5128x16xf32, #tpu.memory_space<vmem_shared>> -> memref<80x16xf32, #tpu.memory_space<vmem_shared>>
      %dma_start3A_1038 = arith.constant 0 : i32
      %dma_start3A_1039 = tpu.memref_slice %arg14[%add3A_975, %dma_start3A_1038] : memref<5128x16xf32, #tpu.memory_space<vmem_shared>> -> memref<80x16xf32, #tpu.memory_space<vmem_shared>>
      tpu.enqueue_dma source(%arg12 : memref<80x16xf32, #tpu.memory_space<vmem>>) target(%dma_start3A_1039 : memref<80x16xf32, #tpu.memory_space<vmem_shared>>) target_semaphore(%run_scoped3A : memref<!tpu.dma_semaphore, #tpu.memory_space<semaphore_mem>>)
      %dma_wait3A = arith.constant 0 : i32
      %dma_wait3A_1040 = tpu.memref_slice %arg14[%add3A_975, %dma_wait3A] : memref<5128x16xf32, #tpu.memory_space<vmem_shared>> -> memref<80x16xf32, #tpu.memory_space<vmem_shared>>
      %dma_wait3A_1041 = arith.constant 0 : i32
      %dma_wait3A_1042 = tpu.memref_slice %arg14[%add3A_975, %dma_wait3A_1041] : memref<5128x16xf32, #tpu.memory_space<vmem_shared>> -> memref<80x16xf32, #tpu.memory_space<vmem_shared>>
      tpu.wait_dma2 semaphore(%run_scoped3A : memref<!tpu.dma_semaphore, #tpu.memory_space<semaphore_mem>>) src(%arg12 : memref<80x16xf32, #tpu.memory_space<vmem>>) dst(%dma_wait3A_1042 : memref<80x16xf32, #tpu.memory_space<vmem_shared>>)
      tpu.yield
    }) : () -> ()
    %add3A_976 = arith.constant 240 : i32
    %add3A_977 = arith.addi %mul3A_0, %add3A_976 : i32
    "tpu.region"() ({
      %run_scoped3A = tpu.sem_alloc : memref<!tpu.dma_semaphore, #tpu.memory_space<semaphore_mem>>
      %dma_start3A = arith.constant 0 : i32
      %dma_start3A_1037 = tpu.memref_slice %arg13[%add3A_977, %dma_start3A] : memref<5128x128xf32, #tpu.memory_space<vmem_shared>> -> memref<80x128xf32, #tpu.memory_space<vmem_shared>>
      %dma_start3A_1038 = arith.constant 0 : i32
      %dma_start3A_1039 = tpu.memref_slice %arg13[%add3A_977, %dma_start3A_1038] : memref<5128x128xf32, #tpu.memory_space<vmem_shared>> -> memref<80x128xf32, #tpu.memory_space<vmem_shared>>
      tpu.enqueue_dma source(%arg11 : memref<80x128xf32, #tpu.memory_space<vmem>>) target(%dma_start3A_1039 : memref<80x128xf32, #tpu.memory_space<vmem_shared>>) target_semaphore(%run_scoped3A : memref<!tpu.dma_semaphore, #tpu.memory_space<semaphore_mem>>)
      %dma_wait3A = arith.constant 0 : i32
      %dma_wait3A_1040 = tpu.memref_slice %arg13[%add3A_977, %dma_wait3A] : memref<5128x128xf32, #tpu.memory_space<vmem_shared>> -> memref<80x128xf32, #tpu.memory_space<vmem_shared>>
      %dma_wait3A_1041 = arith.constant 0 : i32
      %dma_wait3A_1042 = tpu.memref_slice %arg13[%add3A_977, %dma_wait3A_1041] : memref<5128x128xf32, #tpu.memory_space<vmem_shared>> -> memref<80x128xf32, #tpu.memory_space<vmem_shared>>
      tpu.wait_dma2 semaphore(%run_scoped3A : memref<!tpu.dma_semaphore, #tpu.memory_space<semaphore_mem>>) src(%arg11 : memref<80x128xf32, #tpu.memory_space<vmem>>) dst(%dma_wait3A_1042 : memref<80x128xf32, #tpu.memory_space<vmem_shared>>)
      tpu.yield
    }) : () -> ()
    %add3A_978 = arith.constant 240 : i32
    %add3A_979 = arith.addi %mul3A_0, %add3A_978 : i32
    "tpu.region"() ({
      %run_scoped3A = tpu.sem_alloc : memref<!tpu.dma_semaphore, #tpu.memory_space<semaphore_mem>>
      %dma_start3A = arith.constant 0 : i32
      %dma_start3A_1037 = tpu.memref_slice %arg14[%add3A_979, %dma_start3A] : memref<5128x16xf32, #tpu.memory_space<vmem_shared>> -> memref<80x16xf32, #tpu.memory_space<vmem_shared>>
      %dma_start3A_1038 = arith.constant 0 : i32
      %dma_start3A_1039 = tpu.memref_slice %arg14[%add3A_979, %dma_start3A_1038] : memref<5128x16xf32, #tpu.memory_space<vmem_shared>> -> memref<80x16xf32, #tpu.memory_space<vmem_shared>>
      tpu.enqueue_dma source(%arg12 : memref<80x16xf32, #tpu.memory_space<vmem>>) target(%dma_start3A_1039 : memref<80x16xf32, #tpu.memory_space<vmem_shared>>) target_semaphore(%run_scoped3A : memref<!tpu.dma_semaphore, #tpu.memory_space<semaphore_mem>>)
      %dma_wait3A = arith.constant 0 : i32
      %dma_wait3A_1040 = tpu.memref_slice %arg14[%add3A_979, %dma_wait3A] : memref<5128x16xf32, #tpu.memory_space<vmem_shared>> -> memref<80x16xf32, #tpu.memory_space<vmem_shared>>
      %dma_wait3A_1041 = arith.constant 0 : i32
      %dma_wait3A_1042 = tpu.memref_slice %arg14[%add3A_979, %dma_wait3A_1041] : memref<5128x16xf32, #tpu.memory_space<vmem_shared>> -> memref<80x16xf32, #tpu.memory_space<vmem_shared>>
      tpu.wait_dma2 semaphore(%run_scoped3A : memref<!tpu.dma_semaphore, #tpu.memory_space<semaphore_mem>>) src(%arg12 : memref<80x16xf32, #tpu.memory_space<vmem>>) dst(%dma_wait3A_1042 : memref<80x16xf32, #tpu.memory_space<vmem_shared>>)
      tpu.yield
    }) : () -> ()
    %barrier3A = arith.constant 0 : index
    tpu.barrier barrier_id(%barrier3A)
    %scan3A = arith.constant 0 : i32
    %scan3A_980 = arith.constant 0 : i32
    %scan3A_981 = arith.constant 250 : i32
    %scan3A_982 = arith.addi %scan3A_980, %scan3A_981 : i32
    %scan3A_983 = arith.constant 1 : i32
    scf.for %scan3A_1037 = %scan3A_980 to %scan3A_982 step %scan3A_983  : i32 {
      %mul3A_1038 = arith.constant 20000 : i32
      %mul3A_1039 = arith.muli %arg1, %mul3A_1038 : i32
      %mul3A_1040 = arith.constant 80 : i32
      %mul3A_1041 = arith.muli %scan3A_1037, %mul3A_1040 : i32
      %add3A_1042 = arith.addi %mul3A_1039, %mul3A_1041 : i32
      "tpu.region"() ({
        %run_scoped3A = tpu.sem_alloc : memref<!tpu.dma_semaphore, #tpu.memory_space<semaphore_mem>>
        %dma_start3A_1135 = tpu.memref_slice %arg2[%add3A_1042] : memref<320000xi32, #tpu.memory_space<hbm>> -> memref<80xi32, #tpu.memory_space<hbm>>
        %dma_start3A_1136 = tpu.memref_slice %arg2[%add3A_1042] : memref<320000xi32, #tpu.memory_space<hbm>> -> memref<80xi32, #tpu.memory_space<hbm>>
        tpu.enqueue_dma source(%dma_start3A_1136 : memref<80xi32, #tpu.memory_space<hbm>>) target(%arg7 : memref<80xi32, #tpu.memory_space<vmem>>) target_semaphore(%run_scoped3A : memref<!tpu.dma_semaphore, #tpu.memory_space<semaphore_mem>>)
        %dma_wait3A_1137 = tpu.memref_slice %arg2[%add3A_1042] : memref<320000xi32, #tpu.memory_space<hbm>> -> memref<80xi32, #tpu.memory_space<hbm>>
        %dma_wait3A_1138 = tpu.memref_slice %arg2[%add3A_1042] : memref<320000xi32, #tpu.memory_space<hbm>> -> memref<80xi32, #tpu.memory_space<hbm>>
        tpu.wait_dma2 semaphore(%run_scoped3A : memref<!tpu.dma_semaphore, #tpu.memory_space<semaphore_mem>>) src(%dma_wait3A_1138 : memref<80xi32, #tpu.memory_space<hbm>>) dst(%arg7 : memref<80xi32, #tpu.memory_space<vmem>>)
        tpu.yield
      }) : () -> ()
      "tpu.region"() ({
        %run_scoped3A = tpu.sem_alloc : memref<!tpu.dma_semaphore, #tpu.memory_space<semaphore_mem>>
        %dma_start3A_1135 = tpu.memref_slice %arg3[%add3A_1042] : memref<320000xi32, #tpu.memory_space<hbm>> -> memref<80xi32, #tpu.memory_space<hbm>>
        %dma_start3A_1136 = tpu.memref_slice %arg3[%add3A_1042] : memref<320000xi32, #tpu.memory_space<hbm>> -> memref<80xi32, #tpu.memory_space<hbm>>
        tpu.enqueue_dma source(%dma_start3A_1136 : memref<80xi32, #tpu.memory_space<hbm>>) target(%arg8 : memref<80xi32, #tpu.memory_space<vmem>>) target_semaphore(%run_scoped3A : memref<!tpu.dma_semaphore, #tpu.memory_space<semaphore_mem>>)
        %dma_wait3A_1137 = tpu.memref_slice %arg3[%add3A_1042] : memref<320000xi32, #tpu.memory_space<hbm>> -> memref<80xi32, #tpu.memory_space<hbm>>
        %dma_wait3A_1138 = tpu.memref_slice %arg3[%add3A_1042] : memref<320000xi32, #tpu.memory_space<hbm>> -> memref<80xi32, #tpu.memory_space<hbm>>
        tpu.wait_dma2 semaphore(%run_scoped3A : memref<!tpu.dma_semaphore, #tpu.memory_space<semaphore_mem>>) src(%dma_wait3A_1138 : memref<80xi32, #tpu.memory_space<hbm>>) dst(%arg8 : memref<80xi32, #tpu.memory_space<vmem>>)
        tpu.yield
      }) : () -> ()
      %dma_start3A = arith.constant 0 : i32
      %dma_start3A_1043 = arith.constant 0 : i32
      %dma_start3A_1044 = tpu.memref_slice %arg4[%dma_start3A, %dma_start3A_1043] : memref<10000x128xf32, #tpu.memory_space<hbm>> -> memref<10000x128xf32, #tpu.memory_space<hbm>>
      tpu.enqueue_indirect_dma source(%dma_start3A_1044 : memref<10000x128xf32, #tpu.memory_space<hbm>>) target(%arg9 : memref<80x128xf32, #tpu.memory_space<vmem>>) offsets(%arg7 : memref<80xi32, #tpu.memory_space<vmem>>) semaphore(%arg15 : memref<!tpu.dma_semaphore, #tpu.memory_space<semaphore_mem>>)
      %dma_wait3A = arith.constant 0 : i32
      %dma_wait3A_1045 = arith.constant 0 : i32
      %dma_wait3A_1046 = tpu.memref_slice %arg4[%dma_wait3A, %dma_wait3A_1045] : memref<10000x128xf32, #tpu.memory_space<hbm>> -> memref<10000x128xf32, #tpu.memory_space<hbm>>
      tpu.wait_indirect_dma semaphore(%arg15 : memref<!tpu.dma_semaphore, #tpu.memory_space<semaphore_mem>>) src(%dma_wait3A_1046 : memref<10000x128xf32, #tpu.memory_space<hbm>>) dst(%arg9 : memref<80x128xf32, #tpu.memory_space<vmem>>)
      %get3A = arith.constant 0 : index
      %get3A_1047 = tpu.vector_load %arg8[%get3A] {strides = array<i32>} : memref<80xi32, #tpu.memory_space<vmem>>, vector<16xi32>,
      %get3A_1048 = vector.shape_cast %get3A_1047 : vector<16xi32> to vector<16xi32>
      %sub3A = vector.broadcast %mul3A_2 : i32 to vector<16xi32>
      %sub3A_1049 = arith.subi %get3A_1048, %sub3A : vector<16xi32>
      %ge3A = arith.constant 0 : i32
      %ge3A_1050 = vector.broadcast %ge3A : i32 to vector<16xi32>
      %ge3A_1051 = arith.cmpi sge, %sub3A_1049, %ge3A_1050 : vector<16xi32>
      %lt3A = arith.constant 5120 : i32
      %lt3A_1052 = vector.broadcast %lt3A : i32 to vector<16xi32>
      %lt3A_1053 = arith.cmpi slt, %sub3A_1049, %lt3A_1052 : vector<16xi32>
      %and3A = arith.andi %ge3A_1051, %lt3A_1053 : vector<16xi1>
      %jit3A = arith.constant 5120 : i32
      %broadcast_in_dim3A_1054 = vector.broadcast %jit3A : i32 to vector<16xi32>
      %select_n3A = arith.select %and3A, %sub3A_1049, %broadcast_in_dim3A_1054 : vector<16xi1>, vector<16xi32>
      %swap3A_1055 = arith.constant 0 : index
      %swap3A_1056 = tpu.vector_load %arg8[%swap3A_1055] {strides = array<i32>} : memref<80xi32, #tpu.memory_space<vmem>>, vector<16xi32>,
      %swap3A_1057 = vector.shape_cast %swap3A_1056 : vector<16xi32> to vector<16xi32>
      %swap3A_1058 = vector.shape_cast %select_n3A : vector<16xi32> to vector<16xi32>
      tpu.vector_store %arg8[%swap3A_1055], %swap3A_1058 {strides = array<i32>} : memref<80xi32, #tpu.memory_space<vmem>>, vector<16xi32>,
      %get3A_1059 = arith.constant 16 : index
      %get3A_1060 = tpu.vector_load %arg8[%get3A_1059] {strides = array<i32>} : memref<80xi32, #tpu.memory_space<vmem>>, vector<16xi32>,
      %get3A_1061 = vector.shape_cast %get3A_1060 : vector<16xi32> to vector<16xi32>
      %sub3A_1062 = vector.broadcast %mul3A_2 : i32 to vector<16xi32>
      %sub3A_1063 = arith.subi %get3A_1061, %sub3A_1062 : vector<16xi32>
      %ge3A_1064 = arith.constant 0 : i32
      %ge3A_1065 = vector.broadcast %ge3A_1064 : i32 to vector<16xi32>
      %ge3A_1066 = arith.cmpi sge, %sub3A_1063, %ge3A_1065 : vector<16xi32>
      %lt3A_1067 = arith.constant 5120 : i32
      %lt3A_1068 = vector.broadcast %lt3A_1067 : i32 to vector<16xi32>
      %lt3A_1069 = arith.cmpi slt, %sub3A_1063, %lt3A_1068 : vector<16xi32>
      %and3A_1070 = arith.andi %ge3A_1066, %lt3A_1069 : vector<16xi1>
      %jit3A_1071 = arith.constant 5120 : i32
      %broadcast_in_dim3A_1072 = vector.broadcast %jit3A_1071 : i32 to vector<16xi32>
      %select_n3A_1073 = arith.select %and3A_1070, %sub3A_1063, %broadcast_in_dim3A_1072 : vector<16xi1>, vector<16xi32>
      %swap3A_1074 = arith.constant 16 : index
      %swap3A_1075 = tpu.vector_load %arg8[%swap3A_1074] {strides = array<i32>} : memref<80xi32, #tpu.memory_space<vmem>>, vector<16xi32>,
      %swap3A_1076 = vector.shape_cast %swap3A_1075 : vector<16xi32> to vector<16xi32>
      %swap3A_1077 = vector.shape_cast %select_n3A_1073 : vector<16xi32> to vector<16xi32>
      tpu.vector_store %arg8[%swap3A_1074], %swap3A_1077 {strides = array<i32>} : memref<80xi32, #tpu.memory_space<vmem>>, vector<16xi32>,
      %get3A_1078 = arith.constant 32 : index
      %get3A_1079 = tpu.vector_load %arg8[%get3A_1078] {strides = array<i32>} : memref<80xi32, #tpu.memory_space<vmem>>, vector<16xi32>,
      %get3A_1080 = vector.shape_cast %get3A_1079 : vector<16xi32> to vector<16xi32>
      %sub3A_1081 = vector.broadcast %mul3A_2 : i32 to vector<16xi32>
      %sub3A_1082 = arith.subi %get3A_1080, %sub3A_1081 : vector<16xi32>
      %ge3A_1083 = arith.constant 0 : i32
      %ge3A_1084 = vector.broadcast %ge3A_1083 : i32 to vector<16xi32>
      %ge3A_1085 = arith.cmpi sge, %sub3A_1082, %ge3A_1084 : vector<16xi32>
      %lt3A_1086 = arith.constant 5120 : i32
      %lt3A_1087 = vector.broadcast %lt3A_1086 : i32 to vector<16xi32>
      %lt3A_1088 = arith.cmpi slt, %sub3A_1082, %lt3A_1087 : vector<16xi32>
      %and3A_1089 = arith.andi %ge3A_1085, %lt3A_1088 : vector<16xi1>
      %jit3A_1090 = arith.constant 5120 : i32
      %broadcast_in_dim3A_1091 = vector.broadcast %jit3A_1090 : i32 to vector<16xi32>
      %select_n3A_1092 = arith.select %and3A_1089, %sub3A_1082, %broadcast_in_dim3A_1091 : vector<16xi1>, vector<16xi32>
      %swap3A_1093 = arith.constant 32 : index
      %swap3A_1094 = tpu.vector_load %arg8[%swap3A_1093] {strides = array<i32>} : memref<80xi32, #tpu.memory_space<vmem>>, vector<16xi32>,
      %swap3A_1095 = vector.shape_cast %swap3A_1094 : vector<16xi32> to vector<16xi32>
      %swap3A_1096 = vector.shape_cast %select_n3A_1092 : vector<16xi32> to vector<16xi32>
      tpu.vector_store %arg8[%swap3A_1093], %swap3A_1096 {strides = array<i32>} : memref<80xi32, #tpu.memory_space<vmem>>, vector<16xi32>,
      %get3A_1097 = arith.constant 48 : index
      %get3A_1098 = tpu.vector_load %arg8[%get3A_1097] {strides = array<i32>} : memref<80xi32, #tpu.memory_space<vmem>>, vector<16xi32>,
      %get3A_1099 = vector.shape_cast %get3A_1098 : vector<16xi32> to vector<16xi32>
      %sub3A_1100 = vector.broadcast %mul3A_2 : i32 to vector<16xi32>
      %sub3A_1101 = arith.subi %get3A_1099, %sub3A_1100 : vector<16xi32>
      %ge3A_1102 = arith.constant 0 : i32
      %ge3A_1103 = vector.broadcast %ge3A_1102 : i32 to vector<16xi32>
      %ge3A_1104 = arith.cmpi sge, %sub3A_1101, %ge3A_1103 : vector<16xi32>
      %lt3A_1105 = arith.constant 5120 : i32
      %lt3A_1106 = vector.broadcast %lt3A_1105 : i32 to vector<16xi32>
      %lt3A_1107 = arith.cmpi slt, %sub3A_1101, %lt3A_1106 : vector<16xi32>
      %and3A_1108 = arith.andi %ge3A_1104, %lt3A_1107 : vector<16xi1>
      %jit3A_1109 = arith.constant 5120 : i32
      %broadcast_in_dim3A_1110 = vector.broadcast %jit3A_1109 : i32 to vector<16xi32>
      %select_n3A_1111 = arith.select %and3A_1108, %sub3A_1101, %broadcast_in_dim3A_1110 : vector<16xi1>, vector<16xi32>
      %swap3A_1112 = arith.constant 48 : index
      %swap3A_1113 = tpu.vector_load %arg8[%swap3A_1112] {strides = array<i32>} : memref<80xi32, #tpu.memory_space<vmem>>, vector<16xi32>,
      %swap3A_1114 = vector.shape_cast %swap3A_1113 : vector<16xi32> to vector<16xi32>
      %swap3A_1115 = vector.shape_cast %select_n3A_1111 : vector<16xi32> to vector<16xi32>
      tpu.vector_store %arg8[%swap3A_1112], %swap3A_1115 {strides = array<i32>} : memref<80xi32, #tpu.memory_space<vmem>>, vector<16xi32>,
      %get3A_1116 = arith.constant 64 : index
      %get3A_1117 = tpu.vector_load %arg8[%get3A_1116] {strides = array<i32>} : memref<80xi32, #tpu.memory_space<vmem>>, vector<16xi32>,
      %get3A_1118 = vector.shape_cast %get3A_1117 : vector<16xi32> to vector<16xi32>
      %sub3A_1119 = vector.broadcast %mul3A_2 : i32 to vector<16xi32>
      %sub3A_1120 = arith.subi %get3A_1118, %sub3A_1119 : vector<16xi32>
      %ge3A_1121 = arith.constant 0 : i32
      %ge3A_1122 = vector.broadcast %ge3A_1121 : i32 to vector<16xi32>
      %ge3A_1123 = arith.cmpi sge, %sub3A_1120, %ge3A_1122 : vector<16xi32>
      %lt3A_1124 = arith.constant 5120 : i32
      %lt3A_1125 = vector.broadcast %lt3A_1124 : i32 to vector<16xi32>
      %lt3A_1126 = arith.cmpi slt, %sub3A_1120, %lt3A_1125 : vector<16xi32>
      %and3A_1127 = arith.andi %ge3A_1123, %lt3A_1126 : vector<16xi1>
      %jit3A_1128 = arith.constant 5120 : i32
      %broadcast_in_dim3A_1129 = vector.broadcast %jit3A_1128 : i32 to vector<16xi32>
      %select_n3A_1130 = arith.select %and3A_1127, %sub3A_1120, %broadcast_in_dim3A_1129 : vector<16xi1>, vector<16xi32>
      %swap3A_1131 = arith.constant 64 : index
      %swap3A_1132 = tpu.vector_load %arg8[%swap3A_1131] {strides = array<i32>} : memref<80xi32, #tpu.memory_space<vmem>>, vector<16xi32>,
      %swap3A_1133 = vector.shape_cast %swap3A_1132 : vector<16xi32> to vector<16xi32>
      %swap3A_1134 = vector.shape_cast %select_n3A_1130 : vector<16xi32> to vector<16xi32>
      tpu.vector_store %arg8[%swap3A_1131], %swap3A_1134 {strides = array<i32>} : memref<80xi32, #tpu.memory_space<vmem>>, vector<16xi32>,
      "tpu.region"() ({
        %run_scoped3A = tpu.sem_alloc : memref<!tpu.dma_semaphore, #tpu.memory_space<semaphore_mem>>
        %dma_start3A_1135 = arith.constant 0 : i32
        %dma_start3A_1136 = arith.constant 0 : i32
        %dma_start3A_1137 = tpu.memref_slice %arg13[%dma_start3A_1135, %dma_start3A_1136] : memref<5128x128xf32, #tpu.memory_space<vmem_shared>> -> memref<5128x128xf32, #tpu.memory_space<vmem_shared>>
        tpu.enqueue_indirect_dma source(%arg9 : memref<80x128xf32, #tpu.memory_space<vmem>>) target(%dma_start3A_1137 : memref<5128x128xf32, #tpu.memory_space<vmem_shared>>) offsets(%arg8 : memref<80xi32, #tpu.memory_space<vmem>>) semaphore(%run_scoped3A : memref<!tpu.dma_semaphore, #tpu.memory_space<semaphore_mem>>) {add = true}
        %dma_wait3A_1138 = arith.constant 0 : i32
        %dma_wait3A_1139 = arith.constant 0 : i32
        %dma_wait3A_1140 = tpu.memref_slice %arg13[%dma_wait3A_1138, %dma_wait3A_1139] : memref<5128x128xf32, #tpu.memory_space<vmem_shared>> -> memref<5128x128xf32, #tpu.memory_space<vmem_shared>>
        tpu.wait_indirect_dma semaphore(%run_scoped3A : memref<!tpu.dma_semaphore, #tpu.memory_space<semaphore_mem>>) src(%arg9 : memref<80x128xf32, #tpu.memory_space<vmem>>) dst(%dma_wait3A_1140 : memref<5128x128xf32, #tpu.memory_space<vmem_shared>>)
        tpu.yield
      }) : () -> ()
      "tpu.region"() ({
        %run_scoped3A = tpu.sem_alloc : memref<!tpu.dma_semaphore, #tpu.memory_space<semaphore_mem>>
        %dma_start3A_1135 = arith.constant 0 : i32
        %dma_start3A_1136 = arith.constant 0 : i32
        %dma_start3A_1137 = tpu.memref_slice %arg14[%dma_start3A_1135, %dma_start3A_1136] : memref<5128x16xf32, #tpu.memory_space<vmem_shared>> -> memref<5128x16xf32, #tpu.memory_space<vmem_shared>>
        tpu.enqueue_indirect_dma source(%arg10 : memref<80x16xf32, #tpu.memory_space<vmem>>) target(%dma_start3A_1137 : memref<5128x16xf32, #tpu.memory_space<vmem_shared>>) offsets(%arg8 : memref<80xi32, #tpu.memory_space<vmem>>) semaphore(%run_scoped3A : memref<!tpu.dma_semaphore, #tpu.memory_space<semaphore_mem>>) {add = true}
        %dma_wait3A_1138 = arith.constant 0 : i32
        %dma_wait3A_1139 = arith.constant 0 : i32
        %dma_wait3A_1140 = tpu.memref_slice %arg14[%dma_wait3A_1138, %dma_wait3A_1139] : memref<5128x16xf32, #tpu.memory_space<vmem_shared>> -> memref<5128x16xf32, #tpu.memory_space<vmem_shared>>
        tpu.wait_indirect_dma semaphore(%run_scoped3A : memref<!tpu.dma_semaphore, #tpu.memory_space<semaphore_mem>>) src(%arg10 : memref<80x16xf32, #tpu.memory_space<vmem>>) dst(%dma_wait3A_1140 : memref<5128x16xf32, #tpu.memory_space<vmem_shared>>)
        tpu.yield
      }) : () -> ()
    }
    %scan3A_984 = arith.constant 250 : i32
    %barrier3A_985 = arith.constant 0 : index
    tpu.barrier barrier_id(%barrier3A_985)
    %mul3A_986 = arith.constant 5120 : i32
    %mul3A_987 = arith.muli %arg0, %mul3A_986 : i32
    %add3A_988 = arith.addi %mul3A_987, %mul3A_0 : i32
    %add3A_989 = arith.constant 0 : i32
    %add3A_990 = arith.addi %mul3A_0, %add3A_989 : i32
    "tpu.region"() ({
      %run_scoped3A = tpu.sem_alloc : memref<!tpu.dma_semaphore, #tpu.memory_space<semaphore_mem>>
      %dma_start3A = arith.constant 0 : i32
      %dma_start3A_1037 = tpu.memref_slice %arg13[%add3A_990, %dma_start3A] : memref<5128x128xf32, #tpu.memory_space<vmem_shared>> -> memref<80x128xf32, #tpu.memory_space<vmem_shared>>
      %dma_start3A_1038 = arith.constant 0 : i32
      %dma_start3A_1039 = tpu.memref_slice %arg13[%add3A_990, %dma_start3A_1038] : memref<5128x128xf32, #tpu.memory_space<vmem_shared>> -> memref<80x128xf32, #tpu.memory_space<vmem_shared>>
      tpu.enqueue_dma source(%dma_start3A_1039 : memref<80x128xf32, #tpu.memory_space<vmem_shared>>) target(%arg11 : memref<80x128xf32, #tpu.memory_space<vmem>>) target_semaphore(%run_scoped3A : memref<!tpu.dma_semaphore, #tpu.memory_space<semaphore_mem>>)
      %dma_wait3A = arith.constant 0 : i32
      %dma_wait3A_1040 = tpu.memref_slice %arg13[%add3A_990, %dma_wait3A] : memref<5128x128xf32, #tpu.memory_space<vmem_shared>> -> memref<80x128xf32, #tpu.memory_space<vmem_shared>>
      %dma_wait3A_1041 = arith.constant 0 : i32
      %dma_wait3A_1042 = tpu.memref_slice %arg13[%add3A_990, %dma_wait3A_1041] : memref<5128x128xf32, #tpu.memory_space<vmem_shared>> -> memref<80x128xf32, #tpu.memory_space<vmem_shared>>
      tpu.wait_dma2 semaphore(%run_scoped3A : memref<!tpu.dma_semaphore, #tpu.memory_space<semaphore_mem>>) src(%dma_wait3A_1042 : memref<80x128xf32, #tpu.memory_space<vmem_shared>>) dst(%arg11 : memref<80x128xf32, #tpu.memory_space<vmem>>)
      tpu.yield
    }) : () -> ()
    %add3A_991 = arith.constant 0 : i32
    %add3A_992 = arith.addi %mul3A_0, %add3A_991 : i32
    "tpu.region"() ({
      %run_scoped3A = tpu.sem_alloc : memref<!tpu.dma_semaphore, #tpu.memory_space<semaphore_mem>>
      %dma_start3A = arith.constant 0 : i32
      %dma_start3A_1037 = tpu.memref_slice %arg14[%add3A_992, %dma_start3A] : memref<5128x16xf32, #tpu.memory_space<vmem_shared>> -> memref<80x16xf32, #tpu.memory_space<vmem_shared>>
      %dma_start3A_1038 = arith.constant 0 : i32
      %dma_start3A_1039 = tpu.memref_slice %arg14[%add3A_992, %dma_start3A_1038] : memref<5128x16xf32, #tpu.memory_space<vmem_shared>> -> memref<80x16xf32, #tpu.memory_space<vmem_shared>>
      tpu.enqueue_dma source(%dma_start3A_1039 : memref<80x16xf32, #tpu.memory_space<vmem_shared>>) target(%arg12 : memref<80x16xf32, #tpu.memory_space<vmem>>) target_semaphore(%run_scoped3A : memref<!tpu.dma_semaphore, #tpu.memory_space<semaphore_mem>>)
      %dma_wait3A = arith.constant 0 : i32
      %dma_wait3A_1040 = tpu.memref_slice %arg14[%add3A_992, %dma_wait3A] : memref<5128x16xf32, #tpu.memory_space<vmem_shared>> -> memref<80x16xf32, #tpu.memory_space<vmem_shared>>
      %dma_wait3A_1041 = arith.constant 0 : i32
      %dma_wait3A_1042 = tpu.memref_slice %arg14[%add3A_992, %dma_wait3A_1041] : memref<5128x16xf32, #tpu.memory_space<vmem_shared>> -> memref<80x16xf32, #tpu.memory_space<vmem_shared>>
      tpu.wait_dma2 semaphore(%run_scoped3A : memref<!tpu.dma_semaphore, #tpu.memory_space<semaphore_mem>>) src(%dma_wait3A_1042 : memref<80x16xf32, #tpu.memory_space<vmem_shared>>) dst(%arg12 : memref<80x16xf32, #tpu.memory_space<vmem>>)
      tpu.yield
    }) : () -> ()
    %scan3A_993 = arith.constant 0 : i32
    %scan3A_994 = arith.constant 0 : i32
    %scan3A_995 = arith.constant 80 : i32
    %scan3A_996 = arith.addi %scan3A_994, %scan3A_995 : i32
    %scan3A_997 = arith.constant 1 : i32
    scf.for %scan3A_1037 = %scan3A_994 to %scan3A_996 step %scan3A_997  : i32 {
      %get3A = arith.index_cast %scan3A_1037 : i32 to index
      %get3A_1038 = arith.constant 0 : index
      %get3A_1039 = tpu.vector_load %arg12[%get3A, %get3A_1038] {strides = array<i32>} : memref<80x16xf32, #tpu.memory_space<vmem>>, vector<1x16xf32>,
      %get3A_1040 = vector.shape_cast %get3A_1039 : vector<1x16xf32> to vector<16xf32>
      %max3A = arith.constant 1.000000e+00 : f32
      %max3A_1041 = vector.broadcast %max3A : f32 to vector<16xf32>
      %max3A_1042 = arith.maximumf %get3A_1040, %max3A_1041 : vector<16xf32>
      %div3A = arith.constant 1.000000e+00 : f32
      %div3A_1043 = vector.broadcast %div3A : f32 to vector<16xf32>
      %div3A_1044 = arith.divf %div3A_1043, %max3A_1042 : vector<16xf32>
      %get3A_1045 = arith.index_cast %scan3A_1037 : i32 to index
      %get3A_1046 = arith.constant 0 : index
      %get3A_1047 = tpu.vector_load %arg11[%get3A_1045, %get3A_1046] {strides = array<i32>} : memref<80x128xf32, #tpu.memory_space<vmem>>, vector<1x16xf32>,
      %get3A_1048 = vector.shape_cast %get3A_1047 : vector<1x16xf32> to vector<16xf32>
      %mul3A_1049 = arith.mulf %get3A_1048, %div3A_1044 : vector<16xf32>
      %swap3A_1050 = arith.index_cast %scan3A_1037 : i32 to index
      %swap3A_1051 = arith.constant 0 : index
      %swap3A_1052 = tpu.vector_load %arg11[%swap3A_1050, %swap3A_1051] {strides = array<i32>} : memref<80x128xf32, #tpu.memory_space<vmem>>, vector<1x16xf32>,
      %swap3A_1053 = vector.shape_cast %swap3A_1052 : vector<1x16xf32> to vector<16xf32>
      %swap3A_1054 = vector.shape_cast %mul3A_1049 : vector<16xf32> to vector<1x16xf32>
      tpu.vector_store %arg11[%swap3A_1050, %swap3A_1051], %swap3A_1054 {strides = array<i32>} : memref<80x128xf32, #tpu.memory_space<vmem>>, vector<1x16xf32>,
      %get3A_1055 = arith.index_cast %scan3A_1037 : i32 to index
      %get3A_1056 = arith.constant 16 : index
      %get3A_1057 = tpu.vector_load %arg11[%get3A_1055, %get3A_1056] {strides = array<i32>} : memref<80x128xf32, #tpu.memory_space<vmem>>, vector<1x16xf32>,
      %get3A_1058 = vector.shape_cast %get3A_1057 : vector<1x16xf32> to vector<16xf32>
      %mul3A_1059 = arith.mulf %get3A_1058, %div3A_1044 : vector<16xf32>
      %swap3A_1060 = arith.index_cast %scan3A_1037 : i32 to index
      %swap3A_1061 = arith.constant 16 : index
      %swap3A_1062 = tpu.vector_load %arg11[%swap3A_1060, %swap3A_1061] {strides = array<i32>} : memref<80x128xf32, #tpu.memory_space<vmem>>, vector<1x16xf32>,
      %swap3A_1063 = vector.shape_cast %swap3A_1062 : vector<1x16xf32> to vector<16xf32>
      %swap3A_1064 = vector.shape_cast %mul3A_1059 : vector<16xf32> to vector<1x16xf32>
      tpu.vector_store %arg11[%swap3A_1060, %swap3A_1061], %swap3A_1064 {strides = array<i32>} : memref<80x128xf32, #tpu.memory_space<vmem>>, vector<1x16xf32>,
      %get3A_1065 = arith.index_cast %scan3A_1037 : i32 to index
      %get3A_1066 = arith.constant 32 : index
      %get3A_1067 = tpu.vector_load %arg11[%get3A_1065, %get3A_1066] {strides = array<i32>} : memref<80x128xf32, #tpu.memory_space<vmem>>, vector<1x16xf32>,
      %get3A_1068 = vector.shape_cast %get3A_1067 : vector<1x16xf32> to vector<16xf32>
      %mul3A_1069 = arith.mulf %get3A_1068, %div3A_1044 : vector<16xf32>
      %swap3A_1070 = arith.index_cast %scan3A_1037 : i32 to index
      %swap3A_1071 = arith.constant 32 : index
      %swap3A_1072 = tpu.vector_load %arg11[%swap3A_1070, %swap3A_1071] {strides = array<i32>} : memref<80x128xf32, #tpu.memory_space<vmem>>, vector<1x16xf32>,
      %swap3A_1073 = vector.shape_cast %swap3A_1072 : vector<1x16xf32> to vector<16xf32>
      %swap3A_1074 = vector.shape_cast %mul3A_1069 : vector<16xf32> to vector<1x16xf32>
      tpu.vector_store %arg11[%swap3A_1070, %swap3A_1071], %swap3A_1074 {strides = array<i32>} : memref<80x128xf32, #tpu.memory_space<vmem>>, vector<1x16xf32>,
      %get3A_1075 = arith.index_cast %scan3A_1037 : i32 to index
      %get3A_1076 = arith.constant 48 : index
      %get3A_1077 = tpu.vector_load %arg11[%get3A_1075, %get3A_1076] {strides = array<i32>} : memref<80x128xf32, #tpu.memory_space<vmem>>, vector<1x16xf32>,
      %get3A_1078 = vector.shape_cast %get3A_1077 : vector<1x16xf32> to vector<16xf32>
      %mul3A_1079 = arith.mulf %get3A_1078, %div3A_1044 : vector<16xf32>
      %swap3A_1080 = arith.index_cast %scan3A_1037 : i32 to index
      %swap3A_1081 = arith.constant 48 : index
      %swap3A_1082 = tpu.vector_load %arg11[%swap3A_1080, %swap3A_1081] {strides = array<i32>} : memref<80x128xf32, #tpu.memory_space<vmem>>, vector<1x16xf32>,
      %swap3A_1083 = vector.shape_cast %swap3A_1082 : vector<1x16xf32> to vector<16xf32>
      %swap3A_1084 = vector.shape_cast %mul3A_1079 : vector<16xf32> to vector<1x16xf32>
      tpu.vector_store %arg11[%swap3A_1080, %swap3A_1081], %swap3A_1084 {strides = array<i32>} : memref<80x128xf32, #tpu.memory_space<vmem>>, vector<1x16xf32>,
      %get3A_1085 = arith.index_cast %scan3A_1037 : i32 to index
      %get3A_1086 = arith.constant 64 : index
      %get3A_1087 = tpu.vector_load %arg11[%get3A_1085, %get3A_1086] {strides = array<i32>} : memref<80x128xf32, #tpu.memory_space<vmem>>, vector<1x16xf32>,
      %get3A_1088 = vector.shape_cast %get3A_1087 : vector<1x16xf32> to vector<16xf32>
      %mul3A_1089 = arith.mulf %get3A_1088, %div3A_1044 : vector<16xf32>
      %swap3A_1090 = arith.index_cast %scan3A_1037 : i32 to index
      %swap3A_1091 = arith.constant 64 : index
      %swap3A_1092 = tpu.vector_load %arg11[%swap3A_1090, %swap3A_1091] {strides = array<i32>} : memref<80x128xf32, #tpu.memory_space<vmem>>, vector<1x16xf32>,
      %swap3A_1093 = vector.shape_cast %swap3A_1092 : vector<1x16xf32> to vector<16xf32>
      %swap3A_1094 = vector.shape_cast %mul3A_1089 : vector<16xf32> to vector<1x16xf32>
      tpu.vector_store %arg11[%swap3A_1090, %swap3A_1091], %swap3A_1094 {strides = array<i32>} : memref<80x128xf32, #tpu.memory_space<vmem>>, vector<1x16xf32>,
      %get3A_1095 = arith.index_cast %scan3A_1037 : i32 to index
      %get3A_1096 = arith.constant 80 : index
      %get3A_1097 = tpu.vector_load %arg11[%get3A_1095, %get3A_1096] {strides = array<i32>} : memref<80x128xf32, #tpu.memory_space<vmem>>, vector<1x16xf32>,
      %get3A_1098 = vector.shape_cast %get3A_1097 : vector<1x16xf32> to vector<16xf32>
      %mul3A_1099 = arith.mulf %get3A_1098, %div3A_1044 : vector<16xf32>
      %swap3A_1100 = arith.index_cast %scan3A_1037 : i32 to index
      %swap3A_1101 = arith.constant 80 : index
      %swap3A_1102 = tpu.vector_load %arg11[%swap3A_1100, %swap3A_1101] {strides = array<i32>} : memref<80x128xf32, #tpu.memory_space<vmem>>, vector<1x16xf32>,
      %swap3A_1103 = vector.shape_cast %swap3A_1102 : vector<1x16xf32> to vector<16xf32>
      %swap3A_1104 = vector.shape_cast %mul3A_1099 : vector<16xf32> to vector<1x16xf32>
      tpu.vector_store %arg11[%swap3A_1100, %swap3A_1101], %swap3A_1104 {strides = array<i32>} : memref<80x128xf32, #tpu.memory_space<vmem>>, vector<1x16xf32>,
      %get3A_1105 = arith.index_cast %scan3A_1037 : i32 to index
      %get3A_1106 = arith.constant 96 : index
      %get3A_1107 = tpu.vector_load %arg11[%get3A_1105, %get3A_1106] {strides = array<i32>} : memref<80x128xf32, #tpu.memory_space<vmem>>, vector<1x16xf32>,
      %get3A_1108 = vector.shape_cast %get3A_1107 : vector<1x16xf32> to vector<16xf32>
      %mul3A_1109 = arith.mulf %get3A_1108, %div3A_1044 : vector<16xf32>
      %swap3A_1110 = arith.index_cast %scan3A_1037 : i32 to index
      %swap3A_1111 = arith.constant 96 : index
      %swap3A_1112 = tpu.vector_load %arg11[%swap3A_1110, %swap3A_1111] {strides = array<i32>} : memref<80x128xf32, #tpu.memory_space<vmem>>, vector<1x16xf32>,
      %swap3A_1113 = vector.shape_cast %swap3A_1112 : vector<1x16xf32> to vector<16xf32>
      %swap3A_1114 = vector.shape_cast %mul3A_1109 : vector<16xf32> to vector<1x16xf32>
      tpu.vector_store %arg11[%swap3A_1110, %swap3A_1111], %swap3A_1114 {strides = array<i32>} : memref<80x128xf32, #tpu.memory_space<vmem>>, vector<1x16xf32>,
      %get3A_1115 = arith.index_cast %scan3A_1037 : i32 to index
      %get3A_1116 = arith.constant 112 : index
      %get3A_1117 = tpu.vector_load %arg11[%get3A_1115, %get3A_1116] {strides = array<i32>} : memref<80x128xf32, #tpu.memory_space<vmem>>, vector<1x16xf32>,
      %get3A_1118 = vector.shape_cast %get3A_1117 : vector<1x16xf32> to vector<16xf32>
      %mul3A_1119 = arith.mulf %get3A_1118, %div3A_1044 : vector<16xf32>
      %swap3A_1120 = arith.index_cast %scan3A_1037 : i32 to index
      %swap3A_1121 = arith.constant 112 : index
      %swap3A_1122 = tpu.vector_load %arg11[%swap3A_1120, %swap3A_1121] {strides = array<i32>} : memref<80x128xf32, #tpu.memory_space<vmem>>, vector<1x16xf32>,
      %swap3A_1123 = vector.shape_cast %swap3A_1122 : vector<1x16xf32> to vector<16xf32>
      %swap3A_1124 = vector.shape_cast %mul3A_1119 : vector<16xf32> to vector<1x16xf32>
      tpu.vector_store %arg11[%swap3A_1120, %swap3A_1121], %swap3A_1124 {strides = array<i32>} : memref<80x128xf32, #tpu.memory_space<vmem>>, vector<1x16xf32>,
    }
    %scan3A_998 = arith.constant 80 : i32
    %add3A_999 = arith.constant 0 : i32
    %add3A_1000 = arith.addi %add3A_988, %add3A_999 : i32
    "tpu.region"() ({
      %run_scoped3A = tpu.sem_alloc : memref<!tpu.dma_semaphore, #tpu.memory_space<semaphore_mem>>
      %dma_start3A = arith.constant 0 : i32
      %dma_start3A_1037 = tpu.memref_slice %arg6[%add3A_1000, %dma_start3A] : memref<10240x128xf32, #tpu.memory_space<hbm>> -> memref<80x128xf32, #tpu.memory_space<hbm>>
      %dma_start3A_1038 = arith.constant 0 : i32
      %dma_start3A_1039 = tpu.memref_slice %arg6[%add3A_1000, %dma_start3A_1038] : memref<10240x128xf32, #tpu.memory_space<hbm>> -> memref<80x128xf32, #tpu.memory_space<hbm>>
      tpu.enqueue_dma source(%arg11 : memref<80x128xf32, #tpu.memory_space<vmem>>) target(%dma_start3A_1039 : memref<80x128xf32, #tpu.memory_space<hbm>>) target_semaphore(%run_scoped3A : memref<!tpu.dma_semaphore, #tpu.memory_space<semaphore_mem>>)
      %dma_wait3A = arith.constant 0 : i32
      %dma_wait3A_1040 = tpu.memref_slice %arg6[%add3A_1000, %dma_wait3A] : memref<10240x128xf32, #tpu.memory_space<hbm>> -> memref<80x128xf32, #tpu.memory_space<hbm>>
      %dma_wait3A_1041 = arith.constant 0 : i32
      %dma_wait3A_1042 = tpu.memref_slice %arg6[%add3A_1000, %dma_wait3A_1041] : memref<10240x128xf32, #tpu.memory_space<hbm>> -> memref<80x128xf32, #tpu.memory_space<hbm>>
      tpu.wait_dma2 semaphore(%run_scoped3A : memref<!tpu.dma_semaphore, #tpu.memory_space<semaphore_mem>>) src(%arg11 : memref<80x128xf32, #tpu.memory_space<vmem>>) dst(%dma_wait3A_1042 : memref<80x128xf32, #tpu.memory_space<hbm>>)
      tpu.yield
    }) : () -> ()
    %add3A_1001 = arith.constant 80 : i32
    %add3A_1002 = arith.addi %mul3A_0, %add3A_1001 : i32
    "tpu.region"() ({
      %run_scoped3A = tpu.sem_alloc : memref<!tpu.dma_semaphore, #tpu.memory_space<semaphore_mem>>
      %dma_start3A = arith.constant 0 : i32
      %dma_start3A_1037 = tpu.memref_slice %arg13[%add3A_1002, %dma_start3A] : memref<5128x128xf32, #tpu.memory_space<vmem_shared>> -> memref<80x128xf32, #tpu.memory_space<vmem_shared>>
      %dma_start3A_1038 = arith.constant 0 : i32
      %dma_start3A_1039 = tpu.memref_slice %arg13[%add3A_1002, %dma_start3A_1038] : memref<5128x128xf32, #tpu.memory_space<vmem_shared>> -> memref<80x128xf32, #tpu.memory_space<vmem_shared>>
      tpu.enqueue_dma source(%dma_start3A_1039 : memref<80x128xf32, #tpu.memory_space<vmem_shared>>) target(%arg11 : memref<80x128xf32, #tpu.memory_space<vmem>>) target_semaphore(%run_scoped3A : memref<!tpu.dma_semaphore, #tpu.memory_space<semaphore_mem>>)
      %dma_wait3A = arith.constant 0 : i32
      %dma_wait3A_1040 = tpu.memref_slice %arg13[%add3A_1002, %dma_wait3A] : memref<5128x128xf32, #tpu.memory_space<vmem_shared>> -> memref<80x128xf32, #tpu.memory_space<vmem_shared>>
      %dma_wait3A_1041 = arith.constant 0 : i32
      %dma_wait3A_1042 = tpu.memref_slice %arg13[%add3A_1002, %dma_wait3A_1041] : memref<5128x128xf32, #tpu.memory_space<vmem_shared>> -> memref<80x128xf32, #tpu.memory_space<vmem_shared>>
      tpu.wait_dma2 semaphore(%run_scoped3A : memref<!tpu.dma_semaphore, #tpu.memory_space<semaphore_mem>>) src(%dma_wait3A_1042 : memref<80x128xf32, #tpu.memory_space<vmem_shared>>) dst(%arg11 : memref<80x128xf32, #tpu.memory_space<vmem>>)
      tpu.yield
    }) : () -> ()
    %add3A_1003 = arith.constant 80 : i32
    %add3A_1004 = arith.addi %mul3A_0, %add3A_1003 : i32
    "tpu.region"() ({
      %run_scoped3A = tpu.sem_alloc : memref<!tpu.dma_semaphore, #tpu.memory_space<semaphore_mem>>
      %dma_start3A = arith.constant 0 : i32
      %dma_start3A_1037 = tpu.memref_slice %arg14[%add3A_1004, %dma_start3A] : memref<5128x16xf32, #tpu.memory_space<vmem_shared>> -> memref<80x16xf32, #tpu.memory_space<vmem_shared>>
      %dma_start3A_1038 = arith.constant 0 : i32
      %dma_start3A_1039 = tpu.memref_slice %arg14[%add3A_1004, %dma_start3A_1038] : memref<5128x16xf32, #tpu.memory_space<vmem_shared>> -> memref<80x16xf32, #tpu.memory_space<vmem_shared>>
      tpu.enqueue_dma source(%dma_start3A_1039 : memref<80x16xf32, #tpu.memory_space<vmem_shared>>) target(%arg12 : memref<80x16xf32, #tpu.memory_space<vmem>>) target_semaphore(%run_scoped3A : memref<!tpu.dma_semaphore, #tpu.memory_space<semaphore_mem>>)
      %dma_wait3A = arith.constant 0 : i32
      %dma_wait3A_1040 = tpu.memref_slice %arg14[%add3A_1004, %dma_wait3A] : memref<5128x16xf32, #tpu.memory_space<vmem_shared>> -> memref<80x16xf32, #tpu.memory_space<vmem_shared>>
      %dma_wait3A_1041 = arith.constant 0 : i32
      %dma_wait3A_1042 = tpu.memref_slice %arg14[%add3A_1004, %dma_wait3A_1041] : memref<5128x16xf32, #tpu.memory_space<vmem_shared>> -> memref<80x16xf32, #tpu.memory_space<vmem_shared>>
      tpu.wait_dma2 semaphore(%run_scoped3A : memref<!tpu.dma_semaphore, #tpu.memory_space<semaphore_mem>>) src(%dma_wait3A_1042 : memref<80x16xf32, #tpu.memory_space<vmem_shared>>) dst(%arg12 : memref<80x16xf32, #tpu.memory_space<vmem>>)
      tpu.yield
    }) : () -> ()
    %scan3A_1005 = arith.constant 0 : i32
    %scan3A_1006 = arith.constant 0 : i32
    %scan3A_1007 = arith.constant 80 : i32
    %scan3A_1008 = arith.addi %scan3A_1006, %scan3A_1007 : i32
    %scan3A_1009 = arith.constant 1 : i32
    scf.for %scan3A_1037 = %scan3A_1006 to %scan3A_1008 step %scan3A_1009  : i32 {
      %get3A = arith.index_cast %scan3A_1037 : i32 to index
      %get3A_1038 = arith.constant 0 : index
      %get3A_1039 = tpu.vector_load %arg12[%get3A, %get3A_1038] {strides = array<i32>} : memref<80x16xf32, #tpu.memory_space<vmem>>, vector<1x16xf32>,
      %get3A_1040 = vector.shape_cast %get3A_1039 : vector<1x16xf32> to vector<16xf32>
      %max3A = arith.constant 1.000000e+00 : f32
      %max3A_1041 = vector.broadcast %max3A : f32 to vector<16xf32>
      %max3A_1042 = arith.maximumf %get3A_1040, %max3A_1041 : vector<16xf32>
      %div3A = arith.constant 1.000000e+00 : f32
      %div3A_1043 = vector.broadcast %div3A : f32 to vector<16xf32>
      %div3A_1044 = arith.divf %div3A_1043, %max3A_1042 : vector<16xf32>
      %get3A_1045 = arith.index_cast %scan3A_1037 : i32 to index
      %get3A_1046 = arith.constant 0 : index
      %get3A_1047 = tpu.vector_load %arg11[%get3A_1045, %get3A_1046] {strides = array<i32>} : memref<80x128xf32, #tpu.memory_space<vmem>>, vector<1x16xf32>,
      %get3A_1048 = vector.shape_cast %get3A_1047 : vector<1x16xf32> to vector<16xf32>
      %mul3A_1049 = arith.mulf %get3A_1048, %div3A_1044 : vector<16xf32>
      %swap3A_1050 = arith.index_cast %scan3A_1037 : i32 to index
      %swap3A_1051 = arith.constant 0 : index
      %swap3A_1052 = tpu.vector_load %arg11[%swap3A_1050, %swap3A_1051] {strides = array<i32>} : memref<80x128xf32, #tpu.memory_space<vmem>>, vector<1x16xf32>,
      %swap3A_1053 = vector.shape_cast %swap3A_1052 : vector<1x16xf32> to vector<16xf32>
      %swap3A_1054 = vector.shape_cast %mul3A_1049 : vector<16xf32> to vector<1x16xf32>
      tpu.vector_store %arg11[%swap3A_1050, %swap3A_1051], %swap3A_1054 {strides = array<i32>} : memref<80x128xf32, #tpu.memory_space<vmem>>, vector<1x16xf32>,
      %get3A_1055 = arith.index_cast %scan3A_1037 : i32 to index
      %get3A_1056 = arith.constant 16 : index
      %get3A_1057 = tpu.vector_load %arg11[%get3A_1055, %get3A_1056] {strides = array<i32>} : memref<80x128xf32, #tpu.memory_space<vmem>>, vector<1x16xf32>,
      %get3A_1058 = vector.shape_cast %get3A_1057 : vector<1x16xf32> to vector<16xf32>
      %mul3A_1059 = arith.mulf %get3A_1058, %div3A_1044 : vector<16xf32>
      %swap3A_1060 = arith.index_cast %scan3A_1037 : i32 to index
      %swap3A_1061 = arith.constant 16 : index
      %swap3A_1062 = tpu.vector_load %arg11[%swap3A_1060, %swap3A_1061] {strides = array<i32>} : memref<80x128xf32, #tpu.memory_space<vmem>>, vector<1x16xf32>,
      %swap3A_1063 = vector.shape_cast %swap3A_1062 : vector<1x16xf32> to vector<16xf32>
      %swap3A_1064 = vector.shape_cast %mul3A_1059 : vector<16xf32> to vector<1x16xf32>
      tpu.vector_store %arg11[%swap3A_1060, %swap3A_1061], %swap3A_1064 {strides = array<i32>} : memref<80x128xf32, #tpu.memory_space<vmem>>, vector<1x16xf32>,
      %get3A_1065 = arith.index_cast %scan3A_1037 : i32 to index
      %get3A_1066 = arith.constant 32 : index
      %get3A_1067 = tpu.vector_load %arg11[%get3A_1065, %get3A_1066] {strides = array<i32>} : memref<80x128xf32, #tpu.memory_space<vmem>>, vector<1x16xf32>,
      %get3A_1068 = vector.shape_cast %get3A_1067 : vector<1x16xf32> to vector<16xf32>
      %mul3A_1069 = arith.mulf %get3A_1068, %div3A_1044 : vector<16xf32>
      %swap3A_1070 = arith.index_cast %scan3A_1037 : i32 to index
      %swap3A_1071 = arith.constant 32 : index
      %swap3A_1072 = tpu.vector_load %arg11[%swap3A_1070, %swap3A_1071] {strides = array<i32>} : memref<80x128xf32, #tpu.memory_space<vmem>>, vector<1x16xf32>,
      %swap3A_1073 = vector.shape_cast %swap3A_1072 : vector<1x16xf32> to vector<16xf32>
      %swap3A_1074 = vector.shape_cast %mul3A_1069 : vector<16xf32> to vector<1x16xf32>
      tpu.vector_store %arg11[%swap3A_1070, %swap3A_1071], %swap3A_1074 {strides = array<i32>} : memref<80x128xf32, #tpu.memory_space<vmem>>, vector<1x16xf32>,
      %get3A_1075 = arith.index_cast %scan3A_1037 : i32 to index
      %get3A_1076 = arith.constant 48 : index
      %get3A_1077 = tpu.vector_load %arg11[%get3A_1075, %get3A_1076] {strides = array<i32>} : memref<80x128xf32, #tpu.memory_space<vmem>>, vector<1x16xf32>,
      %get3A_1078 = vector.shape_cast %get3A_1077 : vector<1x16xf32> to vector<16xf32>
      %mul3A_1079 = arith.mulf %get3A_1078, %div3A_1044 : vector<16xf32>
      %swap3A_1080 = arith.index_cast %scan3A_1037 : i32 to index
      %swap3A_1081 = arith.constant 48 : index
      %swap3A_1082 = tpu.vector_load %arg11[%swap3A_1080, %swap3A_1081] {strides = array<i32>} : memref<80x128xf32, #tpu.memory_space<vmem>>, vector<1x16xf32>,
      %swap3A_1083 = vector.shape_cast %swap3A_1082 : vector<1x16xf32> to vector<16xf32>
      %swap3A_1084 = vector.shape_cast %mul3A_1079 : vector<16xf32> to vector<1x16xf32>
      tpu.vector_store %arg11[%swap3A_1080, %swap3A_1081], %swap3A_1084 {strides = array<i32>} : memref<80x128xf32, #tpu.memory_space<vmem>>, vector<1x16xf32>,
      %get3A_1085 = arith.index_cast %scan3A_1037 : i32 to index
      %get3A_1086 = arith.constant 64 : index
      %get3A_1087 = tpu.vector_load %arg11[%get3A_1085, %get3A_1086] {strides = array<i32>} : memref<80x128xf32, #tpu.memory_space<vmem>>, vector<1x16xf32>,
      %get3A_1088 = vector.shape_cast %get3A_1087 : vector<1x16xf32> to vector<16xf32>
      %mul3A_1089 = arith.mulf %get3A_1088, %div3A_1044 : vector<16xf32>
      %swap3A_1090 = arith.index_cast %scan3A_1037 : i32 to index
      %swap3A_1091 = arith.constant 64 : index
      %swap3A_1092 = tpu.vector_load %arg11[%swap3A_1090, %swap3A_1091] {strides = array<i32>} : memref<80x128xf32, #tpu.memory_space<vmem>>, vector<1x16xf32>,
      %swap3A_1093 = vector.shape_cast %swap3A_1092 : vector<1x16xf32> to vector<16xf32>
      %swap3A_1094 = vector.shape_cast %mul3A_1089 : vector<16xf32> to vector<1x16xf32>
      tpu.vector_store %arg11[%swap3A_1090, %swap3A_1091], %swap3A_1094 {strides = array<i32>} : memref<80x128xf32, #tpu.memory_space<vmem>>, vector<1x16xf32>,
      %get3A_1095 = arith.index_cast %scan3A_1037 : i32 to index
      %get3A_1096 = arith.constant 80 : index
      %get3A_1097 = tpu.vector_load %arg11[%get3A_1095, %get3A_1096] {strides = array<i32>} : memref<80x128xf32, #tpu.memory_space<vmem>>, vector<1x16xf32>,
      %get3A_1098 = vector.shape_cast %get3A_1097 : vector<1x16xf32> to vector<16xf32>
      %mul3A_1099 = arith.mulf %get3A_1098, %div3A_1044 : vector<16xf32>
      %swap3A_1100 = arith.index_cast %scan3A_1037 : i32 to index
      %swap3A_1101 = arith.constant 80 : index
      %swap3A_1102 = tpu.vector_load %arg11[%swap3A_1100, %swap3A_1101] {strides = array<i32>} : memref<80x128xf32, #tpu.memory_space<vmem>>, vector<1x16xf32>,
      %swap3A_1103 = vector.shape_cast %swap3A_1102 : vector<1x16xf32> to vector<16xf32>
      %swap3A_1104 = vector.shape_cast %mul3A_1099 : vector<16xf32> to vector<1x16xf32>
      tpu.vector_store %arg11[%swap3A_1100, %swap3A_1101], %swap3A_1104 {strides = array<i32>} : memref<80x128xf32, #tpu.memory_space<vmem>>, vector<1x16xf32>,
      %get3A_1105 = arith.index_cast %scan3A_1037 : i32 to index
      %get3A_1106 = arith.constant 96 : index
      %get3A_1107 = tpu.vector_load %arg11[%get3A_1105, %get3A_1106] {strides = array<i32>} : memref<80x128xf32, #tpu.memory_space<vmem>>, vector<1x16xf32>,
      %get3A_1108 = vector.shape_cast %get3A_1107 : vector<1x16xf32> to vector<16xf32>
      %mul3A_1109 = arith.mulf %get3A_1108, %div3A_1044 : vector<16xf32>
      %swap3A_1110 = arith.index_cast %scan3A_1037 : i32 to index
      %swap3A_1111 = arith.constant 96 : index
      %swap3A_1112 = tpu.vector_load %arg11[%swap3A_1110, %swap3A_1111] {strides = array<i32>} : memref<80x128xf32, #tpu.memory_space<vmem>>, vector<1x16xf32>,
      %swap3A_1113 = vector.shape_cast %swap3A_1112 : vector<1x16xf32> to vector<16xf32>
      %swap3A_1114 = vector.shape_cast %mul3A_1109 : vector<16xf32> to vector<1x16xf32>
      tpu.vector_store %arg11[%swap3A_1110, %swap3A_1111], %swap3A_1114 {strides = array<i32>} : memref<80x128xf32, #tpu.memory_space<vmem>>, vector<1x16xf32>,
      %get3A_1115 = arith.index_cast %scan3A_1037 : i32 to index
      %get3A_1116 = arith.constant 112 : index
      %get3A_1117 = tpu.vector_load %arg11[%get3A_1115, %get3A_1116] {strides = array<i32>} : memref<80x128xf32, #tpu.memory_space<vmem>>, vector<1x16xf32>,
      %get3A_1118 = vector.shape_cast %get3A_1117 : vector<1x16xf32> to vector<16xf32>
      %mul3A_1119 = arith.mulf %get3A_1118, %div3A_1044 : vector<16xf32>
      %swap3A_1120 = arith.index_cast %scan3A_1037 : i32 to index
      %swap3A_1121 = arith.constant 112 : index
      %swap3A_1122 = tpu.vector_load %arg11[%swap3A_1120, %swap3A_1121] {strides = array<i32>} : memref<80x128xf32, #tpu.memory_space<vmem>>, vector<1x16xf32>,
      %swap3A_1123 = vector.shape_cast %swap3A_1122 : vector<1x16xf32> to vector<16xf32>
      %swap3A_1124 = vector.shape_cast %mul3A_1119 : vector<16xf32> to vector<1x16xf32>
      tpu.vector_store %arg11[%swap3A_1120, %swap3A_1121], %swap3A_1124 {strides = array<i32>} : memref<80x128xf32, #tpu.memory_space<vmem>>, vector<1x16xf32>,
    }
    %scan3A_1010 = arith.constant 80 : i32
    %add3A_1011 = arith.constant 80 : i32
    %add3A_1012 = arith.addi %add3A_988, %add3A_1011 : i32
    "tpu.region"() ({
      %run_scoped3A = tpu.sem_alloc : memref<!tpu.dma_semaphore, #tpu.memory_space<semaphore_mem>>
      %dma_start3A = arith.constant 0 : i32
      %dma_start3A_1037 = tpu.memref_slice %arg6[%add3A_1012, %dma_start3A] : memref<10240x128xf32, #tpu.memory_space<hbm>> -> memref<80x128xf32, #tpu.memory_space<hbm>>
      %dma_start3A_1038 = arith.constant 0 : i32
      %dma_start3A_1039 = tpu.memref_slice %arg6[%add3A_1012, %dma_start3A_1038] : memref<10240x128xf32, #tpu.memory_space<hbm>> -> memref<80x128xf32, #tpu.memory_space<hbm>>
      tpu.enqueue_dma source(%arg11 : memref<80x128xf32, #tpu.memory_space<vmem>>) target(%dma_start3A_1039 : memref<80x128xf32, #tpu.memory_space<hbm>>) target_semaphore(%run_scoped3A : memref<!tpu.dma_semaphore, #tpu.memory_space<semaphore_mem>>)
      %dma_wait3A = arith.constant 0 : i32
      %dma_wait3A_1040 = tpu.memref_slice %arg6[%add3A_1012, %dma_wait3A] : memref<10240x128xf32, #tpu.memory_space<hbm>> -> memref<80x128xf32, #tpu.memory_space<hbm>>
      %dma_wait3A_1041 = arith.constant 0 : i32
      %dma_wait3A_1042 = tpu.memref_slice %arg6[%add3A_1012, %dma_wait3A_1041] : memref<10240x128xf32, #tpu.memory_space<hbm>> -> memref<80x128xf32, #tpu.memory_space<hbm>>
      tpu.wait_dma2 semaphore(%run_scoped3A : memref<!tpu.dma_semaphore, #tpu.memory_space<semaphore_mem>>) src(%arg11 : memref<80x128xf32, #tpu.memory_space<vmem>>) dst(%dma_wait3A_1042 : memref<80x128xf32, #tpu.memory_space<hbm>>)
      tpu.yield
    }) : () -> ()
    %add3A_1013 = arith.constant 160 : i32
    %add3A_1014 = arith.addi %mul3A_0, %add3A_1013 : i32
    "tpu.region"() ({
      %run_scoped3A = tpu.sem_alloc : memref<!tpu.dma_semaphore, #tpu.memory_space<semaphore_mem>>
      %dma_start3A = arith.constant 0 : i32
      %dma_start3A_1037 = tpu.memref_slice %arg13[%add3A_1014, %dma_start3A] : memref<5128x128xf32, #tpu.memory_space<vmem_shared>> -> memref<80x128xf32, #tpu.memory_space<vmem_shared>>
      %dma_start3A_1038 = arith.constant 0 : i32
      %dma_start3A_1039 = tpu.memref_slice %arg13[%add3A_1014, %dma_start3A_1038] : memref<5128x128xf32, #tpu.memory_space<vmem_shared>> -> memref<80x128xf32, #tpu.memory_space<vmem_shared>>
      tpu.enqueue_dma source(%dma_start3A_1039 : memref<80x128xf32, #tpu.memory_space<vmem_shared>>) target(%arg11 : memref<80x128xf32, #tpu.memory_space<vmem>>) target_semaphore(%run_scoped3A : memref<!tpu.dma_semaphore, #tpu.memory_space<semaphore_mem>>)
      %dma_wait3A = arith.constant 0 : i32
      %dma_wait3A_1040 = tpu.memref_slice %arg13[%add3A_1014, %dma_wait3A] : memref<5128x128xf32, #tpu.memory_space<vmem_shared>> -> memref<80x128xf32, #tpu.memory_space<vmem_shared>>
      %dma_wait3A_1041 = arith.constant 0 : i32
      %dma_wait3A_1042 = tpu.memref_slice %arg13[%add3A_1014, %dma_wait3A_1041] : memref<5128x128xf32, #tpu.memory_space<vmem_shared>> -> memref<80x128xf32, #tpu.memory_space<vmem_shared>>
      tpu.wait_dma2 semaphore(%run_scoped3A : memref<!tpu.dma_semaphore, #tpu.memory_space<semaphore_mem>>) src(%dma_wait3A_1042 : memref<80x128xf32, #tpu.memory_space<vmem_shared>>) dst(%arg11 : memref<80x128xf32, #tpu.memory_space<vmem>>)
      tpu.yield
    }) : () -> ()
    %add3A_1015 = arith.constant 160 : i32
    %add3A_1016 = arith.addi %mul3A_0, %add3A_1015 : i32
    "tpu.region"() ({
      %run_scoped3A = tpu.sem_alloc : memref<!tpu.dma_semaphore, #tpu.memory_space<semaphore_mem>>
      %dma_start3A = arith.constant 0 : i32
      %dma_start3A_1037 = tpu.memref_slice %arg14[%add3A_1016, %dma_start3A] : memref<5128x16xf32, #tpu.memory_space<vmem_shared>> -> memref<80x16xf32, #tpu.memory_space<vmem_shared>>
      %dma_start3A_1038 = arith.constant 0 : i32
      %dma_start3A_1039 = tpu.memref_slice %arg14[%add3A_1016, %dma_start3A_1038] : memref<5128x16xf32, #tpu.memory_space<vmem_shared>> -> memref<80x16xf32, #tpu.memory_space<vmem_shared>>
      tpu.enqueue_dma source(%dma_start3A_1039 : memref<80x16xf32, #tpu.memory_space<vmem_shared>>) target(%arg12 : memref<80x16xf32, #tpu.memory_space<vmem>>) target_semaphore(%run_scoped3A : memref<!tpu.dma_semaphore, #tpu.memory_space<semaphore_mem>>)
      %dma_wait3A = arith.constant 0 : i32
      %dma_wait3A_1040 = tpu.memref_slice %arg14[%add3A_1016, %dma_wait3A] : memref<5128x16xf32, #tpu.memory_space<vmem_shared>> -> memref<80x16xf32, #tpu.memory_space<vmem_shared>>
      %dma_wait3A_1041 = arith.constant 0 : i32
      %dma_wait3A_1042 = tpu.memref_slice %arg14[%add3A_1016, %dma_wait3A_1041] : memref<5128x16xf32, #tpu.memory_space<vmem_shared>> -> memref<80x16xf32, #tpu.memory_space<vmem_shared>>
      tpu.wait_dma2 semaphore(%run_scoped3A : memref<!tpu.dma_semaphore, #tpu.memory_space<semaphore_mem>>) src(%dma_wait3A_1042 : memref<80x16xf32, #tpu.memory_space<vmem_shared>>) dst(%arg12 : memref<80x16xf32, #tpu.memory_space<vmem>>)
      tpu.yield
    }) : () -> ()
    %scan3A_1017 = arith.constant 0 : i32
    %scan3A_1018 = arith.constant 0 : i32
    %scan3A_1019 = arith.constant 80 : i32
    %scan3A_1020 = arith.addi %scan3A_1018, %scan3A_1019 : i32
    %scan3A_1021 = arith.constant 1 : i32
    scf.for %scan3A_1037 = %scan3A_1018 to %scan3A_1020 step %scan3A_1021  : i32 {
      %get3A = arith.index_cast %scan3A_1037 : i32 to index
      %get3A_1038 = arith.constant 0 : index
      %get3A_1039 = tpu.vector_load %arg12[%get3A, %get3A_1038] {strides = array<i32>} : memref<80x16xf32, #tpu.memory_space<vmem>>, vector<1x16xf32>,
      %get3A_1040 = vector.shape_cast %get3A_1039 : vector<1x16xf32> to vector<16xf32>
      %max3A = arith.constant 1.000000e+00 : f32
      %max3A_1041 = vector.broadcast %max3A : f32 to vector<16xf32>
      %max3A_1042 = arith.maximumf %get3A_1040, %max3A_1041 : vector<16xf32>
      %div3A = arith.constant 1.000000e+00 : f32
      %div3A_1043 = vector.broadcast %div3A : f32 to vector<16xf32>
      %div3A_1044 = arith.divf %div3A_1043, %max3A_1042 : vector<16xf32>
      %get3A_1045 = arith.index_cast %scan3A_1037 : i32 to index
      %get3A_1046 = arith.constant 0 : index
      %get3A_1047 = tpu.vector_load %arg11[%get3A_1045, %get3A_1046] {strides = array<i32>} : memref<80x128xf32, #tpu.memory_space<vmem>>, vector<1x16xf32>,
      %get3A_1048 = vector.shape_cast %get3A_1047 : vector<1x16xf32> to vector<16xf32>
      %mul3A_1049 = arith.mulf %get3A_1048, %div3A_1044 : vector<16xf32>
      %swap3A_1050 = arith.index_cast %scan3A_1037 : i32 to index
      %swap3A_1051 = arith.constant 0 : index
      %swap3A_1052 = tpu.vector_load %arg11[%swap3A_1050, %swap3A_1051] {strides = array<i32>} : memref<80x128xf32, #tpu.memory_space<vmem>>, vector<1x16xf32>,
      %swap3A_1053 = vector.shape_cast %swap3A_1052 : vector<1x16xf32> to vector<16xf32>
      %swap3A_1054 = vector.shape_cast %mul3A_1049 : vector<16xf32> to vector<1x16xf32>
      tpu.vector_store %arg11[%swap3A_1050, %swap3A_1051], %swap3A_1054 {strides = array<i32>} : memref<80x128xf32, #tpu.memory_space<vmem>>, vector<1x16xf32>,
      %get3A_1055 = arith.index_cast %scan3A_1037 : i32 to index
      %get3A_1056 = arith.constant 16 : index
      %get3A_1057 = tpu.vector_load %arg11[%get3A_1055, %get3A_1056] {strides = array<i32>} : memref<80x128xf32, #tpu.memory_space<vmem>>, vector<1x16xf32>,
      %get3A_1058 = vector.shape_cast %get3A_1057 : vector<1x16xf32> to vector<16xf32>
      %mul3A_1059 = arith.mulf %get3A_1058, %div3A_1044 : vector<16xf32>
      %swap3A_1060 = arith.index_cast %scan3A_1037 : i32 to index
      %swap3A_1061 = arith.constant 16 : index
      %swap3A_1062 = tpu.vector_load %arg11[%swap3A_1060, %swap3A_1061] {strides = array<i32>} : memref<80x128xf32, #tpu.memory_space<vmem>>, vector<1x16xf32>,
      %swap3A_1063 = vector.shape_cast %swap3A_1062 : vector<1x16xf32> to vector<16xf32>
      %swap3A_1064 = vector.shape_cast %mul3A_1059 : vector<16xf32> to vector<1x16xf32>
      tpu.vector_store %arg11[%swap3A_1060, %swap3A_1061], %swap3A_1064 {strides = array<i32>} : memref<80x128xf32, #tpu.memory_space<vmem>>, vector<1x16xf32>,
      %get3A_1065 = arith.index_cast %scan3A_1037 : i32 to index
      %get3A_1066 = arith.constant 32 : index
      %get3A_1067 = tpu.vector_load %arg11[%get3A_1065, %get3A_1066] {strides = array<i32>} : memref<80x128xf32, #tpu.memory_space<vmem>>, vector<1x16xf32>,
      %get3A_1068 = vector.shape_cast %get3A_1067 : vector<1x16xf32> to vector<16xf32>
      %mul3A_1069 = arith.mulf %get3A_1068, %div3A_1044 : vector<16xf32>
      %swap3A_1070 = arith.index_cast %scan3A_1037 : i32 to index
      %swap3A_1071 = arith.constant 32 : index
      %swap3A_1072 = tpu.vector_load %arg11[%swap3A_1070, %swap3A_1071] {strides = array<i32>} : memref<80x128xf32, #tpu.memory_space<vmem>>, vector<1x16xf32>,
      %swap3A_1073 = vector.shape_cast %swap3A_1072 : vector<1x16xf32> to vector<16xf32>
      %swap3A_1074 = vector.shape_cast %mul3A_1069 : vector<16xf32> to vector<1x16xf32>
      tpu.vector_store %arg11[%swap3A_1070, %swap3A_1071], %swap3A_1074 {strides = array<i32>} : memref<80x128xf32, #tpu.memory_space<vmem>>, vector<1x16xf32>,
      %get3A_1075 = arith.index_cast %scan3A_1037 : i32 to index
      %get3A_1076 = arith.constant 48 : index
      %get3A_1077 = tpu.vector_load %arg11[%get3A_1075, %get3A_1076] {strides = array<i32>} : memref<80x128xf32, #tpu.memory_space<vmem>>, vector<1x16xf32>,
      %get3A_1078 = vector.shape_cast %get3A_1077 : vector<1x16xf32> to vector<16xf32>
      %mul3A_1079 = arith.mulf %get3A_1078, %div3A_1044 : vector<16xf32>
      %swap3A_1080 = arith.index_cast %scan3A_1037 : i32 to index
      %swap3A_1081 = arith.constant 48 : index
      %swap3A_1082 = tpu.vector_load %arg11[%swap3A_1080, %swap3A_1081] {strides = array<i32>} : memref<80x128xf32, #tpu.memory_space<vmem>>, vector<1x16xf32>,
      %swap3A_1083 = vector.shape_cast %swap3A_1082 : vector<1x16xf32> to vector<16xf32>
      %swap3A_1084 = vector.shape_cast %mul3A_1079 : vector<16xf32> to vector<1x16xf32>
      tpu.vector_store %arg11[%swap3A_1080, %swap3A_1081], %swap3A_1084 {strides = array<i32>} : memref<80x128xf32, #tpu.memory_space<vmem>>, vector<1x16xf32>,
      %get3A_1085 = arith.index_cast %scan3A_1037 : i32 to index
      %get3A_1086 = arith.constant 64 : index
      %get3A_1087 = tpu.vector_load %arg11[%get3A_1085, %get3A_1086] {strides = array<i32>} : memref<80x128xf32, #tpu.memory_space<vmem>>, vector<1x16xf32>,
      %get3A_1088 = vector.shape_cast %get3A_1087 : vector<1x16xf32> to vector<16xf32>
      %mul3A_1089 = arith.mulf %get3A_1088, %div3A_1044 : vector<16xf32>
      %swap3A_1090 = arith.index_cast %scan3A_1037 : i32 to index
      %swap3A_1091 = arith.constant 64 : index
      %swap3A_1092 = tpu.vector_load %arg11[%swap3A_1090, %swap3A_1091] {strides = array<i32>} : memref<80x128xf32, #tpu.memory_space<vmem>>, vector<1x16xf32>,
      %swap3A_1093 = vector.shape_cast %swap3A_1092 : vector<1x16xf32> to vector<16xf32>
      %swap3A_1094 = vector.shape_cast %mul3A_1089 : vector<16xf32> to vector<1x16xf32>
      tpu.vector_store %arg11[%swap3A_1090, %swap3A_1091], %swap3A_1094 {strides = array<i32>} : memref<80x128xf32, #tpu.memory_space<vmem>>, vector<1x16xf32>,
      %get3A_1095 = arith.index_cast %scan3A_1037 : i32 to index
      %get3A_1096 = arith.constant 80 : index
      %get3A_1097 = tpu.vector_load %arg11[%get3A_1095, %get3A_1096] {strides = array<i32>} : memref<80x128xf32, #tpu.memory_space<vmem>>, vector<1x16xf32>,
      %get3A_1098 = vector.shape_cast %get3A_1097 : vector<1x16xf32> to vector<16xf32>
      %mul3A_1099 = arith.mulf %get3A_1098, %div3A_1044 : vector<16xf32>
      %swap3A_1100 = arith.index_cast %scan3A_1037 : i32 to index
      %swap3A_1101 = arith.constant 80 : index
      %swap3A_1102 = tpu.vector_load %arg11[%swap3A_1100, %swap3A_1101] {strides = array<i32>} : memref<80x128xf32, #tpu.memory_space<vmem>>, vector<1x16xf32>,
      %swap3A_1103 = vector.shape_cast %swap3A_1102 : vector<1x16xf32> to vector<16xf32>
      %swap3A_1104 = vector.shape_cast %mul3A_1099 : vector<16xf32> to vector<1x16xf32>
      tpu.vector_store %arg11[%swap3A_1100, %swap3A_1101], %swap3A_1104 {strides = array<i32>} : memref<80x128xf32, #tpu.memory_space<vmem>>, vector<1x16xf32>,
      %get3A_1105 = arith.index_cast %scan3A_1037 : i32 to index
      %get3A_1106 = arith.constant 96 : index
      %get3A_1107 = tpu.vector_load %arg11[%get3A_1105, %get3A_1106] {strides = array<i32>} : memref<80x128xf32, #tpu.memory_space<vmem>>, vector<1x16xf32>,
      %get3A_1108 = vector.shape_cast %get3A_1107 : vector<1x16xf32> to vector<16xf32>
      %mul3A_1109 = arith.mulf %get3A_1108, %div3A_1044 : vector<16xf32>
      %swap3A_1110 = arith.index_cast %scan3A_1037 : i32 to index
      %swap3A_1111 = arith.constant 96 : index
      %swap3A_1112 = tpu.vector_load %arg11[%swap3A_1110, %swap3A_1111] {strides = array<i32>} : memref<80x128xf32, #tpu.memory_space<vmem>>, vector<1x16xf32>,
      %swap3A_1113 = vector.shape_cast %swap3A_1112 : vector<1x16xf32> to vector<16xf32>
      %swap3A_1114 = vector.shape_cast %mul3A_1109 : vector<16xf32> to vector<1x16xf32>
      tpu.vector_store %arg11[%swap3A_1110, %swap3A_1111], %swap3A_1114 {strides = array<i32>} : memref<80x128xf32, #tpu.memory_space<vmem>>, vector<1x16xf32>,
      %get3A_1115 = arith.index_cast %scan3A_1037 : i32 to index
      %get3A_1116 = arith.constant 112 : index
      %get3A_1117 = tpu.vector_load %arg11[%get3A_1115, %get3A_1116] {strides = array<i32>} : memref<80x128xf32, #tpu.memory_space<vmem>>, vector<1x16xf32>,
      %get3A_1118 = vector.shape_cast %get3A_1117 : vector<1x16xf32> to vector<16xf32>
      %mul3A_1119 = arith.mulf %get3A_1118, %div3A_1044 : vector<16xf32>
      %swap3A_1120 = arith.index_cast %scan3A_1037 : i32 to index
      %swap3A_1121 = arith.constant 112 : index
      %swap3A_1122 = tpu.vector_load %arg11[%swap3A_1120, %swap3A_1121] {strides = array<i32>} : memref<80x128xf32, #tpu.memory_space<vmem>>, vector<1x16xf32>,
      %swap3A_1123 = vector.shape_cast %swap3A_1122 : vector<1x16xf32> to vector<16xf32>
      %swap3A_1124 = vector.shape_cast %mul3A_1119 : vector<16xf32> to vector<1x16xf32>
      tpu.vector_store %arg11[%swap3A_1120, %swap3A_1121], %swap3A_1124 {strides = array<i32>} : memref<80x128xf32, #tpu.memory_space<vmem>>, vector<1x16xf32>,
    }
    %scan3A_1022 = arith.constant 80 : i32
    %add3A_1023 = arith.constant 160 : i32
    %add3A_1024 = arith.addi %add3A_988, %add3A_1023 : i32
    "tpu.region"() ({
      %run_scoped3A = tpu.sem_alloc : memref<!tpu.dma_semaphore, #tpu.memory_space<semaphore_mem>>
      %dma_start3A = arith.constant 0 : i32
      %dma_start3A_1037 = tpu.memref_slice %arg6[%add3A_1024, %dma_start3A] : memref<10240x128xf32, #tpu.memory_space<hbm>> -> memref<80x128xf32, #tpu.memory_space<hbm>>
      %dma_start3A_1038 = arith.constant 0 : i32
      %dma_start3A_1039 = tpu.memref_slice %arg6[%add3A_1024, %dma_start3A_1038] : memref<10240x128xf32, #tpu.memory_space<hbm>> -> memref<80x128xf32, #tpu.memory_space<hbm>>
      tpu.enqueue_dma source(%arg11 : memref<80x128xf32, #tpu.memory_space<vmem>>) target(%dma_start3A_1039 : memref<80x128xf32, #tpu.memory_space<hbm>>) target_semaphore(%run_scoped3A : memref<!tpu.dma_semaphore, #tpu.memory_space<semaphore_mem>>)
      %dma_wait3A = arith.constant 0 : i32
      %dma_wait3A_1040 = tpu.memref_slice %arg6[%add3A_1024, %dma_wait3A] : memref<10240x128xf32, #tpu.memory_space<hbm>> -> memref<80x128xf32, #tpu.memory_space<hbm>>
      %dma_wait3A_1041 = arith.constant 0 : i32
      %dma_wait3A_1042 = tpu.memref_slice %arg6[%add3A_1024, %dma_wait3A_1041] : memref<10240x128xf32, #tpu.memory_space<hbm>> -> memref<80x128xf32, #tpu.memory_space<hbm>>
      tpu.wait_dma2 semaphore(%run_scoped3A : memref<!tpu.dma_semaphore, #tpu.memory_space<semaphore_mem>>) src(%arg11 : memref<80x128xf32, #tpu.memory_space<vmem>>) dst(%dma_wait3A_1042 : memref<80x128xf32, #tpu.memory_space<hbm>>)
      tpu.yield
    }) : () -> ()
    %add3A_1025 = arith.constant 240 : i32
    %add3A_1026 = arith.addi %mul3A_0, %add3A_1025 : i32
    "tpu.region"() ({
      %run_scoped3A = tpu.sem_alloc : memref<!tpu.dma_semaphore, #tpu.memory_space<semaphore_mem>>
      %dma_start3A = arith.constant 0 : i32
      %dma_start3A_1037 = tpu.memref_slice %arg13[%add3A_1026, %dma_start3A] : memref<5128x128xf32, #tpu.memory_space<vmem_shared>> -> memref<80x128xf32, #tpu.memory_space<vmem_shared>>
      %dma_start3A_1038 = arith.constant 0 : i32
      %dma_start3A_1039 = tpu.memref_slice %arg13[%add3A_1026, %dma_start3A_1038] : memref<5128x128xf32, #tpu.memory_space<vmem_shared>> -> memref<80x128xf32, #tpu.memory_space<vmem_shared>>
      tpu.enqueue_dma source(%dma_start3A_1039 : memref<80x128xf32, #tpu.memory_space<vmem_shared>>) target(%arg11 : memref<80x128xf32, #tpu.memory_space<vmem>>) target_semaphore(%run_scoped3A : memref<!tpu.dma_semaphore, #tpu.memory_space<semaphore_mem>>)
      %dma_wait3A = arith.constant 0 : i32
      %dma_wait3A_1040 = tpu.memref_slice %arg13[%add3A_1026, %dma_wait3A] : memref<5128x128xf32, #tpu.memory_space<vmem_shared>> -> memref<80x128xf32, #tpu.memory_space<vmem_shared>>
      %dma_wait3A_1041 = arith.constant 0 : i32
      %dma_wait3A_1042 = tpu.memref_slice %arg13[%add3A_1026, %dma_wait3A_1041] : memref<5128x128xf32, #tpu.memory_space<vmem_shared>> -> memref<80x128xf32, #tpu.memory_space<vmem_shared>>
      tpu.wait_dma2 semaphore(%run_scoped3A : memref<!tpu.dma_semaphore, #tpu.memory_space<semaphore_mem>>) src(%dma_wait3A_1042 : memref<80x128xf32, #tpu.memory_space<vmem_shared>>) dst(%arg11 : memref<80x128xf32, #tpu.memory_space<vmem>>)
      tpu.yield
    }) : () -> ()
    %add3A_1027 = arith.constant 240 : i32
    %add3A_1028 = arith.addi %mul3A_0, %add3A_1027 : i32
    "tpu.region"() ({
      %run_scoped3A = tpu.sem_alloc : memref<!tpu.dma_semaphore, #tpu.memory_space<semaphore_mem>>
      %dma_start3A = arith.constant 0 : i32
      %dma_start3A_1037 = tpu.memref_slice %arg14[%add3A_1028, %dma_start3A] : memref<5128x16xf32, #tpu.memory_space<vmem_shared>> -> memref<80x16xf32, #tpu.memory_space<vmem_shared>>
      %dma_start3A_1038 = arith.constant 0 : i32
      %dma_start3A_1039 = tpu.memref_slice %arg14[%add3A_1028, %dma_start3A_1038] : memref<5128x16xf32, #tpu.memory_space<vmem_shared>> -> memref<80x16xf32, #tpu.memory_space<vmem_shared>>
      tpu.enqueue_dma source(%dma_start3A_1039 : memref<80x16xf32, #tpu.memory_space<vmem_shared>>) target(%arg12 : memref<80x16xf32, #tpu.memory_space<vmem>>) target_semaphore(%run_scoped3A : memref<!tpu.dma_semaphore, #tpu.memory_space<semaphore_mem>>)
      %dma_wait3A = arith.constant 0 : i32
      %dma_wait3A_1040 = tpu.memref_slice %arg14[%add3A_1028, %dma_wait3A] : memref<5128x16xf32, #tpu.memory_space<vmem_shared>> -> memref<80x16xf32, #tpu.memory_space<vmem_shared>>
      %dma_wait3A_1041 = arith.constant 0 : i32
      %dma_wait3A_1042 = tpu.memref_slice %arg14[%add3A_1028, %dma_wait3A_1041] : memref<5128x16xf32, #tpu.memory_space<vmem_shared>> -> memref<80x16xf32, #tpu.memory_space<vmem_shared>>
      tpu.wait_dma2 semaphore(%run_scoped3A : memref<!tpu.dma_semaphore, #tpu.memory_space<semaphore_mem>>) src(%dma_wait3A_1042 : memref<80x16xf32, #tpu.memory_space<vmem_shared>>) dst(%arg12 : memref<80x16xf32, #tpu.memory_space<vmem>>)
      tpu.yield
    }) : () -> ()
    %scan3A_1029 = arith.constant 0 : i32
    %scan3A_1030 = arith.constant 0 : i32
    %scan3A_1031 = arith.constant 80 : i32
    %scan3A_1032 = arith.addi %scan3A_1030, %scan3A_1031 : i32
    %scan3A_1033 = arith.constant 1 : i32
    scf.for %scan3A_1037 = %scan3A_1030 to %scan3A_1032 step %scan3A_1033  : i32 {
      %get3A = arith.index_cast %scan3A_1037 : i32 to index
      %get3A_1038 = arith.constant 0 : index
      %get3A_1039 = tpu.vector_load %arg12[%get3A, %get3A_1038] {strides = array<i32>} : memref<80x16xf32, #tpu.memory_space<vmem>>, vector<1x16xf32>,
      %get3A_1040 = vector.shape_cast %get3A_1039 : vector<1x16xf32> to vector<16xf32>
      %max3A = arith.constant 1.000000e+00 : f32
      %max3A_1041 = vector.broadcast %max3A : f32 to vector<16xf32>
      %max3A_1042 = arith.maximumf %get3A_1040, %max3A_1041 : vector<16xf32>
      %div3A = arith.constant 1.000000e+00 : f32
      %div3A_1043 = vector.broadcast %div3A : f32 to vector<16xf32>
      %div3A_1044 = arith.divf %div3A_1043, %max3A_1042 : vector<16xf32>
      %get3A_1045 = arith.index_cast %scan3A_1037 : i32 to index
      %get3A_1046 = arith.constant 0 : index
      %get3A_1047 = tpu.vector_load %arg11[%get3A_1045, %get3A_1046] {strides = array<i32>} : memref<80x128xf32, #tpu.memory_space<vmem>>, vector<1x16xf32>,
      %get3A_1048 = vector.shape_cast %get3A_1047 : vector<1x16xf32> to vector<16xf32>
      %mul3A_1049 = arith.mulf %get3A_1048, %div3A_1044 : vector<16xf32>
      %swap3A_1050 = arith.index_cast %scan3A_1037 : i32 to index
      %swap3A_1051 = arith.constant 0 : index
      %swap3A_1052 = tpu.vector_load %arg11[%swap3A_1050, %swap3A_1051] {strides = array<i32>} : memref<80x128xf32, #tpu.memory_space<vmem>>, vector<1x16xf32>,
      %swap3A_1053 = vector.shape_cast %swap3A_1052 : vector<1x16xf32> to vector<16xf32>
      %swap3A_1054 = vector.shape_cast %mul3A_1049 : vector<16xf32> to vector<1x16xf32>
      tpu.vector_store %arg11[%swap3A_1050, %swap3A_1051], %swap3A_1054 {strides = array<i32>} : memref<80x128xf32, #tpu.memory_space<vmem>>, vector<1x16xf32>,
      %get3A_1055 = arith.index_cast %scan3A_1037 : i32 to index
      %get3A_1056 = arith.constant 16 : index
      %get3A_1057 = tpu.vector_load %arg11[%get3A_1055, %get3A_1056] {strides = array<i32>} : memref<80x128xf32, #tpu.memory_space<vmem>>, vector<1x16xf32>,
      %get3A_1058 = vector.shape_cast %get3A_1057 : vector<1x16xf32> to vector<16xf32>
      %mul3A_1059 = arith.mulf %get3A_1058, %div3A_1044 : vector<16xf32>
      %swap3A_1060 = arith.index_cast %scan3A_1037 : i32 to index
      %swap3A_1061 = arith.constant 16 : index
      %swap3A_1062 = tpu.vector_load %arg11[%swap3A_1060, %swap3A_1061] {strides = array<i32>} : memref<80x128xf32, #tpu.memory_space<vmem>>, vector<1x16xf32>,
      %swap3A_1063 = vector.shape_cast %swap3A_1062 : vector<1x16xf32> to vector<16xf32>
      %swap3A_1064 = vector.shape_cast %mul3A_1059 : vector<16xf32> to vector<1x16xf32>
      tpu.vector_store %arg11[%swap3A_1060, %swap3A_1061], %swap3A_1064 {strides = array<i32>} : memref<80x128xf32, #tpu.memory_space<vmem>>, vector<1x16xf32>,
      %get3A_1065 = arith.index_cast %scan3A_1037 : i32 to index
      %get3A_1066 = arith.constant 32 : index
      %get3A_1067 = tpu.vector_load %arg11[%get3A_1065, %get3A_1066] {strides = array<i32>} : memref<80x128xf32, #tpu.memory_space<vmem>>, vector<1x16xf32>,
      %get3A_1068 = vector.shape_cast %get3A_1067 : vector<1x16xf32> to vector<16xf32>
      %mul3A_1069 = arith.mulf %get3A_1068, %div3A_1044 : vector<16xf32>
      %swap3A_1070 = arith.index_cast %scan3A_1037 : i32 to index
      %swap3A_1071 = arith.constant 32 : index
      %swap3A_1072 = tpu.vector_load %arg11[%swap3A_1070, %swap3A_1071] {strides = array<i32>} : memref<80x128xf32, #tpu.memory_space<vmem>>, vector<1x16xf32>,
      %swap3A_1073 = vector.shape_cast %swap3A_1072 : vector<1x16xf32> to vector<16xf32>
      %swap3A_1074 = vector.shape_cast %mul3A_1069 : vector<16xf32> to vector<1x16xf32>
      tpu.vector_store %arg11[%swap3A_1070, %swap3A_1071], %swap3A_1074 {strides = array<i32>} : memref<80x128xf32, #tpu.memory_space<vmem>>, vector<1x16xf32>,
      %get3A_1075 = arith.index_cast %scan3A_1037 : i32 to index
      %get3A_1076 = arith.constant 48 : index
      %get3A_1077 = tpu.vector_load %arg11[%get3A_1075, %get3A_1076] {strides = array<i32>} : memref<80x128xf32, #tpu.memory_space<vmem>>, vector<1x16xf32>,
      %get3A_1078 = vector.shape_cast %get3A_1077 : vector<1x16xf32> to vector<16xf32>
      %mul3A_1079 = arith.mulf %get3A_1078, %div3A_1044 : vector<16xf32>
      %swap3A_1080 = arith.index_cast %scan3A_1037 : i32 to index
      %swap3A_1081 = arith.constant 48 : index
      %swap3A_1082 = tpu.vector_load %arg11[%swap3A_1080, %swap3A_1081] {strides = array<i32>} : memref<80x128xf32, #tpu.memory_space<vmem>>, vector<1x16xf32>,
      %swap3A_1083 = vector.shape_cast %swap3A_1082 : vector<1x16xf32> to vector<16xf32>
      %swap3A_1084 = vector.shape_cast %mul3A_1079 : vector<16xf32> to vector<1x16xf32>
      tpu.vector_store %arg11[%swap3A_1080, %swap3A_1081], %swap3A_1084 {strides = array<i32>} : memref<80x128xf32, #tpu.memory_space<vmem>>, vector<1x16xf32>,
      %get3A_1085 = arith.index_cast %scan3A_1037 : i32 to index
      %get3A_1086 = arith.constant 64 : index
      %get3A_1087 = tpu.vector_load %arg11[%get3A_1085, %get3A_1086] {strides = array<i32>} : memref<80x128xf32, #tpu.memory_space<vmem>>, vector<1x16xf32>,
      %get3A_1088 = vector.shape_cast %get3A_1087 : vector<1x16xf32> to vector<16xf32>
      %mul3A_1089 = arith.mulf %get3A_1088, %div3A_1044 : vector<16xf32>
      %swap3A_1090 = arith.index_cast %scan3A_1037 : i32 to index
      %swap3A_1091 = arith.constant 64 : index
      %swap3A_1092 = tpu.vector_load %arg11[%swap3A_1090, %swap3A_1091] {strides = array<i32>} : memref<80x128xf32, #tpu.memory_space<vmem>>, vector<1x16xf32>,
      %swap3A_1093 = vector.shape_cast %swap3A_1092 : vector<1x16xf32> to vector<16xf32>
      %swap3A_1094 = vector.shape_cast %mul3A_1089 : vector<16xf32> to vector<1x16xf32>
      tpu.vector_store %arg11[%swap3A_1090, %swap3A_1091], %swap3A_1094 {strides = array<i32>} : memref<80x128xf32, #tpu.memory_space<vmem>>, vector<1x16xf32>,
      %get3A_1095 = arith.index_cast %scan3A_1037 : i32 to index
      %get3A_1096 = arith.constant 80 : index
      %get3A_1097 = tpu.vector_load %arg11[%get3A_1095, %get3A_1096] {strides = array<i32>} : memref<80x128xf32, #tpu.memory_space<vmem>>, vector<1x16xf32>,
      %get3A_1098 = vector.shape_cast %get3A_1097 : vector<1x16xf32> to vector<16xf32>
      %mul3A_1099 = arith.mulf %get3A_1098, %div3A_1044 : vector<16xf32>
      %swap3A_1100 = arith.index_cast %scan3A_1037 : i32 to index
      %swap3A_1101 = arith.constant 80 : index
      %swap3A_1102 = tpu.vector_load %arg11[%swap3A_1100, %swap3A_1101] {strides = array<i32>} : memref<80x128xf32, #tpu.memory_space<vmem>>, vector<1x16xf32>,
      %swap3A_1103 = vector.shape_cast %swap3A_1102 : vector<1x16xf32> to vector<16xf32>
      %swap3A_1104 = vector.shape_cast %mul3A_1099 : vector<16xf32> to vector<1x16xf32>
      tpu.vector_store %arg11[%swap3A_1100, %swap3A_1101], %swap3A_1104 {strides = array<i32>} : memref<80x128xf32, #tpu.memory_space<vmem>>, vector<1x16xf32>,
      %get3A_1105 = arith.index_cast %scan3A_1037 : i32 to index
      %get3A_1106 = arith.constant 96 : index
      %get3A_1107 = tpu.vector_load %arg11[%get3A_1105, %get3A_1106] {strides = array<i32>} : memref<80x128xf32, #tpu.memory_space<vmem>>, vector<1x16xf32>,
      %get3A_1108 = vector.shape_cast %get3A_1107 : vector<1x16xf32> to vector<16xf32>
      %mul3A_1109 = arith.mulf %get3A_1108, %div3A_1044 : vector<16xf32>
      %swap3A_1110 = arith.index_cast %scan3A_1037 : i32 to index
      %swap3A_1111 = arith.constant 96 : index
      %swap3A_1112 = tpu.vector_load %arg11[%swap3A_1110, %swap3A_1111] {strides = array<i32>} : memref<80x128xf32, #tpu.memory_space<vmem>>, vector<1x16xf32>,
      %swap3A_1113 = vector.shape_cast %swap3A_1112 : vector<1x16xf32> to vector<16xf32>
      %swap3A_1114 = vector.shape_cast %mul3A_1109 : vector<16xf32> to vector<1x16xf32>
      tpu.vector_store %arg11[%swap3A_1110, %swap3A_1111], %swap3A_1114 {strides = array<i32>} : memref<80x128xf32, #tpu.memory_space<vmem>>, vector<1x16xf32>,
      %get3A_1115 = arith.index_cast %scan3A_1037 : i32 to index
      %get3A_1116 = arith.constant 112 : index
      %get3A_1117 = tpu.vector_load %arg11[%get3A_1115, %get3A_1116] {strides = array<i32>} : memref<80x128xf32, #tpu.memory_space<vmem>>, vector<1x16xf32>,
      %get3A_1118 = vector.shape_cast %get3A_1117 : vector<1x16xf32> to vector<16xf32>
      %mul3A_1119 = arith.mulf %get3A_1118, %div3A_1044 : vector<16xf32>
      %swap3A_1120 = arith.index_cast %scan3A_1037 : i32 to index
      %swap3A_1121 = arith.constant 112 : index
      %swap3A_1122 = tpu.vector_load %arg11[%swap3A_1120, %swap3A_1121] {strides = array<i32>} : memref<80x128xf32, #tpu.memory_space<vmem>>, vector<1x16xf32>,
      %swap3A_1123 = vector.shape_cast %swap3A_1122 : vector<1x16xf32> to vector<16xf32>
      %swap3A_1124 = vector.shape_cast %mul3A_1119 : vector<16xf32> to vector<1x16xf32>
      tpu.vector_store %arg11[%swap3A_1120, %swap3A_1121], %swap3A_1124 {strides = array<i32>} : memref<80x128xf32, #tpu.memory_space<vmem>>, vector<1x16xf32>,
    }
    %scan3A_1034 = arith.constant 80 : i32
    %add3A_1035 = arith.constant 240 : i32
    %add3A_1036 = arith.addi %add3A_988, %add3A_1035 : i32
    "tpu.region"() ({
      %run_scoped3A = tpu.sem_alloc : memref<!tpu.dma_semaphore, #tpu.memory_space<semaphore_mem>>
      %dma_start3A = arith.constant 0 : i32
      %dma_start3A_1037 = tpu.memref_slice %arg6[%add3A_1036, %dma_start3A] : memref<10240x128xf32, #tpu.memory_space<hbm>> -> memref<80x128xf32, #tpu.memory_space<hbm>>
      %dma_start3A_1038 = arith.constant 0 : i32
      %dma_start3A_1039 = tpu.memref_slice %arg6[%add3A_1036, %dma_start3A_1038] : memref<10240x128xf32, #tpu.memory_space<hbm>> -> memref<80x128xf32, #tpu.memory_space<hbm>>
      tpu.enqueue_dma source(%arg11 : memref<80x128xf32, #tpu.memory_space<vmem>>) target(%dma_start3A_1039 : memref<80x128xf32, #tpu.memory_space<hbm>>) target_semaphore(%run_scoped3A : memref<!tpu.dma_semaphore, #tpu.memory_space<semaphore_mem>>)
      %dma_wait3A = arith.constant 0 : i32
      %dma_wait3A_1040 = tpu.memref_slice %arg6[%add3A_1036, %dma_wait3A] : memref<10240x128xf32, #tpu.memory_space<hbm>> -> memref<80x128xf32, #tpu.memory_space<hbm>>
      %dma_wait3A_1041 = arith.constant 0 : i32
      %dma_wait3A_1042 = tpu.memref_slice %arg6[%add3A_1036, %dma_wait3A_1041] : memref<10240x128xf32, #tpu.memory_space<hbm>> -> memref<80x128xf32, #tpu.memory_space<hbm>>
      tpu.wait_dma2 semaphore(%run_scoped3A : memref<!tpu.dma_semaphore, #tpu.memory_space<semaphore_mem>>) src(%arg11 : memref<80x128xf32, #tpu.memory_space<vmem>>) dst(%dma_wait3A_1042 : memref<80x128xf32, #tpu.memory_space<hbm>>)
      tpu.yield
    }) : () -> ()
    return
  }
}

module attributes {stable_mosaic.version = 14 : i64} {
  func.func @_tc_update(%arg0: i32, %arg1: memref<640x128xf32, #tpu.memory_space<vmem>>, %arg2: memref<640x128xf32, #tpu.memory_space<vmem>>, %arg3: memref<128x256xf32, #tpu.memory_space<vmem>>, %arg4: memref<1x256xf32, #tpu.memory_space<vmem>>, %arg5: memref<128x256xf32, #tpu.memory_space<vmem>>, %arg6: memref<640x256xf32, #tpu.memory_space<vmem>>) attributes {dimension_semantics = [#tpu.dimension_semantics<arbitrary>], iteration_bounds = array<i64: 16>, scalar_prefetch = 0 : i64, scratch_operands = 0 : i64, tpu.core_type = #tpu.core_type<tc>, window_params = [{transform_indices = @transform_0, window_bounds = array<i64: 640, 128>}, {transform_indices = @transform_1, window_bounds = array<i64: 640, 128>}, {pipeline_mode = #tpu.pipeline_mode<synchronous>, transform_indices = @transform_2, window_bounds = array<i64: 128, 256>}, {pipeline_mode = #tpu.pipeline_mode<synchronous>, transform_indices = @transform_3, window_bounds = array<i64: 1, 256>}, {pipeline_mode = #tpu.pipeline_mode<synchronous>, transform_indices = @transform_4, window_bounds = array<i64: 128, 256>}, {transform_indices = @transform_5, window_bounds = array<i64: 640, 256>}]} {
    %get3A = arith.constant 0 : index
    %get3A_0 = arith.constant 0 : index
    %get3A_1 = vector.load %arg1[%get3A, %get3A_0] : memref<640x128xf32, #tpu.memory_space<vmem>>, vector<640x128xf32>
    %get3A_2 = arith.constant 0 : index
    %get3A_3 = arith.constant 0 : index
    %get3A_4 = vector.load %arg3[%get3A_2, %get3A_3] : memref<128x256xf32, #tpu.memory_space<vmem>>, vector<128x256xf32>
    %dot_general3A = arith.constant dense<0.000000e+00> : vector<640x256xf32>
    %dot_general3A_5 = tpu.matmul %get3A_1, %get3A_4, %dot_general3A {dimension_numbers = #tpu.dot_dimension_numbers<[1], [0], [0], [1], [0, 0, 1, 1], [], []>, transpose_lhs_hint = false} : vector<640x128xf32>, vector<128x256xf32>, vector<640x256xf32> -> vector<640x256xf32>
    %get3A_6 = arith.constant 0 : index
    %get3A_7 = arith.constant 0 : index
    %get3A_8 = vector.load %arg4[%get3A_6, %get3A_7] : memref<1x256xf32, #tpu.memory_space<vmem>>, vector<1x256xf32>
    %add3A = vector.broadcast %get3A_8 : vector<1x256xf32> to vector<640x256xf32>
    %add3A_9 = arith.addf %dot_general3A_5, %add3A : vector<640x256xf32>
    %get3A_10 = arith.constant 0 : index
    %get3A_11 = arith.constant 0 : index
    %get3A_12 = vector.load %arg2[%get3A_10, %get3A_11] : memref<640x128xf32, #tpu.memory_space<vmem>>, vector<640x128xf32>
    %get3A_13 = arith.constant 0 : index
    %get3A_14 = arith.constant 0 : index
    %get3A_15 = vector.load %arg5[%get3A_13, %get3A_14] : memref<128x256xf32, #tpu.memory_space<vmem>>, vector<128x256xf32>
    %dot_general3A_16 = arith.constant dense<0.000000e+00> : vector<640x256xf32>
    %dot_general3A_17 = tpu.matmul %get3A_12, %get3A_15, %dot_general3A_16 {dimension_numbers = #tpu.dot_dimension_numbers<[1], [0], [0], [1], [0, 0, 1, 1], [], []>, transpose_lhs_hint = false} : vector<640x128xf32>, vector<128x256xf32>, vector<640x256xf32> -> vector<640x256xf32>
    %add3A_18 = arith.addf %add3A_9, %dot_general3A_17 : vector<640x256xf32>
    %mul3A = arith.constant 5.000000e-01 : f32
    %mul3A_19 = vector.broadcast %mul3A : f32 to vector<640x256xf32>
    %mul3A_20 = arith.mulf %mul3A_19, %add3A_18 : vector<640x256xf32>
    %mul3A_21 = arith.constant 0.707106769 : f32
    %mul3A_22 = vector.broadcast %mul3A_21 : f32 to vector<640x256xf32>
    %mul3A_23 = arith.mulf %add3A_18, %mul3A_22 : vector<640x256xf32>
    %erf3A = math.erf %mul3A_23 : vector<640x256xf32>
    %add3A_24 = arith.constant 1.000000e+00 : f32
    %add3A_25 = vector.broadcast %add3A_24 : f32 to vector<640x256xf32>
    %add3A_26 = arith.addf %add3A_25, %erf3A : vector<640x256xf32>
    %mul3A_27 = arith.mulf %mul3A_20, %add3A_26 : vector<640x256xf32>
    %swap3A = arith.constant 0 : index
    %swap3A_28 = arith.constant 0 : index
    %swap3A_29 = vector.load %arg6[%swap3A, %swap3A_28] : memref<640x256xf32, #tpu.memory_space<vmem>>, vector<640x256xf32>
    tpu.vector_store %arg6[%swap3A, %swap3A_28], %mul3A_27 {strides = array<i32>} : memref<640x256xf32, #tpu.memory_space<vmem>>, vector<640x256xf32>,
    return
  }
  func.func @transform_0(%arg0: i32) -> (i32, i32) {
    %c0_i32 = arith.constant 0 : i32
    %c0_i32_0 = arith.constant 0 : i32
    return %arg0, %c0_i32 : i32, i32
  }
  func.func @transform_1(%arg0: i32) -> (i32, i32) {
    %c0_i32 = arith.constant 0 : i32
    %c0_i32_0 = arith.constant 0 : i32
    return %arg0, %c0_i32 : i32, i32
  }
  func.func @transform_2(%arg0: i32) -> (i32, i32) {
    %c0_i32 = arith.constant 0 : i32
    %c0_i32_0 = arith.constant 0 : i32
    %c0_i32_1 = arith.constant 0 : i32
    return %c0_i32, %c0_i32_0 : i32, i32
  }
  func.func @transform_3(%arg0: i32) -> (i32, i32) {
    %c0_i32 = arith.constant 0 : i32
    %c0_i32_0 = arith.constant 0 : i32
    %c0_i32_1 = arith.constant 0 : i32
    return %c0_i32, %c0_i32_0 : i32, i32
  }
  func.func @transform_4(%arg0: i32) -> (i32, i32) {
    %c0_i32 = arith.constant 0 : i32
    %c0_i32_0 = arith.constant 0 : i32
    %c0_i32_1 = arith.constant 0 : i32
    return %c0_i32, %c0_i32_0 : i32, i32
  }
  func.func @transform_5(%arg0: i32) -> (i32, i32) {
    %c0_i32 = arith.constant 0 : i32
    %c0_i32_0 = arith.constant 0 : i32
    return %arg0, %c0_i32 : i32, i32
  }
}

</mosaic_0001>

<sc_bundles>
// kernel: kernel.4.cloned.1.call-start
scs
__scs_entry_jumppad:
0x0: {  	(pc) =	sbr.rel $0x88, $3  }
0x1: {  	(tag) =	ssettag $0x0;
	lr =	simm.s32 $0x1  }
0x2: {  	[smem:$0x3F9C] =	sst lr;
	_ =	strace $0xD0000000  }
0x3: {  	_ = 	snop  }
0x4: {  	_ = 	snop  }
0x5: {  	_ = 	snop  }
0x6: {  	_ = 	snop  }
0x7: {  	_ = 	snop  }
__scs_overlays_trampoline_lowered:
0x8: {  	[smem:$0x3FAB] =	sst s0  }
0x9: {  	[smem:$0x3FAC] =	sst s1  }
0xa: {  	[smem:$0x3FAD] =	sst s2  }
0xb: {  	[smem:$0x3FAE] =	sst s3  }
0xc: {  	[smem:$0x3FAF] =	sst s4  }
0xd: {  	[smem:$0x3FB0] =	sst s5  }
0xe: {  	[smem:$0x3FB1] =	sst s6  }
0xf: {  	[smem:$0x3FB2] =	sst s7  }
0x10: {  	[smem:$0x3FB3] =	sst s8  }
0x11: {  	[smem:$0x3FB4] =	sst s9;
	s0 =	simm.s32 @!p0 $0x0  }
0x12: {  	s1 =	sld [smem:$0x3F9A];
	s0 =	simm.s32 @p0 $0x1  }
0x13: {  	[smem:$0x3FB5] =	sst s0;
	s0 =	simm.s32 @!p1 $0x0  }
0x14: {  	s2 =	sld [smem:$0x3F99];
	s0 =	simm.s32 @p1 $0x1  }
0x15: {  	[smem:$0x3FB6] =	sst s0;
	s0 =	simm.s32 @!p2 $0x0  }
0x16: {  	s3 =	sld [smem:$0x3FDB];
	s0 =	simm.s32 @p2 $0x1  }
0x17: {  	s4 =	simm.s32 $0x1BF5;
	[smem:$0x3FB8] =	sst s0  }
0x18: {  	s0 =	sld [smem:$0x3F9B];
	_ =	swait.ge [sflag:s4], $0x0  }
0x19: {  	s7 =	sld [smem:$0x3F9C]  }
0x1a: {  	s8 =	sadd.s32 $0xFFFFE003, lr  }
0x1b: {  	s9 =	sadd.s32 $0xFFFFFEF7, lr;
	s5 =	simm.s32 $0xFFFFFFFF;
	p2 =	slt.u32 s8, $0xFFFFF086  }
0x1c: {  	p1 =	slt.u32 s9, $0xF7A;
	s5 =	simm.s32 @!p2 $0x0  }
0x1d: {  	s5 =	simm.s32 @p1 $0x1;
	p0 =	seq.s32 s7, s2  }
0x1e: {  	s7 =	smul.u32 @!p0 $0xF7A, s2;
	p2 =	seq.s32 @!p0 s5, $0x0  }
0x1f: {  	s9 =	smul.u32 $0xF7A, s1;
	s8 =	simm.s32 @!p0 $0x1BF5;
	p2 =	por !p2, p0  }
0x20: {  	[sflag:s8] =	ssyncset.s32 @!p0 $0xFFFFF086;
	s6 =	sadd.s32 @!p0 s3, s7;
	s7 =	simm.s32 @!p0 $0x108  }
0x21: {  	s3 =	sadd.s32 s3, s9;
	s6 =	sadd.s32 @!p0 $0x88, s6;
	s7 =	simm.s32 @p2 $0x1082  }
0x22: {  	[simem:s7], [sflag:s8] =	dma.local @!p0 [hbm:s6], $0xF7A  }
0x23: {  	s9 =	sor.u32 $0xD0000000, s2;
	s6 =	simm.s32 $0x108;
	_ =	swait.ge @!p0 [sflag:s8], $0x0  }
0x24: {  	s3 =	sadd.s32 $0x88, s3;
	s6 =	simm.s32 @!p1 $0x1082;
	[sflag:s4] =	ssyncset.s32 $0xFFFFF086  }
0x25: {  	[simem:s6], [sflag:s4] =	dma.local [hbm:s3], $0xF7A  }
0x26: {  	[smem:$0x3F9C] =	sst s1;
	(tag) =	ssettag s2;
	_ =	strace s9  }
0x27: {  	s1 =	sld [smem:$0x3FAC]  }
0x28: {  	s2 =	sld [smem:$0x3FAD]  }
0x29: {  	s4 =	sld [smem:$0x3FAF]  }
0x2a: {  	p0 =	seq.s32 s5, $0x0;
	s5 =	sld [smem:$0x3FB0]  }
0x2b: {  	s6 =	sld [smem:$0x3FB1]  }
0x2c: {  	s7 =	sld [smem:$0x3FB2]  }
0x2d: {  	s3 =	simm.s32 $0x108;
	s8 =	sld [smem:$0x3FB3]  }
0x2e: {  	s3 =	simm.s32 @!p0 $0x1082;
	s9 =	sld [smem:$0x3FB4]  }
0x2f: {  	lr =	sadd.s32 s0, s3;
	s0 =	sld [smem:$0x3FAB]  }
0x30: {  	s3 =	sld [smem:$0x3FAE]  }
0x31: {  	[smem:$0x3FB7] =	sst s10  }
0x32: {  	s10 =	sld [smem:$0x3FB5];
	_ =	sdelay $0x3  }
0x33: {  	p0 =	seq.s32 s10, $0x1;
	s10 =	sld [smem:$0x3FB7];
	_ =	sdelay $0x3  }
0x34: {  	[smem:$0x3FB7] =	sst s10  }
0x35: {  	s10 =	sld [smem:$0x3FB6];
	_ =	sdelay $0x3  }
0x36: {  	p1 =	seq.s32 s10, $0x1;
	s10 =	sld [smem:$0x3FB7];
	_ =	sdelay $0x3  }
0x37: {  	[smem:$0x3FB7] =	sst s10  }
0x38: {  	s10 =	sld [smem:$0x3FB8]  }
0x39: {  	_ = 	snop;
	(pc) =	sbr.ind lr, $3  }
0x3a: {  	_ = 	snop  }
0x3b: {  	_ = 	snop  }
0x3c: {  	p2 =	seq.s32 s10, $0x1;
	s10 =	sld [smem:$0x3FB7]  }
0x3d: {  	_ =	shalt  }
0x3e: {  	_ =	shalt  }
0x3f: {  	_ =	shalt  }
0x40: {  	_ =	shalt  }
0x41: {  	_ =	shalt  }
0x42: {  	_ =	shalt  }
0x43: {  	_ =	shalt  }
0x44: {  	_ =	shalt  }
0x45: {  	_ =	shalt  }
0x46: {  	_ =	shalt  }
0x47: {  	_ =	shalt  }
0x48: {  	_ =	shalt  }
0x49: {  	_ =	shalt  }
0x4a: {  	_ =	shalt  }
0x4b: {  	_ =	shalt  }
0x4c: {  	_ =	shalt  }
0x4d: {  	_ =	shalt  }
0x4e: {  	_ =	shalt  }
0x4f: {  	_ =	shalt  }
0x50: {  	_ =	shalt  }
0x51: {  	_ =	shalt  }
0x52: {  	_ =	shalt  }
0x53: {  	_ =	shalt  }
0x54: {  	_ =	shalt  }
0x55: {  	_ =	shalt  }
0x56: {  	_ =	shalt  }
0x57: {  	_ =	shalt  }
0x58: {  	_ =	shalt  }
0x59: {  	_ =	shalt  }
0x5a: {  	_ =	shalt  }
0x5b: {  	_ =	shalt  }
0x5c: {  	_ =	shalt  }
0x5d: {  	_ =	shalt  }
0x5e: {  	_ =	shalt  }
0x5f: {  	_ =	shalt  }
0x60: {  	_ =	shalt  }
0x61: {  	_ =	shalt  }
0x62: {  	_ =	shalt  }
0x63: {  	_ =	shalt  }
0x64: {  	_ =	shalt  }
0x65: {  	_ =	shalt  }
0x66: {  	_ =	shalt  }
0x67: {  	_ =	shalt  }
0x68: {  	_ =	shalt  }
0x69: {  	_ =	shalt  }
0x6a: {  	_ =	shalt  }
0x6b: {  	_ =	shalt  }
0x6c: {  	_ =	shalt  }
0x6d: {  	_ =	shalt  }
0x6e: {  	_ =	shalt  }
0x6f: {  	_ =	shalt  }
0x70: {  	_ =	shalt  }
0x71: {  	_ =	shalt  }
0x72: {  	_ =	shalt  }
0x73: {  	_ =	shalt  }
0x74: {  	_ =	shalt  }
0x75: {  	_ =	shalt  }
0x76: {  	_ =	shalt  }
0x77: {  	_ =	shalt  }
0x78: {  	_ =	shalt  }
0x79: {  	_ =	shalt  }
0x7a: {  	_ =	shalt  }
0x7b: {  	_ =	shalt  }
0x7c: {  	_ =	shalt  }
0x7d: {  	_ =	shalt  }
0x7e: {  	_ =	shalt  }
0x7f: {  	_ =	shalt  }
0x80: {  	_ =	shalt  }
0x81: {  	_ =	shalt  }
0x82: {  	_ =	shalt  }
0x83: {  	_ =	shalt  }
0x84: {  	_ =	shalt  }
0x85: {  	_ =	shalt  }
0x86: {  	_ =	shalt  }
0x87: {  	_ =	shalt  }
.Lfunc_end0:
.L_simem_size_0:
called_computation_lowered:
.L_overlay_start_0:
0x88: {  	s2 =	sld [smem:$0x3FD9]  }
0x89: {  	s3 =	sld [smem:$0x3FFE];
	_ =	sdelay $0x1  }
0x8a: {  	s1 =	srdreg.scid  }
0x8b: {  	s0 =	sand.u32 $0x1, s1  }
0x8c: {  	s17 =	sshll.u32 s0, $0xA;
	s2 =	sadd.s32 s3, s2  }
0x8d: {  	s2 =	sadd.s32 s2, s17  }
0x8e: {  	[smem:$0x3FC3] =	sst s2  }
0x8f: {  	_ = 	snop  }
0x90: {  	s2 =	sld [smem:$0x3FC9]  }
0x91: {  	s18 =	sld [smem:$0x3FD0];
	(tm) =	ssettm $0x1  }
0x92: {  	s4 =	sld [smem:$0x3FFB];
	_ =	sdelay $0x3  }
0x93: {  	_ =	strace s4  }
0x94: {  	s4 =	sld [smem:$0x3FFC];
	_ =	sdelay $0x3  }
0x95: {  	_ =	strace s4  }
0x96: {  	s4 =	sld [smem:$0x3FFD];
	_ =	sdelay $0x3  }
0x97: {  	_ =	strace s4  }
0x98: {  	_ =	strace $0x8FFFFFFF  }
0x99: {  	s19 =	sld [smem:$0x3FDB];
	_ =	sdelay $0x1  }
0x9a: {  	s5 =	simm.s32 $_scs_section_size  }
0x9b: {  	s6 =	simm.s32 $_size__tile_overlayer_lowered;
	s7 =	simm.s32 $_tile_overlayer_lowered  }
0x9c: {  	s22 =	simm.s32 $0x1BFF;
	s21 =	sshll.u32 s7, $0x1;
	s4 =	sadd.s32 s5, s19  }
0x9d: {  	s8 =	simm.s32 $0x0;
	s20 =	sshll.u32 s6, $0x1;
	s6 =	sadd.s32 s21, s4  }
0x9e: {  	[timem:s8], [sflag:s22] =	dma.local [hbm:s6], s20  }
0x9f: {  	_ =	swait.ge [sflag:s22], s20  }
0xa0: {  	s5 =	ssub.s32 $0x0, s20;
	[sflag:s22] =	ssyncset.done $0x0  }
0xa1: {  	[sflag:s22] =	ssyncadd.s32 s5;
	_ =	sdelay $0x1  }
0xa2: {  	s23 =	simm.s32 $0x1B8B  }
0xa3: {  	_ =	swait.ge [sflag:s23], $0x1  }
0xa4: {  	[sflag:s23] =	ssyncset.done $0x0  }
0xa5: {  	s25 =	simm.s32 $0x1B8E;
	s24 =	sld [smem:$0x3FFE];
	[sflag:s23] =	ssyncadd.s32 $0xFFFFFFFF  }
0xa6: {  	s26 =	simm.s32 $execute0_lowered;
	[smem:$0x3FD2] =	sst s25  }
0xa7: {  	s6 =	sshll.u32 s26, $0x1;
	_ =	strace $0x80000046;
	[dreg:$0x1] =	wrdreg $0xFFFFFFFF  }
0xa8: {  	s28 =	simm.s32 $_size_execute0_lowered;
	s4 =	sadd.s32 s4, s6;
	[dreg:$0x0] =	wrdreg $0x0  }
0xa9: {  	s6 =	sshll.u32 s28, $0x1;
	[dreg:$0x2] =	wrdreg s4  }
0xaa: {  	[dreg:$0x3] =	wrdreg s6  }
0xab: {  	[dreg:$0x4] =	wrdreg $0xC0  }
0xac: {  	_ =	task [dreg:s8], $0x5FFFF  }
0xad: {  	[dreg:$0x1] =	wrdreg $0xFFFFFFFF  }
0xae: {  	[dreg:$0x0] =	wrdreg $0x60  }
0xaf: {  	[dreg:$0x2] =	wrdreg s24  }
0xb0: {  	[dreg:$0x3] =	wrdreg s2  }
0xb1: {  	[dreg:$0x4] =	wrdreg s18  }
0xb2: {  	[dreg:$0x5] =	wrdreg $0xA1000  }
0xb3: {  	[dreg:$0x6] =	wrdreg $0x141400  }
0xb4: {  	[dreg:$0x7] =	wrdreg $0x9  }
0xb5: {  	_ =	task.clear_ibuf [dreg:s8], $0x8FFFF;
	_ =	strace $0x90000046  }
0xb6: {  	s29 =	simm.s32 $0x9;
	_ =	strace $0x80000048  }
0xb7: {  	_ =	swait.ge [sflag:s29], $0x1  }
0xb8: {  	[sflag:s29] =	ssyncadd.s32 $0xFFFFFFFF  }
0xb9: {  	_ =	strace $0x90000048  }
0xba: {  	_ =	sfence  }
0xbb: {  	s30 =	sld [smem:$0x0];
	_ =	sdelay $0x2  }
0xbc: {  	s31 =	sshll.u32 s1, $0xD;
	s1 =	sshrl.u32 s1, $0x2  }
0xbd: {  	s3 =	sand.u32 $0x4000, s31;
	s1 =	sadd.s32 s1, s30  }
0xbe: {  	s0 =	sor.u32 s3, s0;
	s1 =	sshll.u32 s1, $0x11  }
0xbf: {  	s0 =	sor.u32 s1, s0  }
0xc0: {  	s0 =	sadd.s32 $0x8F2B, s0  }
0xc1: {  	[sflag:s0] =	ssyncadd.remote.s32 $0x1  }
0xc2: {  	_ =	sfence.sel $0xFFFF  }
0xc3: {  	[dreg:$0x0] =	wrdreg $0xFFFFFFFF;
	(pc) =	sbr.abs _section_cstart, $3  }
0xc4: {  	[dreg:$0x1] =	wrdreg $0xFFFFFFFF  }
0xc5: {  	_ =	task.clear_ibuf [dreg:s8], $0x2FFFF;
	_ =	strace $0x9FFFFFFF  }
0xc6: {  	(tm) =	ssettm $0x7FFFFFFF  }
0xc7: {  	_ =	shalt  }
tec
execute0_lowered:
.L_overlay_start_1:
0x0: {  	(tag) =	ssettag $0x1  }
0x1: {  	s0 =	rddreg [dreg:$0x0]  }
0x2: {  	s1 =	rddreg [dreg:$0x1]  }
0x3: {  	s2 =	rddreg [dreg:$0x2]  }
0x4: {  	s3 =	rddreg [dreg:$0x3]  }
0x5: {  	s4 =	rddreg [dreg:$0x4];
	s5 =	simm.s32 $0x0  }
0x6: {  	s9 =	stileid.u32;
	s6 =	srdreg.scid;
	s22 =	simm.s32 $0x5100  }
0x7: {  	s23 =	simm.s32 $0x2;
	s28 =	simm.s32 $0x100;
	s29 =	simm.s32 $0x1  }
0x8: {  	s30 =	simm.s32 $0x2900;
	s31 =	simm.s32 $0x0;
	s7 =	smul.u32 $0x9C4, s9  }
0x9: {  	[smem:$0x7FF] =	sst s5;
	s6 =	sand.u32 $0x1, s6;
	s13 =	smul.u32 $0xA000, s9  }
0xa: {  	s12 =	smul.u32 $0x140, s9;
	_ =	strace $0x80000047;
	s8 =	ssub.s32 $0x2, s6  }
0xb: {  	s6 =	smul.u32 $0x1400, s6;
	s21 =	sadd.s32 s7, s0;
	s24 =	sshrl.u32 s8, $0x1  }
0xc: {  	s0 =	sadd.s32 $0x14800, s0;
	s7 =	sadd.s32 s13, s3;
	s10 =	sadd.s32 $0x2800, s13  }
0xd: {  	s14 =	sadd.s32 $0x5000, s13;
	s26 =	sadd.s32 $0x7800, s13;
	[dreg:$0x6] =	wrdreg s0  }
0xe: {  	s25 =	ssub.s32 s8, s24;
	s8 =	sadd.s32 s13, s4;
	s9 =	sadd.s32 s10, s3  }
0xf: {  	s10 =	sadd.s32 s10, s4;
	s11 =	sadd.s32 s14, s3;
	s15 =	sadd.s32 s12, s6  }
0x10: {  	s12 =	sadd.s32 s14, s4;
	s13 =	sadd.s32 s26, s3;
	s14 =	sadd.s32 s26, s4  }
0x11: {  	s20 =	sadd.s32 $0xC00, s21;
	s21 =	sadd.s32 $0xAA00, s21;
	s15 =	sshll.u32 s15, $0x4  }
0x12: {  	s24 =	simm.s32 $0x7900;
	s26 =	simm.s32 $0x50;
	s15 =	sadd.s32 s2, s15  }
0x13: {  	s19 =	smax.u32 s25, $0x1;
	s25 =	simm.s32 $0x80;
	s2 =	sadd.s32 $0x500, s15  }
0x14: {  	v1 =	vimm.f32 $1.000000000e+00;
	v2 =	vimm.f32 $0.0e+00;
	v0 =	vmov s6;
	s17 =	sadd.s32 $0xA00, s15;
	s18 =	sadd.s32 $0xF00, s15;
	[dreg:$0x7] =	wrdreg s2  }
.LBB2_1:
0x15: {  	[tilespmem:$0x2900] =	vst v1  }
0x16: {  	[tilespmem:$0x2980] =	vst v1  }
0x17: {  	[tilespmem:$0x2A00] =	vst v1  }
0x18: {  	[tilespmem:$0x2A80] =	vst v1  }
0x19: {  	[tilespmem:$0x2B00] =	vst v1  }
0x1a: {  	[tilespmem:$0x2B80] =	vst v1  }
0x1b: {  	[tilespmem:$0x2C00] =	vst v1  }
0x1c: {  	[tilespmem:$0x2C80] =	vst v1  }
0x1d: {  	[tilespmem:$0x2D00] =	vst v1  }
0x1e: {  	[tilespmem:$0x2D80] =	vst v1  }
0x1f: {  	[tilespmem:$0x2E00] =	vst v1  }
0x20: {  	[tilespmem:$0x2E80] =	vst v1  }
0x21: {  	[tilespmem:$0x2F00] =	vst v1  }
0x22: {  	[tilespmem:$0x2F80] =	vst v1  }
0x23: {  	[tilespmem:$0x3000] =	vst v1  }
0x24: {  	[tilespmem:$0x3080] =	vst v1  }
0x25: {  	[tilespmem:$0x3100] =	vst v1  }
0x26: {  	[tilespmem:$0x3180] =	vst v1  }
0x27: {  	[tilespmem:$0x3200] =	vst v1  }
0x28: {  	[tilespmem:$0x3280] =	vst v1  }
0x29: {  	[tilespmem:$0x3300] =	vst v1  }
0x2a: {  	[tilespmem:$0x3380] =	vst v1  }
0x2b: {  	[tilespmem:$0x3400] =	vst v1  }
0x2c: {  	[tilespmem:$0x3480] =	vst v1  }
0x2d: {  	[tilespmem:$0x3500] =	vst v1  }
0x2e: {  	[tilespmem:$0x3580] =	vst v1  }
0x2f: {  	[tilespmem:$0x3600] =	vst v1  }
0x30: {  	[tilespmem:$0x3680] =	vst v1  }
0x31: {  	[tilespmem:$0x3700] =	vst v1  }
0x32: {  	[tilespmem:$0x3780] =	vst v1  }
0x33: {  	[tilespmem:$0x3800] =	vst v1  }
0x34: {  	[tilespmem:$0x3880] =	vst v1  }
0x35: {  	[tilespmem:$0x3900] =	vst v1  }
0x36: {  	[tilespmem:$0x3980] =	vst v1  }
0x37: {  	[tilespmem:$0x3A00] =	vst v1  }
0x38: {  	[tilespmem:$0x3A80] =	vst v1  }
0x39: {  	[tilespmem:$0x3B00] =	vst v1  }
0x3a: {  	[tilespmem:$0x3B80] =	vst v1  }
0x3b: {  	[tilespmem:$0x3C00] =	vst v1  }
0x3c: {  	[tilespmem:$0x3C80] =	vst v1  }
0x3d: {  	[tilespmem:$0x3D00] =	vst v1  }
0x3e: {  	[tilespmem:$0x3D80] =	vst v1  }
0x3f: {  	[tilespmem:$0x3E00] =	vst v1  }
0x40: {  	[tilespmem:$0x3E80] =	vst v1  }
0x41: {  	[tilespmem:$0x3F00] =	vst v1  }
0x42: {  	[tilespmem:$0x3F80] =	vst v1  }
0x43: {  	[tilespmem:$0x4000] =	vst v1  }
0x44: {  	[tilespmem:$0x4080] =	vst v1  }
0x45: {  	[tilespmem:$0x4100] =	vst v1  }
0x46: {  	[tilespmem:$0x4180] =	vst v1  }
0x47: {  	[tilespmem:$0x4200] =	vst v1  }
0x48: {  	[tilespmem:$0x4280] =	vst v1  }
0x49: {  	[tilespmem:$0x4300] =	vst v1  }
0x4a: {  	[tilespmem:$0x4380] =	vst v1  }
0x4b: {  	[tilespmem:$0x4400] =	vst v1  }
0x4c: {  	[tilespmem:$0x4480] =	vst v1  }
0x4d: {  	[tilespmem:$0x4500] =	vst v1  }
0x4e: {  	[tilespmem:$0x4580] =	vst v1  }
0x4f: {  	[tilespmem:$0x4600] =	vst v1  }
0x50: {  	[tilespmem:$0x4680] =	vst v1  }
0x51: {  	[tilespmem:$0x4700] =	vst v1  }
0x52: {  	[tilespmem:$0x4780] =	vst v1  }
0x53: {  	[tilespmem:$0x4800] =	vst v1  }
0x54: {  	[tilespmem:$0x4880] =	vst v1  }
0x55: {  	[tilespmem:$0x4900] =	vst v1  }
0x56: {  	[tilespmem:$0x4980] =	vst v1  }
0x57: {  	[tilespmem:$0x4A00] =	vst v1  }
0x58: {  	[tilespmem:$0x4A80] =	vst v1  }
0x59: {  	[tilespmem:$0x4B00] =	vst v1  }
0x5a: {  	[tilespmem:$0x4B80] =	vst v1  }
0x5b: {  	[tilespmem:$0x4C00] =	vst v1  }
0x5c: {  	[tilespmem:$0x4C80] =	vst v1  }
0x5d: {  	[tilespmem:$0x4D00] =	vst v1  }
0x5e: {  	[tilespmem:$0x4D80] =	vst v1  }
0x5f: {  	[tilespmem:$0x4E00] =	vst v1  }
0x60: {  	[tilespmem:$0x4E80] =	vst v1  }
0x61: {  	[tilespmem:$0x4F00] =	vst v1  }
0x62: {  	[tilespmem:$0x4F80] =	vst v1  }
0x63: {  	[tilespmem:$0x5000] =	vst v1  }
0x64: {  	[tilespmem:$0x5080] =	vst v1  }
0x65: {  	[tilespmem:$0x7900] =	vst v2  }
0x66: {  	[tilespmem:$0x7980] =	vst v2  }
0x67: {  	[tilespmem:$0x7A00] =	vst v2  }
0x68: {  	[tilespmem:$0x7A80] =	vst v2  }
0x69: {  	[tilespmem:$0x7B00] =	vst v2  }
0x6a: {  	[tilespmem:$0x7B80] =	vst v2  }
0x6b: {  	[tilespmem:$0x7C00] =	vst v2  }
0x6c: {  	[tilespmem:$0x7C80] =	vst v2  }
0x6d: {  	[tilespmem:$0x7D00] =	vst v2  }
0x6e: {  	[tilespmem:$0x7D80] =	vst v2  }
0x6f: {  	[tilespmem:$0x7E00] =	vst v2  }
0x70: {  	[tilespmem:$0x7E80] =	vst v2  }
0x71: {  	[tilespmem:$0x7F00] =	vst v2  }
0x72: {  	[tilespmem:$0x7F80] =	vst v2  }
0x73: {  	[tilespmem:$0x8000] =	vst v2  }
0x74: {  	[tilespmem:$0x8080] =	vst v2  }
0x75: {  	[tilespmem:$0x8100] =	vst v2  }
0x76: {  	[tilespmem:$0x8180] =	vst v2  }
0x77: {  	[tilespmem:$0x8200] =	vst v2  }
0x78: {  	[tilespmem:$0x8280] =	vst v2  }
0x79: {  	[tilespmem:$0x8300] =	vst v2  }
0x7a: {  	[tilespmem:$0x8380] =	vst v2  }
0x7b: {  	[tilespmem:$0x8400] =	vst v2  }
0x7c: {  	[tilespmem:$0x8480] =	vst v2  }
0x7d: {  	[tilespmem:$0x8500] =	vst v2  }
0x7e: {  	[tilespmem:$0x8580] =	vst v2  }
0x7f: {  	[tilespmem:$0x8600] =	vst v2  }
0x80: {  	[tilespmem:$0x8680] =	vst v2  }
0x81: {  	[tilespmem:$0x8700] =	vst v2  }
0x82: {  	[tilespmem:$0x8780] =	vst v2  }
0x83: {  	[tilespmem:$0x8800] =	vst v2  }
0x84: {  	[tilespmem:$0x8880] =	vst v2  }
0x85: {  	[tilespmem:$0x8900] =	vst v2  }
0x86: {  	[tilespmem:$0x8980] =	vst v2  }
0x87: {  	[tilespmem:$0x8A00] =	vst v2  }
0x88: {  	[tilespmem:$0x8A80] =	vst v2  }
0x89: {  	[tilespmem:$0x8B00] =	vst v2  }
0x8a: {  	[tilespmem:$0x8B80] =	vst v2  }
0x8b: {  	[tilespmem:$0x8C00] =	vst v2  }
0x8c: {  	[tilespmem:$0x8C80] =	vst v2  }
0x8d: {  	[tilespmem:$0x8D00] =	vst v2  }
0x8e: {  	[tilespmem:$0x8D80] =	vst v2  }
0x8f: {  	[tilespmem:$0x8E00] =	vst v2  }
0x90: {  	[tilespmem:$0x8E80] =	vst v2  }
0x91: {  	[tilespmem:$0x8F00] =	vst v2  }
0x92: {  	[tilespmem:$0x8F80] =	vst v2  }
0x93: {  	[tilespmem:$0x9000] =	vst v2  }
0x94: {  	[tilespmem:$0x9080] =	vst v2  }
0x95: {  	[tilespmem:$0x9100] =	vst v2  }
0x96: {  	[tilespmem:$0x9180] =	vst v2  }
0x97: {  	[tilespmem:$0x9200] =	vst v2  }
0x98: {  	[tilespmem:$0x9280] =	vst v2  }
0x99: {  	[tilespmem:$0x9300] =	vst v2  }
0x9a: {  	[tilespmem:$0x9380] =	vst v2  }
0x9b: {  	[tilespmem:$0x9400] =	vst v2  }
0x9c: {  	[tilespmem:$0x9480] =	vst v2  }
0x9d: {  	[tilespmem:$0x9500] =	vst v2  }
0x9e: {  	[tilespmem:$0x9580] =	vst v2  }
0x9f: {  	[tilespmem:$0x9600] =	vst v2  }
0xa0: {  	[tilespmem:$0x9680] =	vst v2  }
0xa1: {  	[tilespmem:$0x9700] =	vst v2  }
0xa2: {  	[tilespmem:$0x9780] =	vst v2  }
0xa3: {  	[tilespmem:$0x9800] =	vst v2  }
0xa4: {  	[tilespmem:$0x9880] =	vst v2  }
0xa5: {  	[tilespmem:$0x9900] =	vst v2  }
0xa6: {  	[tilespmem:$0x9980] =	vst v2  }
0xa7: {  	[tilespmem:$0x9A00] =	vst v2  }
0xa8: {  	[tilespmem:$0x9A80] =	vst v2  }
0xa9: {  	[tilespmem:$0x9B00] =	vst v2  }
0xaa: {  	[tilespmem:$0x9B80] =	vst v2  }
0xab: {  	[tilespmem:$0x9C00] =	vst v2  }
0xac: {  	[tilespmem:$0x9C80] =	vst v2  }
0xad: {  	[tilespmem:$0x9D00] =	vst v2  }
0xae: {  	[tilespmem:$0x9D80] =	vst v2  }
0xaf: {  	[tilespmem:$0x9E00] =	vst v2  }
0xb0: {  	[tilespmem:$0x9E80] =	vst v2  }
0xb1: {  	[tilespmem:$0x9F00] =	vst v2  }
0xb2: {  	[tilespmem:$0x9F80] =	vst v2  }
0xb3: {  	[tilespmem:$0xA000] =	vst v2  }
0xb4: {  	[tilespmem:$0xA080] =	vst v2;
	s0 =	rddreg [dreg:$0x6]  }
0xb5: {  	[tilespmem:s22], [sflag:$0x2] =	stream.linear.gather [hbm4b:s0+s5], $0x2800, $0x38;
	[tilespmem:$0x15548] =	vst v63  }
0xb6: {  	_ =	swait.ge [sflag:s23], $0x2800  }
0xb7: {  	[sflag:s23] =	ssyncset.done $0x0  }
0xb8: {  	[sflag:s23] =	ssyncadd.s32 $0xFFFFD800  }
0xb9: {  	[spmem:s7] =	stream.linear.scatter [tilespmem:s22], [sflag:$0x2], $0x2800, $0x38;
	[tilespmem:$0x15548] =	vst v63  }
0xba: {  	_ =	swait.ge [sflag:s23], $0x2800  }
0xbb: {  	[sflag:s23] =	ssyncset.done $0x0  }
0xbc: {  	[sflag:s23] =	ssyncadd.s32 $0xFFFFD800  }
0xbd: {  	[spmem:s8] =	stream.linear.scatter [tilespmem:s24], [sflag:$0x2], $0x2800, $0x38;
	[tilespmem:$0x15548] =	vst v63  }
0xbe: {  	_ =	swait.ge [sflag:s23], $0x2800  }
0xbf: {  	[sflag:s23] =	ssyncset.done $0x0  }
0xc0: {  	[sflag:s23] =	ssyncadd.s32 $0xFFFFD800  }
0xc1: {  	[spmem:s9] =	stream.linear.scatter [tilespmem:s22], [sflag:$0x2], $0x2800, $0x38;
	[tilespmem:$0x15548] =	vst v63  }
0xc2: {  	_ =	swait.ge [sflag:s23], $0x2800  }
0xc3: {  	[sflag:s23] =	ssyncset.done $0x0  }
0xc4: {  	[sflag:s23] =	ssyncadd.s32 $0xFFFFD800  }
0xc5: {  	[spmem:s10] =	stream.linear.scatter [tilespmem:s24], [sflag:$0x2], $0x2800, $0x38;
	[tilespmem:$0x15548] =	vst v63  }
0xc6: {  	_ =	swait.ge [sflag:s23], $0x2800  }
0xc7: {  	[sflag:s23] =	ssyncset.done $0x0  }
0xc8: {  	[sflag:s23] =	ssyncadd.s32 $0xFFFFD800  }
0xc9: {  	[spmem:s11] =	stream.linear.scatter [tilespmem:s22], [sflag:$0x2], $0x2800, $0x38;
	[tilespmem:$0x15548] =	vst v63  }
0xca: {  	_ =	swait.ge [sflag:s23], $0x2800  }
0xcb: {  	[sflag:s23] =	ssyncset.done $0x0  }
0xcc: {  	[sflag:s23] =	ssyncadd.s32 $0xFFFFD800  }
0xcd: {  	[spmem:s12] =	stream.linear.scatter [tilespmem:s24], [sflag:$0x2], $0x2800, $0x38;
	[tilespmem:$0x15548] =	vst v63  }
0xce: {  	_ =	swait.ge [sflag:s23], $0x2800  }
0xcf: {  	[sflag:s23] =	ssyncset.done $0x0  }
0xd0: {  	[sflag:s23] =	ssyncadd.s32 $0xFFFFD800  }
0xd1: {  	[spmem:s13] =	stream.linear.scatter [tilespmem:s22], [sflag:$0x2], $0x2800, $0x38;
	[tilespmem:$0x15548] =	vst v63  }
0xd2: {  	_ =	swait.ge [sflag:s23], $0x2800  }
0xd3: {  	[sflag:s23] =	ssyncset.done $0x0  }
0xd4: {  	[sflag:s23] =	ssyncadd.s32 $0xFFFFD800  }
0xd5: {  	[spmem:s14] =	stream.linear.scatter [tilespmem:s24], [sflag:$0x2], $0x2800, $0x38;
	[tilespmem:$0x15548] =	vst v63  }
0xd6: {  	_ =	swait.ge [sflag:s23], $0x2800  }
0xd7: {  	[sflag:s23] =	ssyncset.done $0x0  }
0xd8: {  	[sflag:s23] =	ssyncadd.s32 $0xFFFFD800  }
0xd9: {  	s6 =	sadd.s32 $0x0, s21;
	[bflag:$0x0] =	sbarrier.arrive $0xFFFF  }
0xda: {  	[tilespmem:s5], [sflag:$0x2] =	stream.linear.gather [hbm4b:s6+s5], $0x50, $0x38;
	[tilespmem:$0x15548] =	vst v63  }
0xdb: {  	_ =	swait.ge [sflag:s23], $0x50  }
0xdc: {  	[sflag:s23] =	ssyncset.done $0x0  }
0xdd: {  	s16 =	sadd.s32 $0x0, s20;
	[sflag:s23] =	ssyncadd.s32 $0xFFFFFFB0  }
0xde: {  	[tilespmem:s25], [sflag:$0x2] =	stream.linear.gather [hbm4b:s16+s5], $0x50, $0x38;
	[tilespmem:$0x15548] =	vst v63  }
0xdf: {  	_ =	swait.ge [sflag:s23], $0x50  }
0xe0: {  	[sflag:s23] =	ssyncset.done $0x0  }
0xe1: {  	[sflag:s23] =	ssyncadd.s32 $0xFFFFFFB0  }
0xe2: {  	[tilespmem:s28], [sflag:$0x1] =	stream.indirect.gather [hbm4b:s1+s26], $0x80, s5, s26, $0xb8;
	[tilespmem:$0x15548] =	vst v63  }
0xe3: {  	_ =	swait.ge [sflag:s29], $0x2800  }
0xe4: {  	[sflag:s29] =	ssyncset.done $0x0  }
0xe5: {  	[sflag:s29] =	ssyncadd.s32 $0xFFFFD800  }
0xe6: {  	v3 =	vld [tilespmem:$0xC0]  }
0xe7: {  	v4 =	vld [tilespmem:$0xB0]  }
0xe8: {  	v5 =	vld [tilespmem:$0xA0]  }
0xe9: {  	v7 =	vld [tilespmem:$0x80]  }
0xea: {  	v6 =	vld [tilespmem:$0x90]  }
0xeb: {  	v3 =	vsub.s32 v3, v0  }
0xec: {  	v4 =	vsub.s32 v4, v0;
	v3 =	vmin.u32 v3, $0x1400  }
0xed: {  	v5 =	vsub.s32 v5, v0;
	v4 =	vmin.u32 v4, $0x1400;
	[tilespmem:$0xC0] =	vst v3  }
0xee: {  	v63 =	vsub.s32 v7, v0;
	v5 =	vmin.u32 v5, $0x1400;
	[tilespmem:$0xB0] =	vst v4  }
0xef: {  	v3 =	vsub.s32 v6, v0;
	[tilespmem:$0xA0] =	vst v5;
	v4 =	vmin.u32 v63, $0x1400  }
0xf0: {  	v3 =	vmin.u32 v3, $0x1400;
	[tilespmem:$0x80] =	vst v4  }
0xf1: {  	[tilespmem:$0x90] =	vst v3  }
0xf2: {  	[spmem:s3] =	stream.indirect.scatter.add.f32 [tilespmem:s28], [sflag:$0x2], $0x80, s25, s26, $0xb8;
	[tilespmem:$0x15548] =	vst v63  }
0xf3: {  	_ =	swait.ge [sflag:s23], $0x2800  }
0xf4: {  	s0 =	simm.s32 $0xA;
	[sflag:s23] =	ssyncset.done $0x0  }
.LBB2_2:
0xf5: {  	p0 =	sne.s32 s0, $0x9BA  }
0xf6: {  	[sflag:s23] =	ssyncadd.s32 $0xFFFFD800;
	s2 =	smov.u32 s0;
	s0 =	sadd.s32 $0xA, s0  }
0xf7: {  	[spmem:s4] =	stream.indirect.scatter.add.f32 [tilespmem:s30], [sflag:$0x2], $0x10, s25, s26, $0xb8;
	[tilespmem:$0x15548] =	vst v63  }
0xf8: {  	_ =	swait.ge [sflag:s23], $0x500  }
0xf9: {  	[sflag:s23] =	ssyncset.done $0x0  }
0xfa: {  	s6 =	sadd.s32 s2, s21;
	[sflag:s23] =	ssyncadd.s32 $0xFFFFFB00  }
0xfb: {  	[tilespmem:s5], [sflag:$0x2] =	stream.linear.gather [hbm4b:s6+s5], $0x50, $0x38;
	[tilespmem:$0x15548] =	vst v63  }
0xfc: {  	_ =	swait.ge [sflag:s23], $0x50  }
0xfd: {  	[sflag:s23] =	ssyncset.done $0x0  }
0xfe: {  	s2 =	sadd.s32 s2, s20;
	[sflag:s23] =	ssyncadd.s32 $0xFFFFFFB0  }
0xff: {  	[tilespmem:s25], [sflag:$0x2] =	stream.linear.gather [hbm4b:s2+s5], $0x50, $0x38;
	[tilespmem:$0x15548] =	vst v63  }
0x100: {  	_ =	swait.ge [sflag:s23], $0x50  }
0x101: {  	[sflag:s23] =	ssyncset.done $0x0  }
0x102: {  	[sflag:s23] =	ssyncadd.s32 $0xFFFFFFB0  }
0x103: {  	[tilespmem:s28], [sflag:$0x1] =	stream.indirect.gather [hbm4b:s1+s26], $0x80, s5, s26, $0xb8;
	[tilespmem:$0x15548] =	vst v63  }
0x104: {  	_ =	swait.ge [sflag:s29], $0x2800  }
0x105: {  	[sflag:s29] =	ssyncset.done $0x0  }
0x106: {  	[sflag:s29] =	ssyncadd.s32 $0xFFFFD800  }
0x107: {  	v3 =	vld [tilespmem:$0xC0]  }
0x108: {  	v4 =	vld [tilespmem:$0xB0]  }
0x109: {  	v5 =	vld [tilespmem:$0xA0]  }
0x10a: {  	v6 =	vld [tilespmem:$0x90]  }
0x10b: {  	v7 =	vld [tilespmem:$0x80]  }
0x10c: {  	v3 =	vsub.s32 v3, v0  }
0x10d: {  	v4 =	vsub.s32 v4, v0;
	v3 =	vmin.u32 v3, $0x1400  }
0x10e: {  	v5 =	vsub.s32 v5, v0;
	v4 =	vmin.u32 v4, $0x1400;
	[tilespmem:$0xC0] =	vst v3  }
0x10f: {  	v3 =	vsub.s32 v6, v0;
	v5 =	vmin.u32 v5, $0x1400;
	[tilespmem:$0xB0] =	vst v4  }
0x110: {  	v4 =	vsub.s32 v7, v0;
	v3 =	vmin.u32 v3, $0x1400;
	[tilespmem:$0xA0] =	vst v5  }
.Ltmp0:
0x111: {  	v4 =	vmin.u32 v4, $0x1400;
	[tilespmem:$0x90] =	vst v3;
	(pc) =	sbr.rel @p0 .LBB2_2-.Ltmp0, $4  }
0x112: {  	[tilespmem:$0x80] =	vst v4  }
0x113: {  	[spmem:s3] =	stream.indirect.scatter.add.f32 [tilespmem:s28], [sflag:$0x2], $0x80, s25, s26, $0xb8;
	[tilespmem:$0x15548] =	vst v63  }
0x114: {  	_ =	swait.ge [sflag:s23], $0x2800  }
0x115: {  	[sflag:s23] =	ssyncset.done $0x0  }
0x116: {  	[sflag:s23] =	ssyncadd.s32 $0xFFFFD800  }
0x117: {  	[spmem:s4] =	stream.indirect.scatter.add.f32 [tilespmem:s30], [sflag:$0x2], $0x10, s25, s26, $0xb8;
	[tilespmem:$0x15548] =	vst v63  }
0x118: {  	_ =	swait.ge [sflag:s23], $0x500  }
0x119: {  	[sflag:s23] =	ssyncset.done $0x0  }
0x11a: {  	[sflag:s23] =	ssyncadd.s32 $0xFFFFFB00  }
0x11b: {  	[bflag:$0x0] =	sbarrier.arrive $0xFFFF  }
0x11c: {  	[tilespmem:s22], [sflag:$0x2] =	stream.linear.gather [spmem:s7], $0x2800, $0x38;
	[tilespmem:$0x15548] =	vst v63  }
0x11d: {  	_ =	swait.ge [sflag:s23], $0x2800  }
0x11e: {  	[sflag:s23] =	ssyncset.done $0x0  }
0x11f: {  	[sflag:s23] =	ssyncadd.s32 $0xFFFFD800  }
0x120: {  	[tilespmem:s24], [sflag:$0x2] =	stream.linear.gather [spmem:s8], $0x2800, $0x38;
	[tilespmem:$0x15548] =	vst v63  }
0x121: {  	_ =	swait.ge [sflag:s23], $0x2800  }
0x122: {  	[sflag:s23] =	ssyncset.done $0x0  }
0x123: {  	s2 =	simm.s32 $0x0;
	[sflag:s23] =	ssyncadd.s32 $0xFFFFD800  }
0x124: {  	v3 =	vld [tilespmem:s2+$0x7900];
	_ =	sdelay $0x4  }
0x125: {  	v3 =	vmax.f32 v3, $1.000000000e+00  }
0x126: {  	s0 =	simm.s32 $0x80;
	(erf) = vrcp.f32 v3  }
0x127: {  	v3 =	vld [tilespmem:s0+$0x7900];
	_ =	sdelay $0x2  }
0x128: {  	v8 =	vld [tilespmem:s2+$0x5100]  }
0x129: {  	v9 =	vld [tilespmem:s2+$0x5110]  }
0x12a: {  	v7 =	vld [tilespmem:s2+$0x5120];
	v3 =	vmax.f32 v3, $1.000000000e+00  }
0x12b: {  	v5 =	vld [tilespmem:s2+$0x5130]  }
0x12c: {  	v6 =	vld [tilespmem:s2+$0x5140]  }
0x12d: {  	v4 =	vld [tilespmem:s2+$0x5150];
	(erf) = vrcp.f32 v3;
	v3 =	vpop (erf)  }
0x12e: {  	s6 =	simm.s32 $0x400;
	v10 =	vmul.f32 v3, v8;
	v9 =	vmul.f32 v9, v3;
	v8 =	vld [tilespmem:s2+$0x5160]  }
.LBB2_4:
0x12f: {  	s16 =	sshra.s32 s6, $0x2;
	p0 =	sne.s32 s6, $0x9E00;
	s6 =	sadd.s32 $0x200, s6;
	v7 =	vmul.f32 v7, v3;
	v11 =	vld [tilespmem:s2+$0x5170]  }
0x130: {  	v12 =	vld [tilespmem:s16+$0x7900];
	[tilespmem:s2+$0x5100] =	vst v10;
	v5 =	vmul.f32 v5, v3  }
0x131: {  	v10 =	vld [tilespmem:s0+$0x5100];
	[tilespmem:s2+$0x5110] =	vst v9;
	v6 =	vmul.f32 v6, v3  }
0x132: {  	v9 =	vld [tilespmem:s0+$0x5110];
	[tilespmem:s2+$0x5120] =	vst v7;
	v4 =	vmul.f32 v4, v3  }
.Ltmp1:
0x133: {  	v7 =	vld [tilespmem:s0+$0x5120];
	[tilespmem:s2+$0x5130] =	vst v5;
	v8 =	vmul.f32 v8, v3;
	(pc) =	sbr.rel @p0 .LBB2_4-.Ltmp1, $4  }
0x134: {  	v5 =	vld [tilespmem:s0+$0x5130];
	[tilespmem:s2+$0x5140] =	vst v6;
	v11 =	vmul.f32 v11, v3  }
0x135: {  	v12 =	vmax.f32 v12, $1.000000000e+00;
	v6 =	vld [tilespmem:s0+$0x5140];
	[tilespmem:s2+$0x5150] =	vst v4  }
0x136: {  	(erf) = vrcp.f32 v12;
	v4 =	vld [tilespmem:s0+$0x5150];
	v3 =	vpop (erf);
	[tilespmem:s2+$0x5160] =	vst v8  }
0x137: {  	v10 =	vmul.f32 v3, v10;
	v9 =	vmul.f32 v9, v3;
	v8 =	vld [tilespmem:s0+$0x5160];
	[tilespmem:s2+$0x5170] =	vst v11;
	s2 =	smov.u32 s0;
	s0 =	smov.u32 s16  }
0x138: {  	_ =	sdelay $0x1  }
0x139: {  	v11 =	vld [tilespmem:s2+$0x5170];
	v7 =	vmul.f32 v7, v3;
	[tilespmem:s2+$0x5100] =	vst v10  }
0x13a: {  	v5 =	vmul.f32 v5, v3;
	v10 =	vld [tilespmem:s0+$0x5100];
	[tilespmem:s2+$0x5110] =	vst v9  }
0x13b: {  	v6 =	vmul.f32 v6, v3;
	v9 =	vld [tilespmem:s0+$0x5110];
	[tilespmem:s2+$0x5120] =	vst v7;
	v8 =	vmul.f32 v8, v3  }
0x13c: {  	v4 =	vmul.f32 v4, v3;
	v7 =	vld [tilespmem:s0+$0x5120];
	[tilespmem:s2+$0x5130] =	vst v5  }
0x13d: {  	v5 =	vld [tilespmem:s0+$0x5130];
	[tilespmem:s2+$0x5140] =	vst v6  }
0x13e: {  	v6 =	vld [tilespmem:s0+$0x5140];
	[tilespmem:s2+$0x5150] =	vst v4  }
0x13f: {  	v3 =	vmul.f32 v11, v3;
	v4 =	vld [tilespmem:s0+$0x5150];
	[tilespmem:s2+$0x5160] =	vst v8;
	v8 =	vpop (erf)  }
0x140: {  	v10 =	vmul.f32 v8, v10  }
0x141: {  	v11 =	vld [tilespmem:s0+$0x5160];
	[tilespmem:s2+$0x5170] =	vst v3;
	v3 =	vmul.f32 v9, v8  }
0x142: {  	v9 =	vld [tilespmem:s0+$0x5170];
	v7 =	vmul.f32 v7, v8;
	[tilespmem:s0+$0x5100] =	vst v10  }
0x143: {  	v5 =	vmul.f32 v5, v8;
	[tilespmem:s0+$0x5110] =	vst v3  }
0x144: {  	v3 =	vmul.f32 v6, v8;
	[tilespmem:s0+$0x5120] =	vst v7  }
0x145: {  	v4 =	vmul.f32 v4, v8;
	[tilespmem:s0+$0x5130] =	vst v5  }
0x146: {  	v5 =	vmul.f32 v11, v8;
	[tilespmem:s0+$0x5140] =	vst v3  }
0x147: {  	v3 =	vmul.f32 v9, v8;
	[tilespmem:s0+$0x5150] =	vst v4  }
0x148: {  	[tilespmem:s0+$0x5160] =	vst v5  }
0x149: {  	s16 =	simm.s32 $0x0;
	[tilespmem:s0+$0x5170] =	vst v3  }
0x14a: {  	[hbm4b:s15+s16] =	stream.linear.scatter [tilespmem:s22], [sflag:$0x2], $0x2800, $0x38;
	[tilespmem:$0x15548] =	vst v63  }
0x14b: {  	_ =	swait.ge [sflag:s23], $0x2800  }
0x14c: {  	[sflag:s23] =	ssyncset.done $0x0  }
0x14d: {  	[sflag:s23] =	ssyncadd.s32 $0xFFFFD800  }
0x14e: {  	[tilespmem:s22], [sflag:$0x2] =	stream.linear.gather [spmem:s9], $0x2800, $0x38;
	[tilespmem:$0x15548] =	vst v63  }
0x14f: {  	_ =	swait.ge [sflag:s23], $0x2800  }
0x150: {  	[sflag:s23] =	ssyncset.done $0x0  }
0x151: {  	[sflag:s23] =	ssyncadd.s32 $0xFFFFD800  }
0x152: {  	[tilespmem:s24], [sflag:$0x2] =	stream.linear.gather [spmem:s10], $0x2800, $0x38;
	[tilespmem:$0x15548] =	vst v63  }
0x153: {  	_ =	swait.ge [sflag:s23], $0x2800  }
0x154: {  	[sflag:s23] =	ssyncset.done $0x0  }
0x155: {  	s2 =	simm.s32 $0x0;
	[sflag:s23] =	ssyncadd.s32 $0xFFFFD800  }
0x156: {  	v3 =	vld [tilespmem:s2+$0x7900];
	_ =	sdelay $0x4  }
0x157: {  	v3 =	vmax.f32 v3, $1.000000000e+00  }
0x158: {  	s0 =	simm.s32 $0x80;
	(erf) = vrcp.f32 v3  }
0x159: {  	v3 =	vld [tilespmem:s0+$0x7900];
	_ =	sdelay $0x2  }
0x15a: {  	v8 =	vld [tilespmem:s2+$0x5100]  }
0x15b: {  	v9 =	vld [tilespmem:s2+$0x5110]  }
0x15c: {  	v7 =	vld [tilespmem:s2+$0x5120];
	v3 =	vmax.f32 v3, $1.000000000e+00  }
0x15d: {  	v5 =	vld [tilespmem:s2+$0x5130]  }
0x15e: {  	v6 =	vld [tilespmem:s2+$0x5140]  }
0x15f: {  	v4 =	vld [tilespmem:s2+$0x5150];
	(erf) = vrcp.f32 v3;
	v3 =	vpop (erf)  }
0x160: {  	s6 =	simm.s32 $0x400;
	v10 =	vmul.f32 v3, v8;
	v9 =	vmul.f32 v9, v3;
	v8 =	vld [tilespmem:s2+$0x5160]  }
.LBB2_6:
0x161: {  	s16 =	sshra.s32 s6, $0x2;
	p0 =	sne.s32 s6, $0x9E00;
	s6 =	sadd.s32 $0x200, s6;
	v7 =	vmul.f32 v7, v3;
	v11 =	vld [tilespmem:s2+$0x5170]  }
0x162: {  	v12 =	vld [tilespmem:s16+$0x7900];
	[tilespmem:s2+$0x5100] =	vst v10;
	v5 =	vmul.f32 v5, v3  }
0x163: {  	v10 =	vld [tilespmem:s0+$0x5100];
	[tilespmem:s2+$0x5110] =	vst v9;
	v6 =	vmul.f32 v6, v3  }
0x164: {  	v9 =	vld [tilespmem:s0+$0x5110];
	[tilespmem:s2+$0x5120] =	vst v7;
	v4 =	vmul.f32 v4, v3  }
.Ltmp2:
0x165: {  	v7 =	vld [tilespmem:s0+$0x5120];
	[tilespmem:s2+$0x5130] =	vst v5;
	v8 =	vmul.f32 v8, v3;
	(pc) =	sbr.rel @p0 .LBB2_6-.Ltmp2, $4  }
0x166: {  	v5 =	vld [tilespmem:s0+$0x5130];
	[tilespmem:s2+$0x5140] =	vst v6;
	v11 =	vmul.f32 v11, v3  }
0x167: {  	v12 =	vmax.f32 v12, $1.000000000e+00;
	v6 =	vld [tilespmem:s0+$0x5140];
	[tilespmem:s2+$0x5150] =	vst v4  }
0x168: {  	(erf) = vrcp.f32 v12;
	v4 =	vld [tilespmem:s0+$0x5150];
	v3 =	vpop (erf);
	[tilespmem:s2+$0x5160] =	vst v8  }
0x169: {  	v10 =	vmul.f32 v3, v10;
	v9 =	vmul.f32 v9, v3;
	v8 =	vld [tilespmem:s0+$0x5160];
	[tilespmem:s2+$0x5170] =	vst v11;
	s2 =	smov.u32 s0;
	s0 =	smov.u32 s16  }
0x16a: {  	_ =	sdelay $0x1  }
0x16b: {  	v11 =	vld [tilespmem:s2+$0x5170];
	v7 =	vmul.f32 v7, v3;
	[tilespmem:s2+$0x5100] =	vst v10  }
0x16c: {  	v5 =	vmul.f32 v5, v3;
	v10 =	vld [tilespmem:s0+$0x5100];
	[tilespmem:s2+$0x5110] =	vst v9  }
0x16d: {  	v6 =	vmul.f32 v6, v3;
	v9 =	vld [tilespmem:s0+$0x5110];
	[tilespmem:s2+$0x5120] =	vst v7;
	v8 =	vmul.f32 v8, v3  }
0x16e: {  	v4 =	vmul.f32 v4, v3;
	v7 =	vld [tilespmem:s0+$0x5120];
	[tilespmem:s2+$0x5130] =	vst v5  }
0x16f: {  	v5 =	vld [tilespmem:s0+$0x5130];
	[tilespmem:s2+$0x5140] =	vst v6  }
0x170: {  	v6 =	vld [tilespmem:s0+$0x5140];
	[tilespmem:s2+$0x5150] =	vst v4  }
0x171: {  	v3 =	vmul.f32 v11, v3;
	v4 =	vld [tilespmem:s0+$0x5150];
	[tilespmem:s2+$0x5160] =	vst v8;
	v8 =	vpop (erf)  }
0x172: {  	v10 =	vmul.f32 v8, v10  }
0x173: {  	v11 =	vld [tilespmem:s0+$0x5160];
	[tilespmem:s2+$0x5170] =	vst v3;
	v3 =	vmul.f32 v9, v8  }
0x174: {  	v9 =	vld [tilespmem:s0+$0x5170];
	v7 =	vmul.f32 v7, v8;
	[tilespmem:s0+$0x5100] =	vst v10  }
0x175: {  	v5 =	vmul.f32 v5, v8;
	[tilespmem:s0+$0x5110] =	vst v3  }
0x176: {  	v3 =	vmul.f32 v6, v8;
	[tilespmem:s0+$0x5120] =	vst v7  }
0x177: {  	v4 =	vmul.f32 v4, v8;
	[tilespmem:s0+$0x5130] =	vst v5  }
0x178: {  	v5 =	vmul.f32 v11, v8;
	[tilespmem:s0+$0x5140] =	vst v3  }
0x179: {  	v3 =	vmul.f32 v9, v8;
	[tilespmem:s0+$0x5150] =	vst v4  }
0x17a: {  	[tilespmem:s0+$0x5160] =	vst v5  }
0x17b: {  	s6 =	simm.s32 $0x0;
	s16 =	rddreg [dreg:$0x7];
	[tilespmem:s0+$0x5170] =	vst v3  }
0x17c: {  	[hbm4b:s16+s6] =	stream.linear.scatter [tilespmem:s22], [sflag:$0x2], $0x2800, $0x38;
	[tilespmem:$0x15548] =	vst v63  }
0x17d: {  	_ =	swait.ge [sflag:s23], $0x2800  }
0x17e: {  	[sflag:s23] =	ssyncset.done $0x0  }
0x17f: {  	[sflag:s23] =	ssyncadd.s32 $0xFFFFD800  }
0x180: {  	[tilespmem:s22], [sflag:$0x2] =	stream.linear.gather [spmem:s11], $0x2800, $0x38;
	[tilespmem:$0x15548] =	vst v63  }
0x181: {  	_ =	swait.ge [sflag:s23], $0x2800  }
0x182: {  	[sflag:s23] =	ssyncset.done $0x0  }
0x183: {  	[sflag:s23] =	ssyncadd.s32 $0xFFFFD800  }
0x184: {  	[tilespmem:s24], [sflag:$0x2] =	stream.linear.gather [spmem:s12], $0x2800, $0x38;
	[tilespmem:$0x15548] =	vst v63  }
0x185: {  	_ =	swait.ge [sflag:s23], $0x2800  }
0x186: {  	[sflag:s23] =	ssyncset.done $0x0  }
0x187: {  	s2 =	simm.s32 $0x0;
	[sflag:s23] =	ssyncadd.s32 $0xFFFFD800  }
0x188: {  	v3 =	vld [tilespmem:s2+$0x7900];
	_ =	sdelay $0x4  }
0x189: {  	v3 =	vmax.f32 v3, $1.000000000e+00  }
0x18a: {  	s0 =	simm.s32 $0x80;
	(erf) = vrcp.f32 v3  }
0x18b: {  	v3 =	vld [tilespmem:s0+$0x7900];
	_ =	sdelay $0x2  }
0x18c: {  	v8 =	vld [tilespmem:s2+$0x5100]  }
0x18d: {  	v9 =	vld [tilespmem:s2+$0x5110]  }
0x18e: {  	v7 =	vld [tilespmem:s2+$0x5120];
	v3 =	vmax.f32 v3, $1.000000000e+00  }
0x18f: {  	v5 =	vld [tilespmem:s2+$0x5130]  }
0x190: {  	v6 =	vld [tilespmem:s2+$0x5140]  }
0x191: {  	v4 =	vld [tilespmem:s2+$0x5150];
	(erf) = vrcp.f32 v3;
	v3 =	vpop (erf)  }
0x192: {  	s6 =	simm.s32 $0x400;
	v10 =	vmul.f32 v3, v8;
	v9 =	vmul.f32 v9, v3;
	v8 =	vld [tilespmem:s2+$0x5160]  }
.LBB2_8:
0x193: {  	s16 =	sshra.s32 s6, $0x2;
	p0 =	sne.s32 s6, $0x9E00;
	s6 =	sadd.s32 $0x200, s6;
	v7 =	vmul.f32 v7, v3;
	v11 =	vld [tilespmem:s2+$0x5170]  }
0x194: {  	v12 =	vld [tilespmem:s16+$0x7900];
	[tilespmem:s2+$0x5100] =	vst v10;
	v5 =	vmul.f32 v5, v3  }
0x195: {  	v10 =	vld [tilespmem:s0+$0x5100];
	[tilespmem:s2+$0x5110] =	vst v9;
	v6 =	vmul.f32 v6, v3  }
0x196: {  	v9 =	vld [tilespmem:s0+$0x5110];
	[tilespmem:s2+$0x5120] =	vst v7;
	v4 =	vmul.f32 v4, v3  }
.Ltmp3:
0x197: {  	v7 =	vld [tilespmem:s0+$0x5120];
	[tilespmem:s2+$0x5130] =	vst v5;
	v8 =	vmul.f32 v8, v3;
	(pc) =	sbr.rel @p0 .LBB2_8-.Ltmp3, $4  }
0x198: {  	v5 =	vld [tilespmem:s0+$0x5130];
	[tilespmem:s2+$0x5140] =	vst v6;
	v11 =	vmul.f32 v11, v3  }
0x199: {  	v12 =	vmax.f32 v12, $1.000000000e+00;
	v6 =	vld [tilespmem:s0+$0x5140];
	[tilespmem:s2+$0x5150] =	vst v4  }
0x19a: {  	(erf) = vrcp.f32 v12;
	v4 =	vld [tilespmem:s0+$0x5150];
	v3 =	vpop (erf);
	[tilespmem:s2+$0x5160] =	vst v8  }
0x19b: {  	v10 =	vmul.f32 v3, v10;
	v9 =	vmul.f32 v9, v3;
	v8 =	vld [tilespmem:s0+$0x5160];
	[tilespmem:s2+$0x5170] =	vst v11;
	s2 =	smov.u32 s0;
	s0 =	smov.u32 s16  }
0x19c: {  	_ =	sdelay $0x1  }
0x19d: {  	v11 =	vld [tilespmem:s2+$0x5170];
	v7 =	vmul.f32 v7, v3;
	[tilespmem:s2+$0x5100] =	vst v10  }
0x19e: {  	v5 =	vmul.f32 v5, v3;
	v10 =	vld [tilespmem:s0+$0x5100];
	[tilespmem:s2+$0x5110] =	vst v9  }
0x19f: {  	v6 =	vmul.f32 v6, v3;
	v9 =	vld [tilespmem:s0+$0x5110];
	[tilespmem:s2+$0x5120] =	vst v7;
	v8 =	vmul.f32 v8, v3  }
0x1a0: {  	v4 =	vmul.f32 v4, v3;
	v7 =	vld [tilespmem:s0+$0x5120];
	[tilespmem:s2+$0x5130] =	vst v5  }
0x1a1: {  	v5 =	vld [tilespmem:s0+$0x5130];
	[tilespmem:s2+$0x5140] =	vst v6  }
0x1a2: {  	v6 =	vld [tilespmem:s0+$0x5140];
	[tilespmem:s2+$0x5150] =	vst v4  }
0x1a3: {  	v3 =	vmul.f32 v11, v3;
	v4 =	vld [tilespmem:s0+$0x5150];
	[tilespmem:s2+$0x5160] =	vst v8;
	v8 =	vpop (erf)  }
0x1a4: {  	v10 =	vmul.f32 v8, v10  }
0x1a5: {  	v11 =	vld [tilespmem:s0+$0x5160];
	[tilespmem:s2+$0x5170] =	vst v3;
	v3 =	vmul.f32 v9, v8  }
0x1a6: {  	v9 =	vld [tilespmem:s0+$0x5170];
	v7 =	vmul.f32 v7, v8;
	[tilespmem:s0+$0x5100] =	vst v10  }
0x1a7: {  	v5 =	vmul.f32 v5, v8;
	[tilespmem:s0+$0x5110] =	vst v3  }
0x1a8: {  	v3 =	vmul.f32 v6, v8;
	[tilespmem:s0+$0x5120] =	vst v7  }
0x1a9: {  	v4 =	vmul.f32 v4, v8;
	[tilespmem:s0+$0x5130] =	vst v5  }
0x1aa: {  	v5 =	vmul.f32 v11, v8;
	[tilespmem:s0+$0x5140] =	vst v3  }
0x1ab: {  	v3 =	vmul.f32 v9, v8;
	[tilespmem:s0+$0x5150] =	vst v4  }
0x1ac: {  	[tilespmem:s0+$0x5160] =	vst v5  }
0x1ad: {  	s16 =	simm.s32 $0x0;
	[tilespmem:s0+$0x5170] =	vst v3  }
0x1ae: {  	[hbm4b:s17+s16] =	stream.linear.scatter [tilespmem:s22], [sflag:$0x2], $0x2800, $0x38;
	[tilespmem:$0x15548] =	vst v63  }
0x1af: {  	_ =	swait.ge [sflag:s23], $0x2800  }
0x1b0: {  	[sflag:s23] =	ssyncset.done $0x0  }
0x1b1: {  	[sflag:s23] =	ssyncadd.s32 $0xFFFFD800  }
0x1b2: {  	[tilespmem:s22], [sflag:$0x2] =	stream.linear.gather [spmem:s13], $0x2800, $0x38;
	[tilespmem:$0x15548] =	vst v63  }
0x1b3: {  	_ =	swait.ge [sflag:s23], $0x2800  }
0x1b4: {  	[sflag:s23] =	ssyncset.done $0x0  }
0x1b5: {  	[sflag:s23] =	ssyncadd.s32 $0xFFFFD800  }
0x1b6: {  	[tilespmem:s24], [sflag:$0x2] =	stream.linear.gather [spmem:s14], $0x2800, $0x38;
	[tilespmem:$0x15548] =	vst v63  }
0x1b7: {  	_ =	swait.ge [sflag:s23], $0x2800  }
0x1b8: {  	[sflag:s23] =	ssyncset.done $0x0  }
0x1b9: {  	s2 =	simm.s32 $0x0;
	[sflag:s23] =	ssyncadd.s32 $0xFFFFD800  }
0x1ba: {  	v3 =	vld [tilespmem:s2+$0x7900];
	_ =	sdelay $0x4  }
0x1bb: {  	v3 =	vmax.f32 v3, $1.000000000e+00  }
0x1bc: {  	s0 =	simm.s32 $0x80;
	(erf) = vrcp.f32 v3  }
0x1bd: {  	v3 =	vld [tilespmem:s0+$0x7900];
	_ =	sdelay $0x2  }
0x1be: {  	v8 =	vld [tilespmem:s2+$0x5100]  }
0x1bf: {  	v9 =	vld [tilespmem:s2+$0x5110]  }
0x1c0: {  	v7 =	vld [tilespmem:s2+$0x5120];
	v3 =	vmax.f32 v3, $1.000000000e+00  }
0x1c1: {  	v5 =	vld [tilespmem:s2+$0x5130]  }
0x1c2: {  	v6 =	vld [tilespmem:s2+$0x5140]  }
0x1c3: {  	v4 =	vld [tilespmem:s2+$0x5150];
	(erf) = vrcp.f32 v3;
	v3 =	vpop (erf)  }
0x1c4: {  	s6 =	simm.s32 $0x400;
	v10 =	vmul.f32 v3, v8;
	v9 =	vmul.f32 v9, v3;
	v8 =	vld [tilespmem:s2+$0x5160]  }
.LBB2_10:
0x1c5: {  	s16 =	sshra.s32 s6, $0x2;
	p0 =	sne.s32 s6, $0x9E00;
	s6 =	sadd.s32 $0x200, s6;
	v7 =	vmul.f32 v7, v3;
	v11 =	vld [tilespmem:s2+$0x5170]  }
0x1c6: {  	v12 =	vld [tilespmem:s16+$0x7900];
	[tilespmem:s2+$0x5100] =	vst v10;
	v5 =	vmul.f32 v5, v3  }
0x1c7: {  	v10 =	vld [tilespmem:s0+$0x5100];
	[tilespmem:s2+$0x5110] =	vst v9;
	v6 =	vmul.f32 v6, v3  }
0x1c8: {  	v9 =	vld [tilespmem:s0+$0x5110];
	[tilespmem:s2+$0x5120] =	vst v7;
	v4 =	vmul.f32 v4, v3  }
.Ltmp4:
0x1c9: {  	v7 =	vld [tilespmem:s0+$0x5120];
	[tilespmem:s2+$0x5130] =	vst v5;
	v8 =	vmul.f32 v8, v3;
	(pc) =	sbr.rel @p0 .LBB2_10-.Ltmp4, $4  }
0x1ca: {  	v5 =	vld [tilespmem:s0+$0x5130];
	[tilespmem:s2+$0x5140] =	vst v6;
	v11 =	vmul.f32 v11, v3  }
0x1cb: {  	v12 =	vmax.f32 v12, $1.000000000e+00;
	v6 =	vld [tilespmem:s0+$0x5140];
	[tilespmem:s2+$0x5150] =	vst v4  }
0x1cc: {  	(erf) = vrcp.f32 v12;
	v4 =	vld [tilespmem:s0+$0x5150];
	v3 =	vpop (erf);
	[tilespmem:s2+$0x5160] =	vst v8  }
0x1cd: {  	v10 =	vmul.f32 v3, v10;
	v9 =	vmul.f32 v9, v3;
	v8 =	vld [tilespmem:s0+$0x5160];
	[tilespmem:s2+$0x5170] =	vst v11;
	s2 =	smov.u32 s0;
	s0 =	smov.u32 s16  }
0x1ce: {  	_ =	sdelay $0x1  }
0x1cf: {  	v11 =	vld [tilespmem:s2+$0x5170];
	v7 =	vmul.f32 v7, v3;
	[tilespmem:s2+$0x5100] =	vst v10  }
0x1d0: {  	v5 =	vmul.f32 v5, v3;
	v10 =	vld [tilespmem:s0+$0x5100];
	[tilespmem:s2+$0x5110] =	vst v9  }
0x1d1: {  	v6 =	vmul.f32 v6, v3;
	v9 =	vld [tilespmem:s0+$0x5110];
	[tilespmem:s2+$0x5120] =	vst v7  }
0x1d2: {  	v4 =	vmul.f32 v4, v3;
	v7 =	vld [tilespmem:s0+$0x5120];
	[tilespmem:s2+$0x5130] =	vst v5  }
0x1d3: {  	v8 =	vmul.f32 v8, v3;
	v5 =	vld [tilespmem:s0+$0x5130];
	[tilespmem:s2+$0x5140] =	vst v6  }
0x1d4: {  	v3 =	vmul.f32 v11, v3;
	v6 =	vld [tilespmem:s0+$0x5140];
	[tilespmem:s2+$0x5150] =	vst v4;
	v60 =	vpop (erf)  }
0x1d5: {  	v4 =	vld [tilespmem:s0+$0x5150];
	[tilespmem:s2+$0x5160] =	vst v8;
	v10 =	vmul.f32 v60, v10  }
0x1d6: {  	v61 =	vld [tilespmem:s0+$0x5160];
	[tilespmem:s2+$0x5170] =	vst v3;
	v3 =	vmul.f32 v9, v60  }
0x1d7: {  	v62 =	vld [tilespmem:s0+$0x5170];
	v7 =	vmul.f32 v7, v60;
	[tilespmem:s0+$0x5100] =	vst v10  }
0x1d8: {  	v5 =	vmul.f32 v5, v60;
	[tilespmem:s0+$0x5110] =	vst v3  }
0x1d9: {  	v3 =	vmul.f32 v6, v60;
	[tilespmem:s0+$0x5120] =	vst v7  }
0x1da: {  	v4 =	vmul.f32 v4, v60;
	[tilespmem:s0+$0x5130] =	vst v5  }
0x1db: {  	v63 =	vmul.f32 v61, v60;
	[tilespmem:s0+$0x5140] =	vst v3  }
0x1dc: {  	s31 =	sadd.s32 $0x1, s31;
	v3 =	vmul.f32 v62, v60;
	[tilespmem:s0+$0x5150] =	vst v4  }
0x1dd: {  	p0 =	sne.s32 s31, s19;
	[tilespmem:s0+$0x5160] =	vst v63  }
.Ltmp5:
0x1de: {  	[tilespmem:s0+$0x5170] =	vst v3;
	(pc) =	sbr.rel @p0 .LBB2_1-.Ltmp5, $4  }
0x1df: {  	[hbm4b:s18+s5] =	stream.linear.scatter [tilespmem:s22], [sflag:$0x2], $0x2800, $0x38;
	[tilespmem:$0x15548] =	vst v63  }
0x1e0: {  	_ =	swait.ge [sflag:s23], $0x2800  }
0x1e1: {  	[sflag:s23] =	ssyncset.done $0x0  }
0x1e2: {  	[sflag:s23] =	ssyncadd.s32 $0xFFFFD800  }
0x1e3: {  	_ =	sfence.sel $0x180000  }
0x1e4: {  	[bflag:$0x0] =	sbarrier.arrive $0xFFFF  }
0x1e5: {  	_ =	strace $0x90000047  }
0x1e6: {  	s0 =	stileid.u32;
	[bflag:$0x2] =	sbarrier.arrive $0xFFFF  }
0x1e7: {  	p0 =	sne.s32 s0, $0x0;
	s0 =	rddreg [dreg:$0x5]  }
0x1e8: {  	s0 =	sadd.s32 @!p0 $0x100000, s0  }
0x1e9: {  	[sflag:s0] =	ssyncadd.tile.s32 @!p0 $0x1;
	_ =	shalt  }
.Lfunc_end2:
_tile_overlayer_lowered:
.L_overlay_start_2:
0x1ea: {  	(tag) =	ssettag $0x2  }
0x1eb: {  	s0 =	rddreg [dreg:$0x0];
	s2 =	stileid.u32  }
0x1ec: {  	s1 =	rddreg [dreg:$0x1];
	p0 =	sne.s32 s2, $0x0  }
0x1ed: {  	s3 =	rddreg [dreg:$0x2];
	[bflag:$0x3] =	sbarrier.arrive $0xFFFF;
	s2 =	simm.s32 @!p0 $0x1C02  }
0x1ee: {  	[timem:s3], [sflag:s2] =	dma.local @!p0 [hbm:s0], s1  }
0x1ef: {  	s0 =	simm.s32 @!p0 $0x2  }
0x1f0: {  	_ =	swait.ge @!p0 [sflag:s0], s1  }
0x1f1: {  	s1 =	ssub.s32 @!p0 $0x0, s1;
	[sflag:s0] =	ssyncset.done @!p0 $0x0  }
0x1f2: {  	[sflag:s0] =	ssyncadd.s32 @!p0 s1  }
0x1f3: {  	[bflag:$0x3] =	sbarrier.arrive $0xFFFF  }
0x1f4: {  	_ =	shalt  }

</sc_bundles>
